<compile_context>
chip_gen: v7x
topology: tpu7x:2x2x1
jax: 0.10.2.dev20260603
libtpu: 0.0.44.dev20260713+nightly
codegen_flags: <defaults>
</compile_context>

<pallas_src>
import functools

import jax
import jax.numpy as jnp
from jax import lax
from jax.experimental import pallas as pl
from jax.experimental.pallas import tpu as pltpu
from jax.experimental.pallas import tpu_sc as plsc

N = 10000
E = 160000
D = 128
DMID = 64
MAXZ = 100
NL = 2
NMU = 6
F = NMU + 1
MU_MIN, MU_MAX, STEP = 0.0, 5.0, 1.0
KCAL2MEV = 43.3641
SIGN = -1.0
NINV = 1.0 / (float(N) ** 0.5)

NC = 2
NS = 16
NW = NC * NS
EW = 5120
EP = NW * EW
CH = 128
G = 4
GCH = G * CH
NCHUNK = EW // GCH
GS = 2
GSCH = GS * CH
NCHUNKS = EW // GSCH
NP = 10112
NPS = NP // NS

def _mesh():
    return plsc.VectorSubcoreMesh(core_axis_name="c", subcore_axis_name="s",
                                  num_cores=NC, num_subcores=NS)


def _wid():
    return lax.axis_index("s") * NC + lax.axis_index("c")


def _r2_body(posx_hbm, posy_hbm, posz_hbm, srcg_hbm, dstg_hbm, r2_hbm,
             px_v, py_v, pz_v, si_v, di_v, r2_v):
    wid = _wid()
    pltpu.sync_copy(posx_hbm, px_v)
    pltpu.sync_copy(posy_hbm, py_v)
    pltpu.sync_copy(posz_hbm, pz_v)

    @pl.loop(0, NCHUNKS)
    def _chunk(j):
        pltpu.sync_copy(srcg_hbm.at[wid, j], si_v)
        pltpu.sync_copy(dstg_hbm.at[wid, j], di_v)
        for gi in range(GS):
            for k in range(CH // 16):
                s16 = si_v[gi, pl.ds(k * 16, 16)]
                d16 = di_v[gi, pl.ds(k * 16, 16)]
                dx = (plsc.load_gather(px_v, [s16])
                      - plsc.load_gather(px_v, [d16]))
                dy = (plsc.load_gather(py_v, [s16])
                      - plsc.load_gather(py_v, [d16]))
                dz = (plsc.load_gather(pz_v, [s16])
                      - plsc.load_gather(pz_v, [d16]))
                r2_v[gi, pl.ds(k * 16, 16)] = dx * dx + dy * dy + dz * dz
        pltpu.sync_copy(r2_v, r2_hbm.at[wid, j])


def _sc_r2(posx, posy, posz, srcg, dstg):
    return pl.kernel(
        _r2_body,
        out_type=jax.ShapeDtypeStruct((NW, NCHUNKS, GS, CH), jnp.float32),
        mesh=_mesh(),
        compiler_params=pltpu.CompilerParams(needs_layout_passes=False),
        scratch_types=[
            pltpu.VMEM((N,), jnp.float32),
            pltpu.VMEM((N,), jnp.float32),
            pltpu.VMEM((N,), jnp.float32),
            pltpu.VMEM((GS, CH), jnp.int32),
            pltpu.VMEM((GS, CH), jnp.int32),
            pltpu.VMEM((GS, CH), jnp.float32),
        ],
    )(posx, posy, posz, srcg, dstg)


YSP = 640


def _gather_body(dstg_hbm, ybf_hbm, out_hbm, idx_v, rows_v, ysh, sem):
    s = lax.axis_index("s")
    wid = _wid()

    @pl.when(s < NS - 1)
    def _():
        pltpu.sync_copy(ybf_hbm.at[pl.ds(s * YSP, YSP)],
                        ysh.at[pl.ds(s * YSP, YSP)])

    @pl.when(s == NS - 1)
    def _():
        pltpu.sync_copy(ybf_hbm.at[pl.ds((NS - 1) * YSP, N - (NS - 1) * YSP)],
                        ysh.at[pl.ds((NS - 1) * YSP, N - (NS - 1) * YSP)])

    plsc.subcore_barrier()

    @pl.loop(0, NCHUNKS)
    def _chunk(j):
        pltpu.sync_copy(dstg_hbm.at[wid, j], idx_v)
        descs = [
            pltpu.async_copy(ysh.at[idx_v.at[g]],
                             rows_v.at[pl.ds(g * CH, CH)], sem)
            for g in range(GS)
        ]
        for d in descs:
            d.wait()
        pltpu.sync_copy(rows_v, out_hbm.at[pl.ds(wid * EW + j * GSCH, GSCH)])


def _sc_gather(dstg, ybf32):
    return pl.kernel(
        _gather_body,
        out_type=jax.ShapeDtypeStruct((EP, D // 2), jnp.int32),
        mesh=_mesh(),
        compiler_params=pltpu.CompilerParams(needs_layout_passes=False,
                                             use_tc_tiling_on_sc=False),
        scratch_types=[
            pltpu.VMEM((GS, CH), jnp.int32),
            pltpu.VMEM((GSCH, D // 2), jnp.int32),
            pltpu.VMEM_SHARED((N, D // 2), jnp.int32),
            pltpu.SemaphoreType.DMA,
        ],
    )(dstg, ybf32)


def _scatter_body(srcg_hbm, oute_hbm, zeros_hbm, part_hbm,
                  idx_v, rows_v, agg_sh, sem):
    c = lax.axis_index("c")
    s = lax.axis_index("s")
    wid = s * NC + c
    pltpu.sync_copy(zeros_hbm.at[pl.ds(s * NPS, NPS)],
                    agg_sh.at[pl.ds(s * NPS, NPS)])
    plsc.subcore_barrier()

    @pl.loop(0, NCHUNKS)
    def _chunk(j):
        pltpu.sync_copy(srcg_hbm.at[wid, j], idx_v)
        pltpu.sync_copy(oute_hbm.at[pl.ds(wid * EW + j * GSCH, GSCH)], rows_v)
        descs = [
            pltpu.async_copy(rows_v.at[pl.ds(g * CH, CH)],
                             agg_sh.at[idx_v.at[g]], sem, add=True)
            for g in range(GS)
        ]
        for d in descs:
            d.wait()

    plsc.subcore_barrier()
    pltpu.sync_copy(agg_sh.at[pl.ds(s * NPS, NPS)],
                    part_hbm.at[c, pl.ds(s * NPS, NPS)])


def _sc_scatter(srcg, oute, zeros_nd):
    return pl.kernel(
        _scatter_body,
        out_type=jax.ShapeDtypeStruct((NC, NP, D), jnp.float32),
        mesh=_mesh(),
        compiler_params=pltpu.CompilerParams(needs_layout_passes=False),
        scratch_types=[
            pltpu.VMEM((GS, CH), jnp.int32),
            pltpu.VMEM((GSCH, D), jnp.float32),
            pltpu.VMEM_SHARED((NP, D), jnp.float32),
            pltpu.SemaphoreType.DMA,
        ],
    )(srcg, oute, zeros_nd)


BZ = 1000


def _embed_body(z_ref, we_ref, be_ref, x_ref, xbf_ref):
    zb = z_ref[0]
    iota = lax.broadcasted_iota(jnp.int32, (MAXZ, BZ), 0)
    oh = (iota == zb).astype(jnp.float32)
    x = lax.dot_general(oh, we_ref[...], (((0,), (0,)), ((), ())),
                        preferred_element_type=jnp.float32)
    x = x + be_ref[...]
    x_ref[...] = x
    xbf_ref[...] = x.astype(jnp.bfloat16)


def _tc_embed(z3, w_embed, b_embed2):
    return pl.pallas_call(
        _embed_body,
        grid=(N // BZ,),
        in_specs=[
            pl.BlockSpec((1, 1, BZ), lambda i: (i, 0, 0)),
            pl.BlockSpec((MAXZ, D), lambda i: (0, 0)),
            pl.BlockSpec((1, D), lambda i: (0, 0)),
        ],
        out_specs=[pl.BlockSpec((BZ, D), lambda i: (i, 0)),
                   pl.BlockSpec((BZ, D), lambda i: (i, 0))],
        out_shape=[jax.ShapeDtypeStruct((N, D), jnp.float32),
                   jax.ShapeDtypeStruct((N, D), jnp.bfloat16)],
    )(z3, w_embed, b_embed2)


BE = 2048
_MUS = [MU_MIN + i * (MU_MAX - MU_MIN) / (NMU - 1) for i in range(NMU)]


def _edge_body(ydst_ref, r2_ref, w_ref, out_ref):
    i = pl.program_id(0)
    r = jnp.sqrt(r2_ref[...] + 1e-12)
    ydst = ydst_ref[...]
    w = w_ref[...]
    dn = (((1,), (0,)), ((), ()))
    out = lax.dot_general(ydst, w[NMU * D:(NMU + 1) * D, :], dn,
                          preferred_element_type=jnp.float32)
    for f in range(NMU):
        ef = jnp.exp(-0.5 * ((r - _MUS[f]) / STEP) ** 2)
        out = out + ef * lax.dot_general(
            ydst, w[f * D:(f + 1) * D, :], dn,
            preferred_element_type=jnp.float32)
    out = out * NINV
    out = out * (1.0 / (1.0 + jnp.exp(-out)))
    eidx = i * BE + lax.broadcasted_iota(jnp.int32, (BE, 1), 0)
    out_ref[...] = jnp.where(eidx < E, out, 0.0)


def _tc_edge(ydst, r2col, wstk_l):
    return pl.pallas_call(
        _edge_body,
        grid=(EP // BE,),
        in_specs=[
            pl.BlockSpec((BE, D), lambda i: (i, 0)),
            pl.BlockSpec((BE, 1), lambda i: (i, 0)),
            pl.BlockSpec((F * D, D), lambda i: (0, 0)),
        ],
        out_specs=pl.BlockSpec((BE, D), lambda i: (i, 0)),
        out_shape=jax.ShapeDtypeStruct((EP, D), jnp.float32),
    )(ydst, r2col, wstk_l)


BN = 1000


def _add_body(y_ref, p0_ref, p1_ref, o_ref, obf_ref):
    o = y_ref[...] + p0_ref[...] + p1_ref[...]
    o_ref[...] = o
    obf_ref[...] = o.astype(jnp.bfloat16)


def _tc_add(y, p0, p1):
    spec = pl.BlockSpec((BN, D), lambda i: (i, 0))
    return pl.pallas_call(
        _add_body,
        grid=(N // BN,),
        in_specs=[spec, spec, spec],
        out_specs=[spec, spec],
        out_shape=[jax.ShapeDtypeStruct((N, D), jnp.float32),
                   jax.ShapeDtypeStruct((N, D), jnp.bfloat16)],
    )(y, p0, p1)


def _readout_body(y_ref, p0_ref, p1_ref, w1_ref, b1_ref, w2_ref, b2_ref,
                  en_ref, y2_ref, r_ref, e_ref):
    i = pl.program_id(0)
    y2 = y_ref[...] + p0_ref[...] + p1_ref[...]
    y2_ref[...] = y2
    h = y2 @ w1_ref[...] + b1_ref[...]
    h = h * (1.0 / (1.0 + jnp.exp(-h)))
    s = jnp.sum(h @ w2_ref[...])

    @pl.when(i == 0)
    def _():
        r_ref[...] = float(N) * b2_ref[...]
        e_ref[...] = en_ref[...] * (KCAL2MEV * SIGN)

    r_ref[...] = r_ref[...] + s


def _tc_readout(y, p0, p1, w1, b1_2, w2, b2_2, en2):
    spec = pl.BlockSpec((BN, D), lambda i: (i, 0))
    one = lambda a, b: pl.BlockSpec((a, b), lambda i: (0, 0))
    return pl.pallas_call(
        _readout_body,
        grid=(N // BN,),
        in_specs=[spec, spec, spec,
                  one(D, DMID), one(1, DMID), one(DMID, 1), one(1, 1),
                  one(1, 1)],
        out_specs=[spec, one(1, 1), one(1, 1)],
        out_shape=[jax.ShapeDtypeStruct((N, D), jnp.float32),
                   jax.ShapeDtypeStruct((1, 1), jnp.float32),
                   jax.ShapeDtypeStruct((1, 1), jnp.float32)],
    )(y, p0, p1, w1, b1_2, w2, b2_2, en2)


def kernel(pos, energy, W_embed, b_embed, W_tp, W1, b1, W2, b2, z, src, dst):
    pos = pos.astype(jnp.float32)
    src = src.astype(jnp.int32)
    dst = dst.astype(jnp.int32)
    z = z.astype(jnp.int32)

    pad = jnp.zeros((EP - E,), jnp.int32)
    srcg = jnp.concatenate([src, pad]).reshape(NW, NCHUNKS, GS, CH)
    dstg = jnp.concatenate([dst, pad]).reshape(NW, NCHUNKS, GS, CH)
    posx, posy, posz = pos[:, 0], pos[:, 1], pos[:, 2]
    z3 = z.reshape(N // BZ, 1, BZ)
    wstk = W_tp.reshape(NL, F * D, D).astype(jnp.bfloat16)
    zeros_nd = jnp.zeros((NP, D), jnp.float32)

    r2 = _sc_r2(posx, posy, posz, srcg, dstg)
    r2col = r2.reshape(EP, 1)

    y, ybf = _tc_embed(z3, W_embed, b_embed.reshape(1, D))

    for l in range(NL):
        ybf32 = lax.bitcast_convert_type(
            ybf.reshape(N, D // 2, 2), jnp.int32)
        ydst32 = _sc_gather(dstg, ybf32)
        ydst = lax.bitcast_convert_type(ydst32, jnp.bfloat16).reshape(EP, D)
        oute = _tc_edge(ydst, r2col, wstk[l])
        part = _sc_scatter(srcg, oute, zeros_nd)[:, :N]
        if l < NL - 1:
            y, ybf = _tc_add(y, part[0], part[1])

    y2, r_out, e_out = _tc_readout(y, part[0], part[1], W1,
                                   b1.reshape(1, DMID), W2, b2.reshape(1, 1),
                                   energy.reshape(1, 1))
    return (y2, r_out.reshape(()), e_out.reshape((1,)))

# --- scband reference (transcript-rebuilt; emitter-appended) ---
"""Pipeline reference for scband-interaction-model-76897094467622 (READ-ONLY COPY).

The authoritative reference and input builder live on the scoring server;
editing this copy changes nothing except your own understanding.
"""

import jax, jax.numpy as jnp
import numpy as np

N = 10000
E = 160000
MAX_Z = 100
D = 128
DMID = 64
NL = 2
MU_MIN, MU_MAX, STEP = 0.0, 5.0, 1.0
NMU = int(np.ceil((MU_MAX - MU_MIN) / STEP) + 1)  # 6
F = NMU + 1  # gaussian bins + l=0 spherical harmonic
KCAL2MEV = 43.3641
SIGN = -1.0


def setup_inputs(seed: int = 0) -> dict:
    key = jax.random.key(seed)
    ks = jax.random.split(key, 10)
    z = jax.random.randint(ks[0], (N,), 0, MAX_Z)
    pos = jax.random.normal(ks[1], (N, 3), dtype=jnp.float32) * 5.0
    energy = jax.random.normal(ks[2], (1,), dtype=jnp.float32)
    src = jax.random.randint(ks[3], (E,), 0, N)
    dst = jax.random.randint(ks[4], (E,), 0, N)
    W_embed = jax.random.normal(ks[5], (MAX_Z, D), dtype=jnp.float32) / np.sqrt(MAX_Z)
    b_embed = jnp.zeros((D,), jnp.float32)
    # FullyConnectedTensorProduct over all-scalar irreps (Fx0e) x (Dx0e) -> (Dx0e)
    # reduces to a learned bilinear map with path normalization 1/sqrt(F*D).
    W_tp = jax.random.normal(ks[6], (NL, F, D, D), dtype=jnp.float32) / np.sqrt(F * D)
    W1 = jax.random.normal(ks[7], (D, DMID), dtype=jnp.float32) / np.sqrt(D)
    b1 = jnp.zeros((DMID,), jnp.float32)
    W2 = jax.random.normal(ks[8], (DMID, 1), dtype=jnp.float32) / np.sqrt(DMID)
    b2 = jnp.zeros((1,), jnp.float32)
    return dict(pos=pos, energy=energy, W_embed=W_embed, b_embed=b_embed,
                W_tp=W_tp, W1=W1, b1=b1, W2=W2, b2=b2, z=z, src=src, dst=dst)


def _gauss_expand(r):
    mu = jnp.linspace(MU_MIN, MU_MAX, NMU).reshape(1, 1, -1)
    d = r[:, None]
    ged = jnp.exp(-0.5 * ((d - mu) / STEP) ** 2)
    return jnp.squeeze(ged, 0)


def reference(pos, energy, W_embed, b_embed, W_tp, W1, b1, W2, b2, z, src, dst):
    # _preprocess (edge list provided externally instead of radius_graph)
    edges = pos[src] - pos[dst]
    r = jnp.sqrt(jnp.sum(edges * edges, axis=-1) + 1e-12)
    r_exp = _gauss_expand(r)
    sh = jnp.ones((src.shape[0], 1), jnp.float32)  # l=0 SH, component normalization
    edge_features = jnp.concatenate([r_exp, sh], axis=-1)  # [E, F]
    e = energy * KCAL2MEV * SIGN  # energy conversion (carried in data dict)
    # atomic embedding: one_hot -> Linear
    one_hot = jax.nn.one_hot(z, MAX_Z, dtype=jnp.float32)
    x = one_hot @ W_embed + b_embed
    y = x
    ninv = 1.0 / (float(N) ** 0.5)
    # interaction layers
    for l in range(NL):
        ydst = jnp.take(y, dst, axis=0)
        out = jnp.zeros((src.shape[0], D), jnp.float32)
        for f in range(F):
            out = out + edge_features[:, f:f + 1] * (ydst @ W_tp[l, f])
        out = out * ninv
        out = jax.nn.silu(out)
        agg = jnp.zeros_like(y).at[src].add(out)
        y = y + agg
    # readout
    h = jax.nn.silu(y @ W1 + b1)
    readout = jnp.sum(h @ W2 + b2)
    return (y, readout, e)

if __name__ == "__main__":
    import jax
    _d = setup_inputs()
    print(jax.jit(kernel)(*tuple(_d.values())))

</pallas_src>

<mosaic_0001>
#map = affine_map<(d0, d1) -> (0, 0, 0, 0)>
#map1 = affine_map<(d0, d1) -> (0, 0)>
module attributes {stable_mosaic.version = 14 : i64} {
  func.func @_gather_body(%arg0: i32, %arg1: i32, %arg2: memref<32x20x2x128xi32, #tpu.memory_space<hbm>>, %arg3: memref<10000x64xi32, #tpu.memory_space<hbm>>, %arg4: memref<163840x64xi32, #tpu.memory_space<hbm>>, %arg5: memref<2x128xi32, #tpu.memory_space<vmem>>, %arg6: memref<256x64xi32, #tpu.memory_space<vmem>>, %arg7: memref<10000x64xi32, #tpu.memory_space<vmem_shared>>, %arg8: memref<!tpu.dma_semaphore, #tpu.memory_space<semaphore_mem>>) attributes {dimension_semantics = [#tpu.dimension_semantics<core_parallel>, #tpu.dimension_semantics<subcore_parallel>], iteration_bounds = array<i64: 2, 16>, scalar_prefetch = 0 : i64, scratch_operands = 4 : i64, tpu.core_type = #tpu.core_type<sc_vector_subcore>, window_params = [{transform_indices = #map}, {transform_indices = #map1}, {transform_indices = #map1}]} {
    %mul3A = arith.constant 2 : i32
    %mul3A_0 = arith.muli %arg1, %mul3A : i32
    %add3A = arith.addi %mul3A_0, %arg0 : i32
    %lt3A = arith.constant 15 : i32
    %lt3A_1 = arith.cmpi slt, %arg1, %lt3A : i32
    %convert_element_type3A = arith.extui %lt3A_1 : i1 to i32
    %cond3A = arith.constant 0 : i32
    %cond3A_2 = arith.cmpi ne, %convert_element_type3A, %cond3A : i32
    scf.if %cond3A_2 {
      %mul3A_11 = arith.constant 640 : i32
      %mul3A_12 = arith.muli %arg1, %mul3A_11 : i32
      %mul3A_13 = arith.constant 640 : i32
      %mul3A_14 = arith.muli %arg1, %mul3A_13 : i32
      "tpu.region"() ({
        %run_scoped3A = tpu.sem_alloc : memref<!tpu.dma_semaphore, #tpu.memory_space<semaphore_mem>>
        %dma_start3A = arith.constant 0 : i32
        %dma_start3A_15 = tpu.memref_slice %arg7[%mul3A_14, %dma_start3A] : memref<10000x64xi32, #tpu.memory_space<vmem_shared>> -> memref<640x64xi32, #tpu.memory_space<vmem_shared>>
        %dma_start3A_16 = arith.constant 0 : i32
        %dma_start3A_17 = tpu.memref_slice %arg3[%mul3A_12, %dma_start3A_16] : memref<10000x64xi32, #tpu.memory_space<hbm>> -> memref<640x64xi32, #tpu.memory_space<hbm>>
        tpu.enqueue_dma source(%dma_start3A_17 : memref<640x64xi32, #tpu.memory_space<hbm>>) target(%dma_start3A_15 : memref<640x64xi32, #tpu.memory_space<vmem_shared>>) target_semaphore(%run_scoped3A : memref<!tpu.dma_semaphore, #tpu.memory_space<semaphore_mem>>)
        %dma_wait3A = arith.constant 0 : i32
        %dma_wait3A_18 = tpu.memref_slice %arg7[%mul3A_14, %dma_wait3A] : memref<10000x64xi32, #tpu.memory_space<vmem_shared>> -> memref<640x64xi32, #tpu.memory_space<vmem_shared>>
        %dma_wait3A_19 = arith.constant 0 : i32
        %dma_wait3A_20 = tpu.memref_slice %arg3[%mul3A_12, %dma_wait3A_19] : memref<10000x64xi32, #tpu.memory_space<hbm>> -> memref<640x64xi32, #tpu.memory_space<hbm>>
        tpu.wait_dma2 semaphore(%run_scoped3A : memref<!tpu.dma_semaphore, #tpu.memory_space<semaphore_mem>>) src(%dma_wait3A_20 : memref<640x64xi32, #tpu.memory_space<hbm>>) dst(%dma_wait3A_18 : memref<640x64xi32, #tpu.memory_space<vmem_shared>>)
        tpu.yield
      }) : () -> ()
    } else {
    }
    %eq3A = arith.constant 15 : i32
    %eq3A_3 = arith.cmpi eq, %arg1, %eq3A : i32
    %convert_element_type3A_4 = arith.extui %eq3A_3 : i1 to i32
    %cond3A_5 = arith.constant 0 : i32
    %cond3A_6 = arith.cmpi ne, %convert_element_type3A_4, %cond3A_5 : i32
    scf.if %cond3A_6 {
      "tpu.region"() ({
        %run_scoped3A = tpu.sem_alloc : memref<!tpu.dma_semaphore, #tpu.memory_space<semaphore_mem>>
        %dma_start3A = arith.constant 9600 : i32
        %dma_start3A_11 = arith.constant 0 : i32
        %dma_start3A_12 = tpu.memref_slice %arg7[%dma_start3A, %dma_start3A_11] : memref<10000x64xi32, #tpu.memory_space<vmem_shared>> -> memref<400x64xi32, #tpu.memory_space<vmem_shared>>
        %dma_start3A_13 = arith.constant 9600 : i32
        %dma_start3A_14 = arith.constant 0 : i32
        %dma_start3A_15 = tpu.memref_slice %arg3[%dma_start3A_13, %dma_start3A_14] : memref<10000x64xi32, #tpu.memory_space<hbm>> -> memref<400x64xi32, #tpu.memory_space<hbm>>
        tpu.enqueue_dma source(%dma_start3A_15 : memref<400x64xi32, #tpu.memory_space<hbm>>) target(%dma_start3A_12 : memref<400x64xi32, #tpu.memory_space<vmem_shared>>) target_semaphore(%run_scoped3A : memref<!tpu.dma_semaphore, #tpu.memory_space<semaphore_mem>>)
        %dma_wait3A = arith.constant 9600 : i32
        %dma_wait3A_16 = arith.constant 0 : i32
        %dma_wait3A_17 = tpu.memref_slice %arg7[%dma_wait3A, %dma_wait3A_16] : memref<10000x64xi32, #tpu.memory_space<vmem_shared>> -> memref<400x64xi32, #tpu.memory_space<vmem_shared>>
        %dma_wait3A_18 = arith.constant 9600 : i32
        %dma_wait3A_19 = arith.constant 0 : i32
        %dma_wait3A_20 = tpu.memref_slice %arg3[%dma_wait3A_18, %dma_wait3A_19] : memref<10000x64xi32, #tpu.memory_space<hbm>> -> memref<400x64xi32, #tpu.memory_space<hbm>>
        tpu.wait_dma2 semaphore(%run_scoped3A : memref<!tpu.dma_semaphore, #tpu.memory_space<semaphore_mem>>) src(%dma_wait3A_20 : memref<400x64xi32, #tpu.memory_space<hbm>>) dst(%dma_wait3A_17 : memref<400x64xi32, #tpu.memory_space<vmem_shared>>)
        tpu.yield
      }) : () -> ()
    } else {
    }
    %barrier3A = arith.constant 0 : index
    tpu.barrier barrier_id(%barrier3A)
    %scan3A = arith.constant 0 : i32
    %scan3A_7 = arith.constant 20 : i32
    %scan3A_8 = arith.addi %scan3A, %scan3A_7 : i32
    %scan3A_9 = arith.constant 1 : i32
    scf.for %scan3A_11 = %scan3A to %scan3A_8 step %scan3A_9  : i32 {
      %mul3A_12 = arith.constant 1 : i32
      %mul3A_13 = arith.muli %scan3A_11, %mul3A_12 : i32
      %add3A_14 = arith.constant 0 : i32
      %add3A_15 = arith.addi %add3A_14, %mul3A_13 : i32
      "tpu.region"() ({
        %run_scoped3A = tpu.sem_alloc : memref<!tpu.dma_semaphore, #tpu.memory_space<semaphore_mem>>
        %dma_start3A_59 = arith.constant 0 : i32
        %dma_start3A_60 = arith.constant 0 : i32
        %dma_start3A_61 = tpu.memref_slice %arg2[%add3A, %add3A_15, %dma_start3A_59, %dma_start3A_60] : memref<32x20x2x128xi32, #tpu.memory_space<hbm>> -> memref<1x1x2x128xi32, #tpu.memory_space<hbm>>
        %dma_start3A_62 = tpu.memref_squeeze %dma_start3A_61 : memref<1x1x2x128xi32, #tpu.memory_space<hbm>> -> memref<2x128xi32, #tpu.memory_space<hbm>>
        %dma_start3A_63 = arith.constant 0 : i32
        %dma_start3A_64 = arith.constant 0 : i32
        %dma_start3A_65 = tpu.memref_slice %arg2[%add3A, %add3A_15, %dma_start3A_63, %dma_start3A_64] : memref<32x20x2x128xi32, #tpu.memory_space<hbm>> -> memref<1x1x2x128xi32, #tpu.memory_space<hbm>>
        %dma_start3A_66 = tpu.memref_squeeze %dma_start3A_65 : memref<1x1x2x128xi32, #tpu.memory_space<hbm>> -> memref<2x128xi32, #tpu.memory_space<hbm>>
        tpu.enqueue_dma source(%dma_start3A_66 : memref<2x128xi32, #tpu.memory_space<hbm>>) target(%arg5 : memref<2x128xi32, #tpu.memory_space<vmem>>) target_semaphore(%run_scoped3A : memref<!tpu.dma_semaphore, #tpu.memory_space<semaphore_mem>>)
        %dma_wait3A_67 = arith.constant 0 : i32
        %dma_wait3A_68 = arith.constant 0 : i32
        %dma_wait3A_69 = tpu.memref_slice %arg2[%add3A, %add3A_15, %dma_wait3A_67, %dma_wait3A_68] : memref<32x20x2x128xi32, #tpu.memory_space<hbm>> -> memref<1x1x2x128xi32, #tpu.memory_space<hbm>>
        %dma_wait3A_70 = tpu.memref_squeeze %dma_wait3A_69 : memref<1x1x2x128xi32, #tpu.memory_space<hbm>> -> memref<2x128xi32, #tpu.memory_space<hbm>>
        %dma_wait3A_71 = arith.constant 0 : i32
        %dma_wait3A_72 = arith.constant 0 : i32
        %dma_wait3A_73 = tpu.memref_slice %arg2[%add3A, %add3A_15, %dma_wait3A_71, %dma_wait3A_72] : memref<32x20x2x128xi32, #tpu.memory_space<hbm>> -> memref<1x1x2x128xi32, #tpu.memory_space<hbm>>
        %dma_wait3A_74 = tpu.memref_squeeze %dma_wait3A_73 : memref<1x1x2x128xi32, #tpu.memory_space<hbm>> -> memref<2x128xi32, #tpu.memory_space<hbm>>
        tpu.wait_dma2 semaphore(%run_scoped3A : memref<!tpu.dma_semaphore, #tpu.memory_space<semaphore_mem>>) src(%dma_wait3A_74 : memref<2x128xi32, #tpu.memory_space<hbm>>) dst(%arg5 : memref<2x128xi32, #tpu.memory_space<vmem>>)
        tpu.yield
      }) : () -> ()
      %dma_start3A = arith.constant 0 : i32
      %dma_start3A_16 = arith.constant 0 : i32
      %dma_start3A_17 = arith.constant 0 : i32
      %dma_start3A_18 = tpu.memref_slice %arg6[%dma_start3A_16, %dma_start3A_17] : memref<256x64xi32, #tpu.memory_space<vmem>> -> memref<128x64xi32, #tpu.memory_space<vmem>>
      %dma_start3A_19 = arith.constant 0 : i32
      %dma_start3A_20 = tpu.memref_slice %arg5[%dma_start3A, %dma_start3A_19] : memref<2x128xi32, #tpu.memory_space<vmem>> -> memref<1x128xi32, #tpu.memory_space<vmem>>
      %dma_start3A_21 = tpu.memref_squeeze %dma_start3A_20 : memref<1x128xi32, #tpu.memory_space<vmem>> -> memref<128xi32, #tpu.memory_space<vmem>>
      %dma_start3A_22 = arith.constant 0 : i32
      %dma_start3A_23 = arith.constant 0 : i32
      %dma_start3A_24 = tpu.memref_slice %arg7[%dma_start3A_22, %dma_start3A_23] : memref<10000x64xi32, #tpu.memory_space<vmem_shared>> -> memref<10000x64xi32, #tpu.memory_space<vmem_shared>>
      tpu.enqueue_indirect_dma source(%dma_start3A_24 : memref<10000x64xi32, #tpu.memory_space<vmem_shared>>) target(%dma_start3A_18 : memref<128x64xi32, #tpu.memory_space<vmem>>) offsets(%dma_start3A_21 : memref<128xi32, #tpu.memory_space<vmem>>) semaphore(%arg8 : memref<!tpu.dma_semaphore, #tpu.memory_space<semaphore_mem>>)
      %dma_start3A_25 = arith.constant 1 : i32
      %dma_start3A_26 = arith.constant 128 : i32
      %dma_start3A_27 = arith.constant 0 : i32
      %dma_start3A_28 = tpu.memref_slice %arg6[%dma_start3A_26, %dma_start3A_27] : memref<256x64xi32, #tpu.memory_space<vmem>> -> memref<128x64xi32, #tpu.memory_space<vmem>>
      %dma_start3A_29 = arith.constant 0 : i32
      %dma_start3A_30 = tpu.memref_slice %arg5[%dma_start3A_25, %dma_start3A_29] : memref<2x128xi32, #tpu.memory_space<vmem>> -> memref<1x128xi32, #tpu.memory_space<vmem>>
      %dma_start3A_31 = tpu.memref_squeeze %dma_start3A_30 : memref<1x128xi32, #tpu.memory_space<vmem>> -> memref<128xi32, #tpu.memory_space<vmem>>
      %dma_start3A_32 = arith.constant 0 : i32
      %dma_start3A_33 = arith.constant 0 : i32
      %dma_start3A_34 = tpu.memref_slice %arg7[%dma_start3A_32, %dma_start3A_33] : memref<10000x64xi32, #tpu.memory_space<vmem_shared>> -> memref<10000x64xi32, #tpu.memory_space<vmem_shared>>
      tpu.enqueue_indirect_dma source(%dma_start3A_34 : memref<10000x64xi32, #tpu.memory_space<vmem_shared>>) target(%dma_start3A_28 : memref<128x64xi32, #tpu.memory_space<vmem>>) offsets(%dma_start3A_31 : memref<128xi32, #tpu.memory_space<vmem>>) semaphore(%arg8 : memref<!tpu.dma_semaphore, #tpu.memory_space<semaphore_mem>>)
      %dma_wait3A = arith.constant 0 : i32
      %dma_wait3A_35 = arith.constant 0 : i32
      %dma_wait3A_36 = arith.constant 0 : i32
      %dma_wait3A_37 = tpu.memref_slice %arg6[%dma_wait3A_35, %dma_wait3A_36] : memref<256x64xi32, #tpu.memory_space<vmem>> -> memref<128x64xi32, #tpu.memory_space<vmem>>
      %dma_wait3A_38 = arith.constant 0 : i32
      %dma_wait3A_39 = tpu.memref_slice %arg5[%dma_wait3A, %dma_wait3A_38] : memref<2x128xi32, #tpu.memory_space<vmem>> -> memref<1x128xi32, #tpu.memory_space<vmem>>
      %dma_wait3A_40 = tpu.memref_squeeze %dma_wait3A_39 : memref<1x128xi32, #tpu.memory_space<vmem>> -> memref<128xi32, #tpu.memory_space<vmem>>
      %dma_wait3A_41 = arith.constant 0 : i32
      %dma_wait3A_42 = arith.constant 0 : i32
      %dma_wait3A_43 = tpu.memref_slice %arg7[%dma_wait3A_41, %dma_wait3A_42] : memref<10000x64xi32, #tpu.memory_space<vmem_shared>> -> memref<10000x64xi32, #tpu.memory_space<vmem_shared>>
      tpu.wait_indirect_dma semaphore(%arg8 : memref<!tpu.dma_semaphore, #tpu.memory_space<semaphore_mem>>) src(%dma_wait3A_43 : memref<10000x64xi32, #tpu.memory_space<vmem_shared>>) dst(%dma_wait3A_37 : memref<128x64xi32, #tpu.memory_space<vmem>>)
      %dma_wait3A_44 = arith.constant 1 : i32
      %dma_wait3A_45 = arith.constant 128 : i32
      %dma_wait3A_46 = arith.constant 0 : i32
      %dma_wait3A_47 = tpu.memref_slice %arg6[%dma_wait3A_45, %dma_wait3A_46] : memref<256x64xi32, #tpu.memory_space<vmem>> -> memref<128x64xi32, #tpu.memory_space<vmem>>
      %dma_wait3A_48 = arith.constant 0 : i32
      %dma_wait3A_49 = tpu.memref_slice %arg5[%dma_wait3A_44, %dma_wait3A_48] : memref<2x128xi32, #tpu.memory_space<vmem>> -> memref<1x128xi32, #tpu.memory_space<vmem>>
      %dma_wait3A_50 = tpu.memref_squeeze %dma_wait3A_49 : memref<1x128xi32, #tpu.memory_space<vmem>> -> memref<128xi32, #tpu.memory_space<vmem>>
      %dma_wait3A_51 = arith.constant 0 : i32
      %dma_wait3A_52 = arith.constant 0 : i32
      %dma_wait3A_53 = tpu.memref_slice %arg7[%dma_wait3A_51, %dma_wait3A_52] : memref<10000x64xi32, #tpu.memory_space<vmem_shared>> -> memref<10000x64xi32, #tpu.memory_space<vmem_shared>>
      tpu.wait_indirect_dma semaphore(%arg8 : memref<!tpu.dma_semaphore, #tpu.memory_space<semaphore_mem>>) src(%dma_wait3A_53 : memref<10000x64xi32, #tpu.memory_space<vmem_shared>>) dst(%dma_wait3A_47 : memref<128x64xi32, #tpu.memory_space<vmem>>)
      %mul3A_54 = arith.constant 5120 : i32
      %mul3A_55 = arith.muli %add3A, %mul3A_54 : i32
      %mul3A_56 = arith.constant 256 : i32
      %mul3A_57 = arith.muli %add3A_15, %mul3A_56 : i32
      %add3A_58 = arith.addi %mul3A_55, %mul3A_57 : i32
      "tpu.region"() ({
        %run_scoped3A = tpu.sem_alloc : memref<!tpu.dma_semaphore, #tpu.memory_space<semaphore_mem>>
        %dma_start3A_59 = arith.constant 0 : i32
        %dma_start3A_60 = tpu.memref_slice %arg4[%add3A_58, %dma_start3A_59] : memref<163840x64xi32, #tpu.memory_space<hbm>> -> memref<256x64xi32, #tpu.memory_space<hbm>>
        %dma_start3A_61 = arith.constant 0 : i32
        %dma_start3A_62 = tpu.memref_slice %arg4[%add3A_58, %dma_start3A_61] : memref<163840x64xi32, #tpu.memory_space<hbm>> -> memref<256x64xi32, #tpu.memory_space<hbm>>
        tpu.enqueue_dma source(%arg6 : memref<256x64xi32, #tpu.memory_space<vmem>>) target(%dma_start3A_62 : memref<256x64xi32, #tpu.memory_space<hbm>>) target_semaphore(%run_scoped3A : memref<!tpu.dma_semaphore, #tpu.memory_space<semaphore_mem>>)
        %dma_wait3A_63 = arith.constant 0 : i32
        %dma_wait3A_64 = tpu.memref_slice %arg4[%add3A_58, %dma_wait3A_63] : memref<163840x64xi32, #tpu.memory_space<hbm>> -> memref<256x64xi32, #tpu.memory_space<hbm>>
        %dma_wait3A_65 = arith.constant 0 : i32
        %dma_wait3A_66 = tpu.memref_slice %arg4[%add3A_58, %dma_wait3A_65] : memref<163840x64xi32, #tpu.memory_space<hbm>> -> memref<256x64xi32, #tpu.memory_space<hbm>>
        tpu.wait_dma2 semaphore(%run_scoped3A : memref<!tpu.dma_semaphore, #tpu.memory_space<semaphore_mem>>) src(%arg6 : memref<256x64xi32, #tpu.memory_space<vmem>>) dst(%dma_wait3A_66 : memref<256x64xi32, #tpu.memory_space<hbm>>)
        tpu.yield
      }) : () -> ()
    }
    %scan3A_10 = arith.constant 20 : i32
    return
  }
}

#map = affine_map<(d0, d1) -> (0)>
#map1 = affine_map<(d0, d1) -> (0, 0, 0, 0)>
module attributes {stable_mosaic.version = 14 : i64} {
  func.func @_r2_body(%arg0: i32, %arg1: i32, %arg2: memref<10000xf32, #tpu.memory_space<hbm>>, %arg3: memref<10000xf32, #tpu.memory_space<hbm>>, %arg4: memref<10000xf32, #tpu.memory_space<hbm>>, %arg5: memref<32x20x2x128xi32, #tpu.memory_space<hbm>>, %arg6: memref<32x20x2x128xi32, #tpu.memory_space<hbm>>, %arg7: memref<32x20x2x128xf32, #tpu.memory_space<hbm>>, %arg8: memref<10000xf32, #tpu.memory_space<vmem>>, %arg9: memref<10000xf32, #tpu.memory_space<vmem>>, %arg10: memref<10000xf32, #tpu.memory_space<vmem>>, %arg11: memref<2x128xi32, #tpu.memory_space<vmem>>, %arg12: memref<2x128xi32, #tpu.memory_space<vmem>>, %arg13: memref<2x128xf32, #tpu.memory_space<vmem>>) attributes {dimension_semantics = [#tpu.dimension_semantics<core_parallel>, #tpu.dimension_semantics<subcore_parallel>], iteration_bounds = array<i64: 2, 16>, scalar_prefetch = 0 : i64, scratch_operands = 6 : i64, tpu.core_type = #tpu.core_type<sc_vector_subcore>, window_params = [{transform_indices = #map}, {transform_indices = #map}, {transform_indices = #map}, {transform_indices = #map1}, {transform_indices = #map1}, {transform_indices = #map1}]} {
    %mul3A = arith.constant 2 : i32
    %mul3A_0 = arith.muli %arg1, %mul3A : i32
    %add3A = arith.addi %mul3A_0, %arg0 : i32
    "tpu.region"() ({
      %run_scoped3A = tpu.sem_alloc : memref<!tpu.dma_semaphore, #tpu.memory_space<semaphore_mem>>
      tpu.enqueue_dma source(%arg2 : memref<10000xf32, #tpu.memory_space<hbm>>) target(%arg8 : memref<10000xf32, #tpu.memory_space<vmem>>) target_semaphore(%run_scoped3A : memref<!tpu.dma_semaphore, #tpu.memory_space<semaphore_mem>>)
      tpu.wait_dma2 semaphore(%run_scoped3A : memref<!tpu.dma_semaphore, #tpu.memory_space<semaphore_mem>>) src(%arg2 : memref<10000xf32, #tpu.memory_space<hbm>>) dst(%arg8 : memref<10000xf32, #tpu.memory_space<vmem>>)
      tpu.yield
    }) : () -> ()
    "tpu.region"() ({
      %run_scoped3A = tpu.sem_alloc : memref<!tpu.dma_semaphore, #tpu.memory_space<semaphore_mem>>
      tpu.enqueue_dma source(%arg3 : memref<10000xf32, #tpu.memory_space<hbm>>) target(%arg9 : memref<10000xf32, #tpu.memory_space<vmem>>) target_semaphore(%run_scoped3A : memref<!tpu.dma_semaphore, #tpu.memory_space<semaphore_mem>>)
      tpu.wait_dma2 semaphore(%run_scoped3A : memref<!tpu.dma_semaphore, #tpu.memory_space<semaphore_mem>>) src(%arg3 : memref<10000xf32, #tpu.memory_space<hbm>>) dst(%arg9 : memref<10000xf32, #tpu.memory_space<vmem>>)
      tpu.yield
    }) : () -> ()
    "tpu.region"() ({
      %run_scoped3A = tpu.sem_alloc : memref<!tpu.dma_semaphore, #tpu.memory_space<semaphore_mem>>
      tpu.enqueue_dma source(%arg4 : memref<10000xf32, #tpu.memory_space<hbm>>) target(%arg10 : memref<10000xf32, #tpu.memory_space<vmem>>) target_semaphore(%run_scoped3A : memref<!tpu.dma_semaphore, #tpu.memory_space<semaphore_mem>>)
      tpu.wait_dma2 semaphore(%run_scoped3A : memref<!tpu.dma_semaphore, #tpu.memory_space<semaphore_mem>>) src(%arg4 : memref<10000xf32, #tpu.memory_space<hbm>>) dst(%arg10 : memref<10000xf32, #tpu.memory_space<vmem>>)
      tpu.yield
    }) : () -> ()
    %scan3A = arith.constant 0 : i32
    %scan3A_1 = arith.constant 20 : i32
    %scan3A_2 = arith.addi %scan3A, %scan3A_1 : i32
    %scan3A_3 = arith.constant 1 : i32
    scf.for %scan3A_5 = %scan3A to %scan3A_2 step %scan3A_3  : i32 {
      %mul3A_6 = arith.constant 1 : i32
      %mul3A_7 = arith.muli %scan3A_5, %mul3A_6 : i32
      %add3A_8 = arith.constant 0 : i32
      %add3A_9 = arith.addi %add3A_8, %mul3A_7 : i32
      "tpu.region"() ({
        %run_scoped3A = tpu.sem_alloc : memref<!tpu.dma_semaphore, #tpu.memory_space<semaphore_mem>>
        %dma_start3A = arith.constant 0 : i32
        %dma_start3A_422 = arith.constant 0 : i32
        %dma_start3A_423 = tpu.memref_slice %arg5[%add3A, %add3A_9, %dma_start3A, %dma_start3A_422] : memref<32x20x2x128xi32, #tpu.memory_space<hbm>> -> memref<1x1x2x128xi32, #tpu.memory_space<hbm>>
        %dma_start3A_424 = tpu.memref_squeeze %dma_start3A_423 : memref<1x1x2x128xi32, #tpu.memory_space<hbm>> -> memref<2x128xi32, #tpu.memory_space<hbm>>
        %dma_start3A_425 = arith.constant 0 : i32
        %dma_start3A_426 = arith.constant 0 : i32
        %dma_start3A_427 = tpu.memref_slice %arg5[%add3A, %add3A_9, %dma_start3A_425, %dma_start3A_426] : memref<32x20x2x128xi32, #tpu.memory_space<hbm>> -> memref<1x1x2x128xi32, #tpu.memory_space<hbm>>
        %dma_start3A_428 = tpu.memref_squeeze %dma_start3A_427 : memref<1x1x2x128xi32, #tpu.memory_space<hbm>> -> memref<2x128xi32, #tpu.memory_space<hbm>>
        tpu.enqueue_dma source(%dma_start3A_428 : memref<2x128xi32, #tpu.memory_space<hbm>>) target(%arg11 : memref<2x128xi32, #tpu.memory_space<vmem>>) target_semaphore(%run_scoped3A : memref<!tpu.dma_semaphore, #tpu.memory_space<semaphore_mem>>)
        %dma_wait3A = arith.constant 0 : i32
        %dma_wait3A_429 = arith.constant 0 : i32
        %dma_wait3A_430 = tpu.memref_slice %arg5[%add3A, %add3A_9, %dma_wait3A, %dma_wait3A_429] : memref<32x20x2x128xi32, #tpu.memory_space<hbm>> -> memref<1x1x2x128xi32, #tpu.memory_space<hbm>>
        %dma_wait3A_431 = tpu.memref_squeeze %dma_wait3A_430 : memref<1x1x2x128xi32, #tpu.memory_space<hbm>> -> memref<2x128xi32, #tpu.memory_space<hbm>>
        %dma_wait3A_432 = arith.constant 0 : i32
        %dma_wait3A_433 = arith.constant 0 : i32
        %dma_wait3A_434 = tpu.memref_slice %arg5[%add3A, %add3A_9, %dma_wait3A_432, %dma_wait3A_433] : memref<32x20x2x128xi32, #tpu.memory_space<hbm>> -> memref<1x1x2x128xi32, #tpu.memory_space<hbm>>
        %dma_wait3A_435 = tpu.memref_squeeze %dma_wait3A_434 : memref<1x1x2x128xi32, #tpu.memory_space<hbm>> -> memref<2x128xi32, #tpu.memory_space<hbm>>
        tpu.wait_dma2 semaphore(%run_scoped3A : memref<!tpu.dma_semaphore, #tpu.memory_space<semaphore_mem>>) src(%dma_wait3A_435 : memref<2x128xi32, #tpu.memory_space<hbm>>) dst(%arg11 : memref<2x128xi32, #tpu.memory_space<vmem>>)
        tpu.yield
      }) : () -> ()
      "tpu.region"() ({
        %run_scoped3A = tpu.sem_alloc : memref<!tpu.dma_semaphore, #tpu.memory_space<semaphore_mem>>
        %dma_start3A = arith.constant 0 : i32
        %dma_start3A_422 = arith.constant 0 : i32
        %dma_start3A_423 = tpu.memref_slice %arg6[%add3A, %add3A_9, %dma_start3A, %dma_start3A_422] : memref<32x20x2x128xi32, #tpu.memory_space<hbm>> -> memref<1x1x2x128xi32, #tpu.memory_space<hbm>>
        %dma_start3A_424 = tpu.memref_squeeze %dma_start3A_423 : memref<1x1x2x128xi32, #tpu.memory_space<hbm>> -> memref<2x128xi32, #tpu.memory_space<hbm>>
        %dma_start3A_425 = arith.constant 0 : i32
        %dma_start3A_426 = arith.constant 0 : i32
        %dma_start3A_427 = tpu.memref_slice %arg6[%add3A, %add3A_9, %dma_start3A_425, %dma_start3A_426] : memref<32x20x2x128xi32, #tpu.memory_space<hbm>> -> memref<1x1x2x128xi32, #tpu.memory_space<hbm>>
        %dma_start3A_428 = tpu.memref_squeeze %dma_start3A_427 : memref<1x1x2x128xi32, #tpu.memory_space<hbm>> -> memref<2x128xi32, #tpu.memory_space<hbm>>
        tpu.enqueue_dma source(%dma_start3A_428 : memref<2x128xi32, #tpu.memory_space<hbm>>) target(%arg12 : memref<2x128xi32, #tpu.memory_space<vmem>>) target_semaphore(%run_scoped3A : memref<!tpu.dma_semaphore, #tpu.memory_space<semaphore_mem>>)
        %dma_wait3A = arith.constant 0 : i32
        %dma_wait3A_429 = arith.constant 0 : i32
        %dma_wait3A_430 = tpu.memref_slice %arg6[%add3A, %add3A_9, %dma_wait3A, %dma_wait3A_429] : memref<32x20x2x128xi32, #tpu.memory_space<hbm>> -> memref<1x1x2x128xi32, #tpu.memory_space<hbm>>
        %dma_wait3A_431 = tpu.memref_squeeze %dma_wait3A_430 : memref<1x1x2x128xi32, #tpu.memory_space<hbm>> -> memref<2x128xi32, #tpu.memory_space<hbm>>
        %dma_wait3A_432 = arith.constant 0 : i32
        %dma_wait3A_433 = arith.constant 0 : i32
        %dma_wait3A_434 = tpu.memref_slice %arg6[%add3A, %add3A_9, %dma_wait3A_432, %dma_wait3A_433] : memref<32x20x2x128xi32, #tpu.memory_space<hbm>> -> memref<1x1x2x128xi32, #tpu.memory_space<hbm>>
        %dma_wait3A_435 = tpu.memref_squeeze %dma_wait3A_434 : memref<1x1x2x128xi32, #tpu.memory_space<hbm>> -> memref<2x128xi32, #tpu.memory_space<hbm>>
        tpu.wait_dma2 semaphore(%run_scoped3A : memref<!tpu.dma_semaphore, #tpu.memory_space<semaphore_mem>>) src(%dma_wait3A_435 : memref<2x128xi32, #tpu.memory_space<hbm>>) dst(%arg12 : memref<2x128xi32, #tpu.memory_space<vmem>>)
        tpu.yield
      }) : () -> ()
      %get3A = arith.constant 0 : i32
      %get3A_10 = arith.index_cast %get3A : i32 to index
      %get3A_11 = arith.constant 0 : index
      %get3A_12 = tpu.vector_load %arg11[%get3A_10, %get3A_11] {strides = array<i32>} : memref<2x128xi32, #tpu.memory_space<vmem>>, vector<16xi32>,
      %get3A_13 = arith.constant 0 : i32
      %get3A_14 = arith.index_cast %get3A_13 : i32 to index
      %get3A_15 = arith.constant 0 : index
      %get3A_16 = tpu.vector_load %arg12[%get3A_14, %get3A_15] {strides = array<i32>} : memref<2x128xi32, #tpu.memory_space<vmem>>, vector<16xi32>,
      %gather3A = tpu.vector_load_idx %arg8[%get3A_12] : memref<10000xf32, #tpu.memory_space<vmem>>[vector<16xi32>], vector<16xf32>,
      %gather3A_17 = tpu.vector_load_idx %arg8[%get3A_16] : memref<10000xf32, #tpu.memory_space<vmem>>[vector<16xi32>], vector<16xf32>,
      %sub3A = arith.subf %gather3A, %gather3A_17 : vector<16xf32>
      %gather3A_18 = tpu.vector_load_idx %arg9[%get3A_12] : memref<10000xf32, #tpu.memory_space<vmem>>[vector<16xi32>], vector<16xf32>,
      %gather3A_19 = tpu.vector_load_idx %arg9[%get3A_16] : memref<10000xf32, #tpu.memory_space<vmem>>[vector<16xi32>], vector<16xf32>,
      %sub3A_20 = arith.subf %gather3A_18, %gather3A_19 : vector<16xf32>
      %gather3A_21 = tpu.vector_load_idx %arg10[%get3A_12] : memref<10000xf32, #tpu.memory_space<vmem>>[vector<16xi32>], vector<16xf32>,
      %gather3A_22 = tpu.vector_load_idx %arg10[%get3A_16] : memref<10000xf32, #tpu.memory_space<vmem>>[vector<16xi32>], vector<16xf32>,
      %sub3A_23 = arith.subf %gather3A_21, %gather3A_22 : vector<16xf32>
      %mul3A_24 = arith.mulf %sub3A, %sub3A : vector<16xf32>
      %mul3A_25 = arith.mulf %sub3A_20, %sub3A_20 : vector<16xf32>
      %add3A_26 = arith.addf %mul3A_24, %mul3A_25 : vector<16xf32>
      %mul3A_27 = arith.mulf %sub3A_23, %sub3A_23 : vector<16xf32>
      %add3A_28 = arith.addf %add3A_26, %mul3A_27 : vector<16xf32>
      %swap3A = arith.constant 0 : i32
      %swap3A_29 = arith.index_cast %swap3A : i32 to index
      %swap3A_30 = arith.constant 0 : index
      %swap3A_31 = tpu.vector_load %arg13[%swap3A_29, %swap3A_30] {strides = array<i32>} : memref<2x128xf32, #tpu.memory_space<vmem>>, vector<16xf32>,
      tpu.vector_store %arg13[%swap3A_29, %swap3A_30], %add3A_28 {strides = array<i32>} : memref<2x128xf32, #tpu.memory_space<vmem>>, vector<16xf32>,
      %get3A_32 = arith.constant 0 : i32
      %get3A_33 = arith.index_cast %get3A_32 : i32 to index
      %get3A_34 = arith.constant 16 : index
      %get3A_35 = tpu.vector_load %arg11[%get3A_33, %get3A_34] {strides = array<i32>} : memref<2x128xi32, #tpu.memory_space<vmem>>, vector<16xi32>,
      %get3A_36 = arith.constant 0 : i32
      %get3A_37 = arith.index_cast %get3A_36 : i32 to index
      %get3A_38 = arith.constant 16 : index
      %get3A_39 = tpu.vector_load %arg12[%get3A_37, %get3A_38] {strides = array<i32>} : memref<2x128xi32, #tpu.memory_space<vmem>>, vector<16xi32>,
      %gather3A_40 = tpu.vector_load_idx %arg8[%get3A_35] : memref<10000xf32, #tpu.memory_space<vmem>>[vector<16xi32>], vector<16xf32>,
      %gather3A_41 = tpu.vector_load_idx %arg8[%get3A_39] : memref<10000xf32, #tpu.memory_space<vmem>>[vector<16xi32>], vector<16xf32>,
      %sub3A_42 = arith.subf %gather3A_40, %gather3A_41 : vector<16xf32>
      %gather3A_43 = tpu.vector_load_idx %arg9[%get3A_35] : memref<10000xf32, #tpu.memory_space<vmem>>[vector<16xi32>], vector<16xf32>,
      %gather3A_44 = tpu.vector_load_idx %arg9[%get3A_39] : memref<10000xf32, #tpu.memory_space<vmem>>[vector<16xi32>], vector<16xf32>,
      %sub3A_45 = arith.subf %gather3A_43, %gather3A_44 : vector<16xf32>
      %gather3A_46 = tpu.vector_load_idx %arg10[%get3A_35] : memref<10000xf32, #tpu.memory_space<vmem>>[vector<16xi32>], vector<16xf32>,
      %gather3A_47 = tpu.vector_load_idx %arg10[%get3A_39] : memref<10000xf32, #tpu.memory_space<vmem>>[vector<16xi32>], vector<16xf32>,
      %sub3A_48 = arith.subf %gather3A_46, %gather3A_47 : vector<16xf32>
      %mul3A_49 = arith.mulf %sub3A_42, %sub3A_42 : vector<16xf32>
      %mul3A_50 = arith.mulf %sub3A_45, %sub3A_45 : vector<16xf32>
      %add3A_51 = arith.addf %mul3A_49, %mul3A_50 : vector<16xf32>
      %mul3A_52 = arith.mulf %sub3A_48, %sub3A_48 : vector<16xf32>
      %add3A_53 = arith.addf %add3A_51, %mul3A_52 : vector<16xf32>
      %swap3A_54 = arith.constant 0 : i32
      %swap3A_55 = arith.index_cast %swap3A_54 : i32 to index
      %swap3A_56 = arith.constant 16 : index
      %swap3A_57 = tpu.vector_load %arg13[%swap3A_55, %swap3A_56] {strides = array<i32>} : memref<2x128xf32, #tpu.memory_space<vmem>>, vector<16xf32>,
      tpu.vector_store %arg13[%swap3A_55, %swap3A_56], %add3A_53 {strides = array<i32>} : memref<2x128xf32, #tpu.memory_space<vmem>>, vector<16xf32>,
      %get3A_58 = arith.constant 0 : i32
      %get3A_59 = arith.index_cast %get3A_58 : i32 to index
      %get3A_60 = arith.constant 32 : index
      %get3A_61 = tpu.vector_load %arg11[%get3A_59, %get3A_60] {strides = array<i32>} : memref<2x128xi32, #tpu.memory_space<vmem>>, vector<16xi32>,
      %get3A_62 = arith.constant 0 : i32
      %get3A_63 = arith.index_cast %get3A_62 : i32 to index
      %get3A_64 = arith.constant 32 : index
      %get3A_65 = tpu.vector_load %arg12[%get3A_63, %get3A_64] {strides = array<i32>} : memref<2x128xi32, #tpu.memory_space<vmem>>, vector<16xi32>,
      %gather3A_66 = tpu.vector_load_idx %arg8[%get3A_61] : memref<10000xf32, #tpu.memory_space<vmem>>[vector<16xi32>], vector<16xf32>,
      %gather3A_67 = tpu.vector_load_idx %arg8[%get3A_65] : memref<10000xf32, #tpu.memory_space<vmem>>[vector<16xi32>], vector<16xf32>,
      %sub3A_68 = arith.subf %gather3A_66, %gather3A_67 : vector<16xf32>
      %gather3A_69 = tpu.vector_load_idx %arg9[%get3A_61] : memref<10000xf32, #tpu.memory_space<vmem>>[vector<16xi32>], vector<16xf32>,
      %gather3A_70 = tpu.vector_load_idx %arg9[%get3A_65] : memref<10000xf32, #tpu.memory_space<vmem>>[vector<16xi32>], vector<16xf32>,
      %sub3A_71 = arith.subf %gather3A_69, %gather3A_70 : vector<16xf32>
      %gather3A_72 = tpu.vector_load_idx %arg10[%get3A_61] : memref<10000xf32, #tpu.memory_space<vmem>>[vector<16xi32>], vector<16xf32>,
      %gather3A_73 = tpu.vector_load_idx %arg10[%get3A_65] : memref<10000xf32, #tpu.memory_space<vmem>>[vector<16xi32>], vector<16xf32>,
      %sub3A_74 = arith.subf %gather3A_72, %gather3A_73 : vector<16xf32>
      %mul3A_75 = arith.mulf %sub3A_68, %sub3A_68 : vector<16xf32>
      %mul3A_76 = arith.mulf %sub3A_71, %sub3A_71 : vector<16xf32>
      %add3A_77 = arith.addf %mul3A_75, %mul3A_76 : vector<16xf32>
      %mul3A_78 = arith.mulf %sub3A_74, %sub3A_74 : vector<16xf32>
      %add3A_79 = arith.addf %add3A_77, %mul3A_78 : vector<16xf32>
      %swap3A_80 = arith.constant 0 : i32
      %swap3A_81 = arith.index_cast %swap3A_80 : i32 to index
      %swap3A_82 = arith.constant 32 : index
      %swap3A_83 = tpu.vector_load %arg13[%swap3A_81, %swap3A_82] {strides = array<i32>} : memref<2x128xf32, #tpu.memory_space<vmem>>, vector<16xf32>,
      tpu.vector_store %arg13[%swap3A_81, %swap3A_82], %add3A_79 {strides = array<i32>} : memref<2x128xf32, #tpu.memory_space<vmem>>, vector<16xf32>,
      %get3A_84 = arith.constant 0 : i32
      %get3A_85 = arith.index_cast %get3A_84 : i32 to index
      %get3A_86 = arith.constant 48 : index
      %get3A_87 = tpu.vector_load %arg11[%get3A_85, %get3A_86] {strides = array<i32>} : memref<2x128xi32, #tpu.memory_space<vmem>>, vector<16xi32>,
      %get3A_88 = arith.constant 0 : i32
      %get3A_89 = arith.index_cast %get3A_88 : i32 to index
      %get3A_90 = arith.constant 48 : index
      %get3A_91 = tpu.vector_load %arg12[%get3A_89, %get3A_90] {strides = array<i32>} : memref<2x128xi32, #tpu.memory_space<vmem>>, vector<16xi32>,
      %gather3A_92 = tpu.vector_load_idx %arg8[%get3A_87] : memref<10000xf32, #tpu.memory_space<vmem>>[vector<16xi32>], vector<16xf32>,
      %gather3A_93 = tpu.vector_load_idx %arg8[%get3A_91] : memref<10000xf32, #tpu.memory_space<vmem>>[vector<16xi32>], vector<16xf32>,
      %sub3A_94 = arith.subf %gather3A_92, %gather3A_93 : vector<16xf32>
      %gather3A_95 = tpu.vector_load_idx %arg9[%get3A_87] : memref<10000xf32, #tpu.memory_space<vmem>>[vector<16xi32>], vector<16xf32>,
      %gather3A_96 = tpu.vector_load_idx %arg9[%get3A_91] : memref<10000xf32, #tpu.memory_space<vmem>>[vector<16xi32>], vector<16xf32>,
      %sub3A_97 = arith.subf %gather3A_95, %gather3A_96 : vector<16xf32>
      %gather3A_98 = tpu.vector_load_idx %arg10[%get3A_87] : memref<10000xf32, #tpu.memory_space<vmem>>[vector<16xi32>], vector<16xf32>,
      %gather3A_99 = tpu.vector_load_idx %arg10[%get3A_91] : memref<10000xf32, #tpu.memory_space<vmem>>[vector<16xi32>], vector<16xf32>,
      %sub3A_100 = arith.subf %gather3A_98, %gather3A_99 : vector<16xf32>
      %mul3A_101 = arith.mulf %sub3A_94, %sub3A_94 : vector<16xf32>
      %mul3A_102 = arith.mulf %sub3A_97, %sub3A_97 : vector<16xf32>
      %add3A_103 = arith.addf %mul3A_101, %mul3A_102 : vector<16xf32>
      %mul3A_104 = arith.mulf %sub3A_100, %sub3A_100 : vector<16xf32>
      %add3A_105 = arith.addf %add3A_103, %mul3A_104 : vector<16xf32>
      %swap3A_106 = arith.constant 0 : i32
      %swap3A_107 = arith.index_cast %swap3A_106 : i32 to index
      %swap3A_108 = arith.constant 48 : index
      %swap3A_109 = tpu.vector_load %arg13[%swap3A_107, %swap3A_108] {strides = array<i32>} : memref<2x128xf32, #tpu.memory_space<vmem>>, vector<16xf32>,
      tpu.vector_store %arg13[%swap3A_107, %swap3A_108], %add3A_105 {strides = array<i32>} : memref<2x128xf32, #tpu.memory_space<vmem>>, vector<16xf32>,
      %get3A_110 = arith.constant 0 : i32
      %get3A_111 = arith.index_cast %get3A_110 : i32 to index
      %get3A_112 = arith.constant 64 : index
      %get3A_113 = tpu.vector_load %arg11[%get3A_111, %get3A_112] {strides = array<i32>} : memref<2x128xi32, #tpu.memory_space<vmem>>, vector<16xi32>,
      %get3A_114 = arith.constant 0 : i32
      %get3A_115 = arith.index_cast %get3A_114 : i32 to index
      %get3A_116 = arith.constant 64 : index
      %get3A_117 = tpu.vector_load %arg12[%get3A_115, %get3A_116] {strides = array<i32>} : memref<2x128xi32, #tpu.memory_space<vmem>>, vector<16xi32>,
      %gather3A_118 = tpu.vector_load_idx %arg8[%get3A_113] : memref<10000xf32, #tpu.memory_space<vmem>>[vector<16xi32>], vector<16xf32>,
      %gather3A_119 = tpu.vector_load_idx %arg8[%get3A_117] : memref<10000xf32, #tpu.memory_space<vmem>>[vector<16xi32>], vector<16xf32>,
      %sub3A_120 = arith.subf %gather3A_118, %gather3A_119 : vector<16xf32>
      %gather3A_121 = tpu.vector_load_idx %arg9[%get3A_113] : memref<10000xf32, #tpu.memory_space<vmem>>[vector<16xi32>], vector<16xf32>,
      %gather3A_122 = tpu.vector_load_idx %arg9[%get3A_117] : memref<10000xf32, #tpu.memory_space<vmem>>[vector<16xi32>], vector<16xf32>,
      %sub3A_123 = arith.subf %gather3A_121, %gather3A_122 : vector<16xf32>
      %gather3A_124 = tpu.vector_load_idx %arg10[%get3A_113] : memref<10000xf32, #tpu.memory_space<vmem>>[vector<16xi32>], vector<16xf32>,
      %gather3A_125 = tpu.vector_load_idx %arg10[%get3A_117] : memref<10000xf32, #tpu.memory_space<vmem>>[vector<16xi32>], vector<16xf32>,
      %sub3A_126 = arith.subf %gather3A_124, %gather3A_125 : vector<16xf32>
      %mul3A_127 = arith.mulf %sub3A_120, %sub3A_120 : vector<16xf32>
      %mul3A_128 = arith.mulf %sub3A_123, %sub3A_123 : vector<16xf32>
      %add3A_129 = arith.addf %mul3A_127, %mul3A_128 : vector<16xf32>
      %mul3A_130 = arith.mulf %sub3A_126, %sub3A_126 : vector<16xf32>
      %add3A_131 = arith.addf %add3A_129, %mul3A_130 : vector<16xf32>
      %swap3A_132 = arith.constant 0 : i32
      %swap3A_133 = arith.index_cast %swap3A_132 : i32 to index
      %swap3A_134 = arith.constant 64 : index
      %swap3A_135 = tpu.vector_load %arg13[%swap3A_133, %swap3A_134] {strides = array<i32>} : memref<2x128xf32, #tpu.memory_space<vmem>>, vector<16xf32>,
      tpu.vector_store %arg13[%swap3A_133, %swap3A_134], %add3A_131 {strides = array<i32>} : memref<2x128xf32, #tpu.memory_space<vmem>>, vector<16xf32>,
      %get3A_136 = arith.constant 0 : i32
      %get3A_137 = arith.index_cast %get3A_136 : i32 to index
      %get3A_138 = arith.constant 80 : index
      %get3A_139 = tpu.vector_load %arg11[%get3A_137, %get3A_138] {strides = array<i32>} : memref<2x128xi32, #tpu.memory_space<vmem>>, vector<16xi32>,
      %get3A_140 = arith.constant 0 : i32
      %get3A_141 = arith.index_cast %get3A_140 : i32 to index
      %get3A_142 = arith.constant 80 : index
      %get3A_143 = tpu.vector_load %arg12[%get3A_141, %get3A_142] {strides = array<i32>} : memref<2x128xi32, #tpu.memory_space<vmem>>, vector<16xi32>,
      %gather3A_144 = tpu.vector_load_idx %arg8[%get3A_139] : memref<10000xf32, #tpu.memory_space<vmem>>[vector<16xi32>], vector<16xf32>,
      %gather3A_145 = tpu.vector_load_idx %arg8[%get3A_143] : memref<10000xf32, #tpu.memory_space<vmem>>[vector<16xi32>], vector<16xf32>,
      %sub3A_146 = arith.subf %gather3A_144, %gather3A_145 : vector<16xf32>
      %gather3A_147 = tpu.vector_load_idx %arg9[%get3A_139] : memref<10000xf32, #tpu.memory_space<vmem>>[vector<16xi32>], vector<16xf32>,
      %gather3A_148 = tpu.vector_load_idx %arg9[%get3A_143] : memref<10000xf32, #tpu.memory_space<vmem>>[vector<16xi32>], vector<16xf32>,
      %sub3A_149 = arith.subf %gather3A_147, %gather3A_148 : vector<16xf32>
      %gather3A_150 = tpu.vector_load_idx %arg10[%get3A_139] : memref<10000xf32, #tpu.memory_space<vmem>>[vector<16xi32>], vector<16xf32>,
      %gather3A_151 = tpu.vector_load_idx %arg10[%get3A_143] : memref<10000xf32, #tpu.memory_space<vmem>>[vector<16xi32>], vector<16xf32>,
      %sub3A_152 = arith.subf %gather3A_150, %gather3A_151 : vector<16xf32>
      %mul3A_153 = arith.mulf %sub3A_146, %sub3A_146 : vector<16xf32>
      %mul3A_154 = arith.mulf %sub3A_149, %sub3A_149 : vector<16xf32>
      %add3A_155 = arith.addf %mul3A_153, %mul3A_154 : vector<16xf32>
      %mul3A_156 = arith.mulf %sub3A_152, %sub3A_152 : vector<16xf32>
      %add3A_157 = arith.addf %add3A_155, %mul3A_156 : vector<16xf32>
      %swap3A_158 = arith.constant 0 : i32
      %swap3A_159 = arith.index_cast %swap3A_158 : i32 to index
      %swap3A_160 = arith.constant 80 : index
      %swap3A_161 = tpu.vector_load %arg13[%swap3A_159, %swap3A_160] {strides = array<i32>} : memref<2x128xf32, #tpu.memory_space<vmem>>, vector<16xf32>,
      tpu.vector_store %arg13[%swap3A_159, %swap3A_160], %add3A_157 {strides = array<i32>} : memref<2x128xf32, #tpu.memory_space<vmem>>, vector<16xf32>,
      %get3A_162 = arith.constant 0 : i32
      %get3A_163 = arith.index_cast %get3A_162 : i32 to index
      %get3A_164 = arith.constant 96 : index
      %get3A_165 = tpu.vector_load %arg11[%get3A_163, %get3A_164] {strides = array<i32>} : memref<2x128xi32, #tpu.memory_space<vmem>>, vector<16xi32>,
      %get3A_166 = arith.constant 0 : i32
      %get3A_167 = arith.index_cast %get3A_166 : i32 to index
      %get3A_168 = arith.constant 96 : index
      %get3A_169 = tpu.vector_load %arg12[%get3A_167, %get3A_168] {strides = array<i32>} : memref<2x128xi32, #tpu.memory_space<vmem>>, vector<16xi32>,
      %gather3A_170 = tpu.vector_load_idx %arg8[%get3A_165] : memref<10000xf32, #tpu.memory_space<vmem>>[vector<16xi32>], vector<16xf32>,
      %gather3A_171 = tpu.vector_load_idx %arg8[%get3A_169] : memref<10000xf32, #tpu.memory_space<vmem>>[vector<16xi32>], vector<16xf32>,
      %sub3A_172 = arith.subf %gather3A_170, %gather3A_171 : vector<16xf32>
      %gather3A_173 = tpu.vector_load_idx %arg9[%get3A_165] : memref<10000xf32, #tpu.memory_space<vmem>>[vector<16xi32>], vector<16xf32>,
      %gather3A_174 = tpu.vector_load_idx %arg9[%get3A_169] : memref<10000xf32, #tpu.memory_space<vmem>>[vector<16xi32>], vector<16xf32>,
      %sub3A_175 = arith.subf %gather3A_173, %gather3A_174 : vector<16xf32>
      %gather3A_176 = tpu.vector_load_idx %arg10[%get3A_165] : memref<10000xf32, #tpu.memory_space<vmem>>[vector<16xi32>], vector<16xf32>,
      %gather3A_177 = tpu.vector_load_idx %arg10[%get3A_169] : memref<10000xf32, #tpu.memory_space<vmem>>[vector<16xi32>], vector<16xf32>,
      %sub3A_178 = arith.subf %gather3A_176, %gather3A_177 : vector<16xf32>
      %mul3A_179 = arith.mulf %sub3A_172, %sub3A_172 : vector<16xf32>
      %mul3A_180 = arith.mulf %sub3A_175, %sub3A_175 : vector<16xf32>
      %add3A_181 = arith.addf %mul3A_179, %mul3A_180 : vector<16xf32>
      %mul3A_182 = arith.mulf %sub3A_178, %sub3A_178 : vector<16xf32>
      %add3A_183 = arith.addf %add3A_181, %mul3A_182 : vector<16xf32>
      %swap3A_184 = arith.constant 0 : i32
      %swap3A_185 = arith.index_cast %swap3A_184 : i32 to index
      %swap3A_186 = arith.constant 96 : index
      %swap3A_187 = tpu.vector_load %arg13[%swap3A_185, %swap3A_186] {strides = array<i32>} : memref<2x128xf32, #tpu.memory_space<vmem>>, vector<16xf32>,
      tpu.vector_store %arg13[%swap3A_185, %swap3A_186], %add3A_183 {strides = array<i32>} : memref<2x128xf32, #tpu.memory_space<vmem>>, vector<16xf32>,
      %get3A_188 = arith.constant 0 : i32
      %get3A_189 = arith.index_cast %get3A_188 : i32 to index
      %get3A_190 = arith.constant 112 : index
      %get3A_191 = tpu.vector_load %arg11[%get3A_189, %get3A_190] {strides = array<i32>} : memref<2x128xi32, #tpu.memory_space<vmem>>, vector<16xi32>,
      %get3A_192 = arith.constant 0 : i32
      %get3A_193 = arith.index_cast %get3A_192 : i32 to index
      %get3A_194 = arith.constant 112 : index
      %get3A_195 = tpu.vector_load %arg12[%get3A_193, %get3A_194] {strides = array<i32>} : memref<2x128xi32, #tpu.memory_space<vmem>>, vector<16xi32>,
      %gather3A_196 = tpu.vector_load_idx %arg8[%get3A_191] : memref<10000xf32, #tpu.memory_space<vmem>>[vector<16xi32>], vector<16xf32>,
      %gather3A_197 = tpu.vector_load_idx %arg8[%get3A_195] : memref<10000xf32, #tpu.memory_space<vmem>>[vector<16xi32>], vector<16xf32>,
      %sub3A_198 = arith.subf %gather3A_196, %gather3A_197 : vector<16xf32>
      %gather3A_199 = tpu.vector_load_idx %arg9[%get3A_191] : memref<10000xf32, #tpu.memory_space<vmem>>[vector<16xi32>], vector<16xf32>,
      %gather3A_200 = tpu.vector_load_idx %arg9[%get3A_195] : memref<10000xf32, #tpu.memory_space<vmem>>[vector<16xi32>], vector<16xf32>,
      %sub3A_201 = arith.subf %gather3A_199, %gather3A_200 : vector<16xf32>
      %gather3A_202 = tpu.vector_load_idx %arg10[%get3A_191] : memref<10000xf32, #tpu.memory_space<vmem>>[vector<16xi32>], vector<16xf32>,
      %gather3A_203 = tpu.vector_load_idx %arg10[%get3A_195] : memref<10000xf32, #tpu.memory_space<vmem>>[vector<16xi32>], vector<16xf32>,
      %sub3A_204 = arith.subf %gather3A_202, %gather3A_203 : vector<16xf32>
      %mul3A_205 = arith.mulf %sub3A_198, %sub3A_198 : vector<16xf32>
      %mul3A_206 = arith.mulf %sub3A_201, %sub3A_201 : vector<16xf32>
      %add3A_207 = arith.addf %mul3A_205, %mul3A_206 : vector<16xf32>
      %mul3A_208 = arith.mulf %sub3A_204, %sub3A_204 : vector<16xf32>
      %add3A_209 = arith.addf %add3A_207, %mul3A_208 : vector<16xf32>
      %swap3A_210 = arith.constant 0 : i32
      %swap3A_211 = arith.index_cast %swap3A_210 : i32 to index
      %swap3A_212 = arith.constant 112 : index
      %swap3A_213 = tpu.vector_load %arg13[%swap3A_211, %swap3A_212] {strides = array<i32>} : memref<2x128xf32, #tpu.memory_space<vmem>>, vector<16xf32>,
      tpu.vector_store %arg13[%swap3A_211, %swap3A_212], %add3A_209 {strides = array<i32>} : memref<2x128xf32, #tpu.memory_space<vmem>>, vector<16xf32>,
      %get3A_214 = arith.constant 1 : i32
      %get3A_215 = arith.index_cast %get3A_214 : i32 to index
      %get3A_216 = arith.constant 0 : index
      %get3A_217 = tpu.vector_load %arg11[%get3A_215, %get3A_216] {strides = array<i32>} : memref<2x128xi32, #tpu.memory_space<vmem>>, vector<16xi32>,
      %get3A_218 = arith.constant 1 : i32
      %get3A_219 = arith.index_cast %get3A_218 : i32 to index
      %get3A_220 = arith.constant 0 : index
      %get3A_221 = tpu.vector_load %arg12[%get3A_219, %get3A_220] {strides = array<i32>} : memref<2x128xi32, #tpu.memory_space<vmem>>, vector<16xi32>,
      %gather3A_222 = tpu.vector_load_idx %arg8[%get3A_217] : memref<10000xf32, #tpu.memory_space<vmem>>[vector<16xi32>], vector<16xf32>,
      %gather3A_223 = tpu.vector_load_idx %arg8[%get3A_221] : memref<10000xf32, #tpu.memory_space<vmem>>[vector<16xi32>], vector<16xf32>,
      %sub3A_224 = arith.subf %gather3A_222, %gather3A_223 : vector<16xf32>
      %gather3A_225 = tpu.vector_load_idx %arg9[%get3A_217] : memref<10000xf32, #tpu.memory_space<vmem>>[vector<16xi32>], vector<16xf32>,
      %gather3A_226 = tpu.vector_load_idx %arg9[%get3A_221] : memref<10000xf32, #tpu.memory_space<vmem>>[vector<16xi32>], vector<16xf32>,
      %sub3A_227 = arith.subf %gather3A_225, %gather3A_226 : vector<16xf32>
      %gather3A_228 = tpu.vector_load_idx %arg10[%get3A_217] : memref<10000xf32, #tpu.memory_space<vmem>>[vector<16xi32>], vector<16xf32>,
      %gather3A_229 = tpu.vector_load_idx %arg10[%get3A_221] : memref<10000xf32, #tpu.memory_space<vmem>>[vector<16xi32>], vector<16xf32>,
      %sub3A_230 = arith.subf %gather3A_228, %gather3A_229 : vector<16xf32>
      %mul3A_231 = arith.mulf %sub3A_224, %sub3A_224 : vector<16xf32>
      %mul3A_232 = arith.mulf %sub3A_227, %sub3A_227 : vector<16xf32>
      %add3A_233 = arith.addf %mul3A_231, %mul3A_232 : vector<16xf32>
      %mul3A_234 = arith.mulf %sub3A_230, %sub3A_230 : vector<16xf32>
      %add3A_235 = arith.addf %add3A_233, %mul3A_234 : vector<16xf32>
      %swap3A_236 = arith.constant 1 : i32
      %swap3A_237 = arith.index_cast %swap3A_236 : i32 to index
      %swap3A_238 = arith.constant 0 : index
      %swap3A_239 = tpu.vector_load %arg13[%swap3A_237, %swap3A_238] {strides = array<i32>} : memref<2x128xf32, #tpu.memory_space<vmem>>, vector<16xf32>,
      tpu.vector_store %arg13[%swap3A_237, %swap3A_238], %add3A_235 {strides = array<i32>} : memref<2x128xf32, #tpu.memory_space<vmem>>, vector<16xf32>,
      %get3A_240 = arith.constant 1 : i32
      %get3A_241 = arith.index_cast %get3A_240 : i32 to index
      %get3A_242 = arith.constant 16 : index
      %get3A_243 = tpu.vector_load %arg11[%get3A_241, %get3A_242] {strides = array<i32>} : memref<2x128xi32, #tpu.memory_space<vmem>>, vector<16xi32>,
      %get3A_244 = arith.constant 1 : i32
      %get3A_245 = arith.index_cast %get3A_244 : i32 to index
      %get3A_246 = arith.constant 16 : index
      %get3A_247 = tpu.vector_load %arg12[%get3A_245, %get3A_246] {strides = array<i32>} : memref<2x128xi32, #tpu.memory_space<vmem>>, vector<16xi32>,
      %gather3A_248 = tpu.vector_load_idx %arg8[%get3A_243] : memref<10000xf32, #tpu.memory_space<vmem>>[vector<16xi32>], vector<16xf32>,
      %gather3A_249 = tpu.vector_load_idx %arg8[%get3A_247] : memref<10000xf32, #tpu.memory_space<vmem>>[vector<16xi32>], vector<16xf32>,
      %sub3A_250 = arith.subf %gather3A_248, %gather3A_249 : vector<16xf32>
      %gather3A_251 = tpu.vector_load_idx %arg9[%get3A_243] : memref<10000xf32, #tpu.memory_space<vmem>>[vector<16xi32>], vector<16xf32>,
      %gather3A_252 = tpu.vector_load_idx %arg9[%get3A_247] : memref<10000xf32, #tpu.memory_space<vmem>>[vector<16xi32>], vector<16xf32>,
      %sub3A_253 = arith.subf %gather3A_251, %gather3A_252 : vector<16xf32>
      %gather3A_254 = tpu.vector_load_idx %arg10[%get3A_243] : memref<10000xf32, #tpu.memory_space<vmem>>[vector<16xi32>], vector<16xf32>,
      %gather3A_255 = tpu.vector_load_idx %arg10[%get3A_247] : memref<10000xf32, #tpu.memory_space<vmem>>[vector<16xi32>], vector<16xf32>,
      %sub3A_256 = arith.subf %gather3A_254, %gather3A_255 : vector<16xf32>
      %mul3A_257 = arith.mulf %sub3A_250, %sub3A_250 : vector<16xf32>
      %mul3A_258 = arith.mulf %sub3A_253, %sub3A_253 : vector<16xf32>
      %add3A_259 = arith.addf %mul3A_257, %mul3A_258 : vector<16xf32>
      %mul3A_260 = arith.mulf %sub3A_256, %sub3A_256 : vector<16xf32>
      %add3A_261 = arith.addf %add3A_259, %mul3A_260 : vector<16xf32>
      %swap3A_262 = arith.constant 1 : i32
      %swap3A_263 = arith.index_cast %swap3A_262 : i32 to index
      %swap3A_264 = arith.constant 16 : index
      %swap3A_265 = tpu.vector_load %arg13[%swap3A_263, %swap3A_264] {strides = array<i32>} : memref<2x128xf32, #tpu.memory_space<vmem>>, vector<16xf32>,
      tpu.vector_store %arg13[%swap3A_263, %swap3A_264], %add3A_261 {strides = array<i32>} : memref<2x128xf32, #tpu.memory_space<vmem>>, vector<16xf32>,
      %get3A_266 = arith.constant 1 : i32
      %get3A_267 = arith.index_cast %get3A_266 : i32 to index
      %get3A_268 = arith.constant 32 : index
      %get3A_269 = tpu.vector_load %arg11[%get3A_267, %get3A_268] {strides = array<i32>} : memref<2x128xi32, #tpu.memory_space<vmem>>, vector<16xi32>,
      %get3A_270 = arith.constant 1 : i32
      %get3A_271 = arith.index_cast %get3A_270 : i32 to index
      %get3A_272 = arith.constant 32 : index
      %get3A_273 = tpu.vector_load %arg12[%get3A_271, %get3A_272] {strides = array<i32>} : memref<2x128xi32, #tpu.memory_space<vmem>>, vector<16xi32>,
      %gather3A_274 = tpu.vector_load_idx %arg8[%get3A_269] : memref<10000xf32, #tpu.memory_space<vmem>>[vector<16xi32>], vector<16xf32>,
      %gather3A_275 = tpu.vector_load_idx %arg8[%get3A_273] : memref<10000xf32, #tpu.memory_space<vmem>>[vector<16xi32>], vector<16xf32>,
      %sub3A_276 = arith.subf %gather3A_274, %gather3A_275 : vector<16xf32>
      %gather3A_277 = tpu.vector_load_idx %arg9[%get3A_269] : memref<10000xf32, #tpu.memory_space<vmem>>[vector<16xi32>], vector<16xf32>,
      %gather3A_278 = tpu.vector_load_idx %arg9[%get3A_273] : memref<10000xf32, #tpu.memory_space<vmem>>[vector<16xi32>], vector<16xf32>,
      %sub3A_279 = arith.subf %gather3A_277, %gather3A_278 : vector<16xf32>
      %gather3A_280 = tpu.vector_load_idx %arg10[%get3A_269] : memref<10000xf32, #tpu.memory_space<vmem>>[vector<16xi32>], vector<16xf32>,
      %gather3A_281 = tpu.vector_load_idx %arg10[%get3A_273] : memref<10000xf32, #tpu.memory_space<vmem>>[vector<16xi32>], vector<16xf32>,
      %sub3A_282 = arith.subf %gather3A_280, %gather3A_281 : vector<16xf32>
      %mul3A_283 = arith.mulf %sub3A_276, %sub3A_276 : vector<16xf32>
      %mul3A_284 = arith.mulf %sub3A_279, %sub3A_279 : vector<16xf32>
      %add3A_285 = arith.addf %mul3A_283, %mul3A_284 : vector<16xf32>
      %mul3A_286 = arith.mulf %sub3A_282, %sub3A_282 : vector<16xf32>
      %add3A_287 = arith.addf %add3A_285, %mul3A_286 : vector<16xf32>
      %swap3A_288 = arith.constant 1 : i32
      %swap3A_289 = arith.index_cast %swap3A_288 : i32 to index
      %swap3A_290 = arith.constant 32 : index
      %swap3A_291 = tpu.vector_load %arg13[%swap3A_289, %swap3A_290] {strides = array<i32>} : memref<2x128xf32, #tpu.memory_space<vmem>>, vector<16xf32>,
      tpu.vector_store %arg13[%swap3A_289, %swap3A_290], %add3A_287 {strides = array<i32>} : memref<2x128xf32, #tpu.memory_space<vmem>>, vector<16xf32>,
      %get3A_292 = arith.constant 1 : i32
      %get3A_293 = arith.index_cast %get3A_292 : i32 to index
      %get3A_294 = arith.constant 48 : index
      %get3A_295 = tpu.vector_load %arg11[%get3A_293, %get3A_294] {strides = array<i32>} : memref<2x128xi32, #tpu.memory_space<vmem>>, vector<16xi32>,
      %get3A_296 = arith.constant 1 : i32
      %get3A_297 = arith.index_cast %get3A_296 : i32 to index
      %get3A_298 = arith.constant 48 : index
      %get3A_299 = tpu.vector_load %arg12[%get3A_297, %get3A_298] {strides = array<i32>} : memref<2x128xi32, #tpu.memory_space<vmem>>, vector<16xi32>,
      %gather3A_300 = tpu.vector_load_idx %arg8[%get3A_295] : memref<10000xf32, #tpu.memory_space<vmem>>[vector<16xi32>], vector<16xf32>,
      %gather3A_301 = tpu.vector_load_idx %arg8[%get3A_299] : memref<10000xf32, #tpu.memory_space<vmem>>[vector<16xi32>], vector<16xf32>,
      %sub3A_302 = arith.subf %gather3A_300, %gather3A_301 : vector<16xf32>
      %gather3A_303 = tpu.vector_load_idx %arg9[%get3A_295] : memref<10000xf32, #tpu.memory_space<vmem>>[vector<16xi32>], vector<16xf32>,
      %gather3A_304 = tpu.vector_load_idx %arg9[%get3A_299] : memref<10000xf32, #tpu.memory_space<vmem>>[vector<16xi32>], vector<16xf32>,
      %sub3A_305 = arith.subf %gather3A_303, %gather3A_304 : vector<16xf32>
      %gather3A_306 = tpu.vector_load_idx %arg10[%get3A_295] : memref<10000xf32, #tpu.memory_space<vmem>>[vector<16xi32>], vector<16xf32>,
      %gather3A_307 = tpu.vector_load_idx %arg10[%get3A_299] : memref<10000xf32, #tpu.memory_space<vmem>>[vector<16xi32>], vector<16xf32>,
      %sub3A_308 = arith.subf %gather3A_306, %gather3A_307 : vector<16xf32>
      %mul3A_309 = arith.mulf %sub3A_302, %sub3A_302 : vector<16xf32>
      %mul3A_310 = arith.mulf %sub3A_305, %sub3A_305 : vector<16xf32>
      %add3A_311 = arith.addf %mul3A_309, %mul3A_310 : vector<16xf32>
      %mul3A_312 = arith.mulf %sub3A_308, %sub3A_308 : vector<16xf32>
      %add3A_313 = arith.addf %add3A_311, %mul3A_312 : vector<16xf32>
      %swap3A_314 = arith.constant 1 : i32
      %swap3A_315 = arith.index_cast %swap3A_314 : i32 to index
      %swap3A_316 = arith.constant 48 : index
      %swap3A_317 = tpu.vector_load %arg13[%swap3A_315, %swap3A_316] {strides = array<i32>} : memref<2x128xf32, #tpu.memory_space<vmem>>, vector<16xf32>,
      tpu.vector_store %arg13[%swap3A_315, %swap3A_316], %add3A_313 {strides = array<i32>} : memref<2x128xf32, #tpu.memory_space<vmem>>, vector<16xf32>,
      %get3A_318 = arith.constant 1 : i32
      %get3A_319 = arith.index_cast %get3A_318 : i32 to index
      %get3A_320 = arith.constant 64 : index
      %get3A_321 = tpu.vector_load %arg11[%get3A_319, %get3A_320] {strides = array<i32>} : memref<2x128xi32, #tpu.memory_space<vmem>>, vector<16xi32>,
      %get3A_322 = arith.constant 1 : i32
      %get3A_323 = arith.index_cast %get3A_322 : i32 to index
      %get3A_324 = arith.constant 64 : index
      %get3A_325 = tpu.vector_load %arg12[%get3A_323, %get3A_324] {strides = array<i32>} : memref<2x128xi32, #tpu.memory_space<vmem>>, vector<16xi32>,
      %gather3A_326 = tpu.vector_load_idx %arg8[%get3A_321] : memref<10000xf32, #tpu.memory_space<vmem>>[vector<16xi32>], vector<16xf32>,
      %gather3A_327 = tpu.vector_load_idx %arg8[%get3A_325] : memref<10000xf32, #tpu.memory_space<vmem>>[vector<16xi32>], vector<16xf32>,
      %sub3A_328 = arith.subf %gather3A_326, %gather3A_327 : vector<16xf32>
      %gather3A_329 = tpu.vector_load_idx %arg9[%get3A_321] : memref<10000xf32, #tpu.memory_space<vmem>>[vector<16xi32>], vector<16xf32>,
      %gather3A_330 = tpu.vector_load_idx %arg9[%get3A_325] : memref<10000xf32, #tpu.memory_space<vmem>>[vector<16xi32>], vector<16xf32>,
      %sub3A_331 = arith.subf %gather3A_329, %gather3A_330 : vector<16xf32>
      %gather3A_332 = tpu.vector_load_idx %arg10[%get3A_321] : memref<10000xf32, #tpu.memory_space<vmem>>[vector<16xi32>], vector<16xf32>,
      %gather3A_333 = tpu.vector_load_idx %arg10[%get3A_325] : memref<10000xf32, #tpu.memory_space<vmem>>[vector<16xi32>], vector<16xf32>,
      %sub3A_334 = arith.subf %gather3A_332, %gather3A_333 : vector<16xf32>
      %mul3A_335 = arith.mulf %sub3A_328, %sub3A_328 : vector<16xf32>
      %mul3A_336 = arith.mulf %sub3A_331, %sub3A_331 : vector<16xf32>
      %add3A_337 = arith.addf %mul3A_335, %mul3A_336 : vector<16xf32>
      %mul3A_338 = arith.mulf %sub3A_334, %sub3A_334 : vector<16xf32>
      %add3A_339 = arith.addf %add3A_337, %mul3A_338 : vector<16xf32>
      %swap3A_340 = arith.constant 1 : i32
      %swap3A_341 = arith.index_cast %swap3A_340 : i32 to index
      %swap3A_342 = arith.constant 64 : index
      %swap3A_343 = tpu.vector_load %arg13[%swap3A_341, %swap3A_342] {strides = array<i32>} : memref<2x128xf32, #tpu.memory_space<vmem>>, vector<16xf32>,
      tpu.vector_store %arg13[%swap3A_341, %swap3A_342], %add3A_339 {strides = array<i32>} : memref<2x128xf32, #tpu.memory_space<vmem>>, vector<16xf32>,
      %get3A_344 = arith.constant 1 : i32
      %get3A_345 = arith.index_cast %get3A_344 : i32 to index
      %get3A_346 = arith.constant 80 : index
      %get3A_347 = tpu.vector_load %arg11[%get3A_345, %get3A_346] {strides = array<i32>} : memref<2x128xi32, #tpu.memory_space<vmem>>, vector<16xi32>,
      %get3A_348 = arith.constant 1 : i32
      %get3A_349 = arith.index_cast %get3A_348 : i32 to index
      %get3A_350 = arith.constant 80 : index
      %get3A_351 = tpu.vector_load %arg12[%get3A_349, %get3A_350] {strides = array<i32>} : memref<2x128xi32, #tpu.memory_space<vmem>>, vector<16xi32>,
      %gather3A_352 = tpu.vector_load_idx %arg8[%get3A_347] : memref<10000xf32, #tpu.memory_space<vmem>>[vector<16xi32>], vector<16xf32>,
      %gather3A_353 = tpu.vector_load_idx %arg8[%get3A_351] : memref<10000xf32, #tpu.memory_space<vmem>>[vector<16xi32>], vector<16xf32>,
      %sub3A_354 = arith.subf %gather3A_352, %gather3A_353 : vector<16xf32>
      %gather3A_355 = tpu.vector_load_idx %arg9[%get3A_347] : memref<10000xf32, #tpu.memory_space<vmem>>[vector<16xi32>], vector<16xf32>,
      %gather3A_356 = tpu.vector_load_idx %arg9[%get3A_351] : memref<10000xf32, #tpu.memory_space<vmem>>[vector<16xi32>], vector<16xf32>,
      %sub3A_357 = arith.subf %gather3A_355, %gather3A_356 : vector<16xf32>
      %gather3A_358 = tpu.vector_load_idx %arg10[%get3A_347] : memref<10000xf32, #tpu.memory_space<vmem>>[vector<16xi32>], vector<16xf32>,
      %gather3A_359 = tpu.vector_load_idx %arg10[%get3A_351] : memref<10000xf32, #tpu.memory_space<vmem>>[vector<16xi32>], vector<16xf32>,
      %sub3A_360 = arith.subf %gather3A_358, %gather3A_359 : vector<16xf32>
      %mul3A_361 = arith.mulf %sub3A_354, %sub3A_354 : vector<16xf32>
      %mul3A_362 = arith.mulf %sub3A_357, %sub3A_357 : vector<16xf32>
      %add3A_363 = arith.addf %mul3A_361, %mul3A_362 : vector<16xf32>
      %mul3A_364 = arith.mulf %sub3A_360, %sub3A_360 : vector<16xf32>
      %add3A_365 = arith.addf %add3A_363, %mul3A_364 : vector<16xf32>
      %swap3A_366 = arith.constant 1 : i32
      %swap3A_367 = arith.index_cast %swap3A_366 : i32 to index
      %swap3A_368 = arith.constant 80 : index
      %swap3A_369 = tpu.vector_load %arg13[%swap3A_367, %swap3A_368] {strides = array<i32>} : memref<2x128xf32, #tpu.memory_space<vmem>>, vector<16xf32>,
      tpu.vector_store %arg13[%swap3A_367, %swap3A_368], %add3A_365 {strides = array<i32>} : memref<2x128xf32, #tpu.memory_space<vmem>>, vector<16xf32>,
      %get3A_370 = arith.constant 1 : i32
      %get3A_371 = arith.index_cast %get3A_370 : i32 to index
      %get3A_372 = arith.constant 96 : index
      %get3A_373 = tpu.vector_load %arg11[%get3A_371, %get3A_372] {strides = array<i32>} : memref<2x128xi32, #tpu.memory_space<vmem>>, vector<16xi32>,
      %get3A_374 = arith.constant 1 : i32
      %get3A_375 = arith.index_cast %get3A_374 : i32 to index
      %get3A_376 = arith.constant 96 : index
      %get3A_377 = tpu.vector_load %arg12[%get3A_375, %get3A_376] {strides = array<i32>} : memref<2x128xi32, #tpu.memory_space<vmem>>, vector<16xi32>,
      %gather3A_378 = tpu.vector_load_idx %arg8[%get3A_373] : memref<10000xf32, #tpu.memory_space<vmem>>[vector<16xi32>], vector<16xf32>,
      %gather3A_379 = tpu.vector_load_idx %arg8[%get3A_377] : memref<10000xf32, #tpu.memory_space<vmem>>[vector<16xi32>], vector<16xf32>,
      %sub3A_380 = arith.subf %gather3A_378, %gather3A_379 : vector<16xf32>
      %gather3A_381 = tpu.vector_load_idx %arg9[%get3A_373] : memref<10000xf32, #tpu.memory_space<vmem>>[vector<16xi32>], vector<16xf32>,
      %gather3A_382 = tpu.vector_load_idx %arg9[%get3A_377] : memref<10000xf32, #tpu.memory_space<vmem>>[vector<16xi32>], vector<16xf32>,
      %sub3A_383 = arith.subf %gather3A_381, %gather3A_382 : vector<16xf32>
      %gather3A_384 = tpu.vector_load_idx %arg10[%get3A_373] : memref<10000xf32, #tpu.memory_space<vmem>>[vector<16xi32>], vector<16xf32>,
      %gather3A_385 = tpu.vector_load_idx %arg10[%get3A_377] : memref<10000xf32, #tpu.memory_space<vmem>>[vector<16xi32>], vector<16xf32>,
      %sub3A_386 = arith.subf %gather3A_384, %gather3A_385 : vector<16xf32>
      %mul3A_387 = arith.mulf %sub3A_380, %sub3A_380 : vector<16xf32>
      %mul3A_388 = arith.mulf %sub3A_383, %sub3A_383 : vector<16xf32>
      %add3A_389 = arith.addf %mul3A_387, %mul3A_388 : vector<16xf32>
      %mul3A_390 = arith.mulf %sub3A_386, %sub3A_386 : vector<16xf32>
      %add3A_391 = arith.addf %add3A_389, %mul3A_390 : vector<16xf32>
      %swap3A_392 = arith.constant 1 : i32
      %swap3A_393 = arith.index_cast %swap3A_392 : i32 to index
      %swap3A_394 = arith.constant 96 : index
      %swap3A_395 = tpu.vector_load %arg13[%swap3A_393, %swap3A_394] {strides = array<i32>} : memref<2x128xf32, #tpu.memory_space<vmem>>, vector<16xf32>,
      tpu.vector_store %arg13[%swap3A_393, %swap3A_394], %add3A_391 {strides = array<i32>} : memref<2x128xf32, #tpu.memory_space<vmem>>, vector<16xf32>,
      %get3A_396 = arith.constant 1 : i32
      %get3A_397 = arith.index_cast %get3A_396 : i32 to index
      %get3A_398 = arith.constant 112 : index
      %get3A_399 = tpu.vector_load %arg11[%get3A_397, %get3A_398] {strides = array<i32>} : memref<2x128xi32, #tpu.memory_space<vmem>>, vector<16xi32>,
      %get3A_400 = arith.constant 1 : i32
      %get3A_401 = arith.index_cast %get3A_400 : i32 to index
      %get3A_402 = arith.constant 112 : index
      %get3A_403 = tpu.vector_load %arg12[%get3A_401, %get3A_402] {strides = array<i32>} : memref<2x128xi32, #tpu.memory_space<vmem>>, vector<16xi32>,
      %gather3A_404 = tpu.vector_load_idx %arg8[%get3A_399] : memref<10000xf32, #tpu.memory_space<vmem>>[vector<16xi32>], vector<16xf32>,
      %gather3A_405 = tpu.vector_load_idx %arg8[%get3A_403] : memref<10000xf32, #tpu.memory_space<vmem>>[vector<16xi32>], vector<16xf32>,
      %sub3A_406 = arith.subf %gather3A_404, %gather3A_405 : vector<16xf32>
      %gather3A_407 = tpu.vector_load_idx %arg9[%get3A_399] : memref<10000xf32, #tpu.memory_space<vmem>>[vector<16xi32>], vector<16xf32>,
      %gather3A_408 = tpu.vector_load_idx %arg9[%get3A_403] : memref<10000xf32, #tpu.memory_space<vmem>>[vector<16xi32>], vector<16xf32>,
      %sub3A_409 = arith.subf %gather3A_407, %gather3A_408 : vector<16xf32>
      %gather3A_410 = tpu.vector_load_idx %arg10[%get3A_399] : memref<10000xf32, #tpu.memory_space<vmem>>[vector<16xi32>], vector<16xf32>,
      %gather3A_411 = tpu.vector_load_idx %arg10[%get3A_403] : memref<10000xf32, #tpu.memory_space<vmem>>[vector<16xi32>], vector<16xf32>,
      %sub3A_412 = arith.subf %gather3A_410, %gather3A_411 : vector<16xf32>
      %mul3A_413 = arith.mulf %sub3A_406, %sub3A_406 : vector<16xf32>
      %mul3A_414 = arith.mulf %sub3A_409, %sub3A_409 : vector<16xf32>
      %add3A_415 = arith.addf %mul3A_413, %mul3A_414 : vector<16xf32>
      %mul3A_416 = arith.mulf %sub3A_412, %sub3A_412 : vector<16xf32>
      %add3A_417 = arith.addf %add3A_415, %mul3A_416 : vector<16xf32>
      %swap3A_418 = arith.constant 1 : i32
      %swap3A_419 = arith.index_cast %swap3A_418 : i32 to index
      %swap3A_420 = arith.constant 112 : index
      %swap3A_421 = tpu.vector_load %arg13[%swap3A_419, %swap3A_420] {strides = array<i32>} : memref<2x128xf32, #tpu.memory_space<vmem>>, vector<16xf32>,
      tpu.vector_store %arg13[%swap3A_419, %swap3A_420], %add3A_417 {strides = array<i32>} : memref<2x128xf32, #tpu.memory_space<vmem>>, vector<16xf32>,
      "tpu.region"() ({
        %run_scoped3A = tpu.sem_alloc : memref<!tpu.dma_semaphore, #tpu.memory_space<semaphore_mem>>
        %dma_start3A = arith.constant 0 : i32
        %dma_start3A_422 = arith.constant 0 : i32
        %dma_start3A_423 = tpu.memref_slice %arg7[%add3A, %add3A_9, %dma_start3A, %dma_start3A_422] : memref<32x20x2x128xf32, #tpu.memory_space<hbm>> -> memref<1x1x2x128xf32, #tpu.memory_space<hbm>>
        %dma_start3A_424 = tpu.memref_squeeze %dma_start3A_423 : memref<1x1x2x128xf32, #tpu.memory_space<hbm>> -> memref<2x128xf32, #tpu.memory_space<hbm>>
        %dma_start3A_425 = arith.constant 0 : i32
        %dma_start3A_426 = arith.constant 0 : i32
        %dma_start3A_427 = tpu.memref_slice %arg7[%add3A, %add3A_9, %dma_start3A_425, %dma_start3A_426] : memref<32x20x2x128xf32, #tpu.memory_space<hbm>> -> memref<1x1x2x128xf32, #tpu.memory_space<hbm>>
        %dma_start3A_428 = tpu.memref_squeeze %dma_start3A_427 : memref<1x1x2x128xf32, #tpu.memory_space<hbm>> -> memref<2x128xf32, #tpu.memory_space<hbm>>
        tpu.enqueue_dma source(%arg13 : memref<2x128xf32, #tpu.memory_space<vmem>>) target(%dma_start3A_428 : memref<2x128xf32, #tpu.memory_space<hbm>>) target_semaphore(%run_scoped3A : memref<!tpu.dma_semaphore, #tpu.memory_space<semaphore_mem>>)
        %dma_wait3A = arith.constant 0 : i32
        %dma_wait3A_429 = arith.constant 0 : i32
        %dma_wait3A_430 = tpu.memref_slice %arg7[%add3A, %add3A_9, %dma_wait3A, %dma_wait3A_429] : memref<32x20x2x128xf32, #tpu.memory_space<hbm>> -> memref<1x1x2x128xf32, #tpu.memory_space<hbm>>
        %dma_wait3A_431 = tpu.memref_squeeze %dma_wait3A_430 : memref<1x1x2x128xf32, #tpu.memory_space<hbm>> -> memref<2x128xf32, #tpu.memory_space<hbm>>
        %dma_wait3A_432 = arith.constant 0 : i32
        %dma_wait3A_433 = arith.constant 0 : i32
        %dma_wait3A_434 = tpu.memref_slice %arg7[%add3A, %add3A_9, %dma_wait3A_432, %dma_wait3A_433] : memref<32x20x2x128xf32, #tpu.memory_space<hbm>> -> memref<1x1x2x128xf32, #tpu.memory_space<hbm>>
        %dma_wait3A_435 = tpu.memref_squeeze %dma_wait3A_434 : memref<1x1x2x128xf32, #tpu.memory_space<hbm>> -> memref<2x128xf32, #tpu.memory_space<hbm>>
        tpu.wait_dma2 semaphore(%run_scoped3A : memref<!tpu.dma_semaphore, #tpu.memory_space<semaphore_mem>>) src(%arg13 : memref<2x128xf32, #tpu.memory_space<vmem>>) dst(%dma_wait3A_435 : memref<2x128xf32, #tpu.memory_space<hbm>>)
        tpu.yield
      }) : () -> ()
    }
    %scan3A_4 = arith.constant 20 : i32
    return
  }
}

#map = affine_map<(d0, d1) -> (0, 0, 0, 0)>
#map1 = affine_map<(d0, d1) -> (0, 0)>
#map2 = affine_map<(d0, d1) -> (0, 0, 0)>
module attributes {stable_mosaic.version = 14 : i64} {
  func.func @_scatter_body(%arg0: i32, %arg1: i32, %arg2: memref<32x20x2x128xi32, #tpu.memory_space<hbm>>, %arg3: memref<163840x128xf32, #tpu.memory_space<hbm>>, %arg4: memref<10112x128xf32, #tpu.memory_space<hbm>>, %arg5: memref<2x10112x128xf32, #tpu.memory_space<hbm>>, %arg6: memref<2x128xi32, #tpu.memory_space<vmem>>, %arg7: memref<256x128xf32, #tpu.memory_space<vmem>>, %arg8: memref<10112x128xf32, #tpu.memory_space<vmem_shared>>, %arg9: memref<!tpu.dma_semaphore, #tpu.memory_space<semaphore_mem>>) attributes {dimension_semantics = [#tpu.dimension_semantics<core_parallel>, #tpu.dimension_semantics<subcore_parallel>], iteration_bounds = array<i64: 2, 16>, scalar_prefetch = 0 : i64, scratch_operands = 4 : i64, tpu.core_type = #tpu.core_type<sc_vector_subcore>, window_params = [{transform_indices = #map}, {transform_indices = #map1}, {transform_indices = #map1}, {transform_indices = #map2}]} {
    %mul3A = arith.constant 2 : i32
    %mul3A_0 = arith.muli %arg1, %mul3A : i32
    %add3A = arith.addi %mul3A_0, %arg0 : i32
    %mul3A_1 = arith.constant 632 : i32
    %mul3A_2 = arith.muli %arg1, %mul3A_1 : i32
    %mul3A_3 = arith.constant 632 : i32
    %mul3A_4 = arith.muli %arg1, %mul3A_3 : i32
    "tpu.region"() ({
      %run_scoped3A = tpu.sem_alloc : memref<!tpu.dma_semaphore, #tpu.memory_space<semaphore_mem>>
      %dma_start3A = arith.constant 0 : i32
      %dma_start3A_14 = tpu.memref_slice %arg8[%mul3A_4, %dma_start3A] : memref<10112x128xf32, #tpu.memory_space<vmem_shared>> -> memref<632x128xf32, #tpu.memory_space<vmem_shared>>
      %dma_start3A_15 = arith.constant 0 : i32
      %dma_start3A_16 = tpu.memref_slice %arg4[%mul3A_2, %dma_start3A_15] : memref<10112x128xf32, #tpu.memory_space<hbm>> -> memref<632x128xf32, #tpu.memory_space<hbm>>
      tpu.enqueue_dma source(%dma_start3A_16 : memref<632x128xf32, #tpu.memory_space<hbm>>) target(%dma_start3A_14 : memref<632x128xf32, #tpu.memory_space<vmem_shared>>) target_semaphore(%run_scoped3A : memref<!tpu.dma_semaphore, #tpu.memory_space<semaphore_mem>>)
      %dma_wait3A = arith.constant 0 : i32
      %dma_wait3A_17 = tpu.memref_slice %arg8[%mul3A_4, %dma_wait3A] : memref<10112x128xf32, #tpu.memory_space<vmem_shared>> -> memref<632x128xf32, #tpu.memory_space<vmem_shared>>
      %dma_wait3A_18 = arith.constant 0 : i32
      %dma_wait3A_19 = tpu.memref_slice %arg4[%mul3A_2, %dma_wait3A_18] : memref<10112x128xf32, #tpu.memory_space<hbm>> -> memref<632x128xf32, #tpu.memory_space<hbm>>
      tpu.wait_dma2 semaphore(%run_scoped3A : memref<!tpu.dma_semaphore, #tpu.memory_space<semaphore_mem>>) src(%dma_wait3A_19 : memref<632x128xf32, #tpu.memory_space<hbm>>) dst(%dma_wait3A_17 : memref<632x128xf32, #tpu.memory_space<vmem_shared>>)
      tpu.yield
    }) : () -> ()
    %barrier3A = arith.constant 0 : index
    tpu.barrier barrier_id(%barrier3A)
    %scan3A = arith.constant 0 : i32
    %scan3A_5 = arith.constant 20 : i32
    %scan3A_6 = arith.addi %scan3A, %scan3A_5 : i32
    %scan3A_7 = arith.constant 1 : i32
    scf.for %scan3A_14 = %scan3A to %scan3A_6 step %scan3A_7  : i32 {
      %mul3A_15 = arith.constant 1 : i32
      %mul3A_16 = arith.muli %scan3A_14, %mul3A_15 : i32
      %add3A_17 = arith.constant 0 : i32
      %add3A_18 = arith.addi %add3A_17, %mul3A_16 : i32
      "tpu.region"() ({
        %run_scoped3A = tpu.sem_alloc : memref<!tpu.dma_semaphore, #tpu.memory_space<semaphore_mem>>
        %dma_start3A_62 = arith.constant 0 : i32
        %dma_start3A_63 = arith.constant 0 : i32
        %dma_start3A_64 = tpu.memref_slice %arg2[%add3A, %add3A_18, %dma_start3A_62, %dma_start3A_63] : memref<32x20x2x128xi32, #tpu.memory_space<hbm>> -> memref<1x1x2x128xi32, #tpu.memory_space<hbm>>
        %dma_start3A_65 = tpu.memref_squeeze %dma_start3A_64 : memref<1x1x2x128xi32, #tpu.memory_space<hbm>> -> memref<2x128xi32, #tpu.memory_space<hbm>>
        %dma_start3A_66 = arith.constant 0 : i32
        %dma_start3A_67 = arith.constant 0 : i32
        %dma_start3A_68 = tpu.memref_slice %arg2[%add3A, %add3A_18, %dma_start3A_66, %dma_start3A_67] : memref<32x20x2x128xi32, #tpu.memory_space<hbm>> -> memref<1x1x2x128xi32, #tpu.memory_space<hbm>>
        %dma_start3A_69 = tpu.memref_squeeze %dma_start3A_68 : memref<1x1x2x128xi32, #tpu.memory_space<hbm>> -> memref<2x128xi32, #tpu.memory_space<hbm>>
        tpu.enqueue_dma source(%dma_start3A_69 : memref<2x128xi32, #tpu.memory_space<hbm>>) target(%arg6 : memref<2x128xi32, #tpu.memory_space<vmem>>) target_semaphore(%run_scoped3A : memref<!tpu.dma_semaphore, #tpu.memory_space<semaphore_mem>>)
        %dma_wait3A_70 = arith.constant 0 : i32
        %dma_wait3A_71 = arith.constant 0 : i32
        %dma_wait3A_72 = tpu.memref_slice %arg2[%add3A, %add3A_18, %dma_wait3A_70, %dma_wait3A_71] : memref<32x20x2x128xi32, #tpu.memory_space<hbm>> -> memref<1x1x2x128xi32, #tpu.memory_space<hbm>>
        %dma_wait3A_73 = tpu.memref_squeeze %dma_wait3A_72 : memref<1x1x2x128xi32, #tpu.memory_space<hbm>> -> memref<2x128xi32, #tpu.memory_space<hbm>>
        %dma_wait3A_74 = arith.constant 0 : i32
        %dma_wait3A_75 = arith.constant 0 : i32
        %dma_wait3A_76 = tpu.memref_slice %arg2[%add3A, %add3A_18, %dma_wait3A_74, %dma_wait3A_75] : memref<32x20x2x128xi32, #tpu.memory_space<hbm>> -> memref<1x1x2x128xi32, #tpu.memory_space<hbm>>
        %dma_wait3A_77 = tpu.memref_squeeze %dma_wait3A_76 : memref<1x1x2x128xi32, #tpu.memory_space<hbm>> -> memref<2x128xi32, #tpu.memory_space<hbm>>
        tpu.wait_dma2 semaphore(%run_scoped3A : memref<!tpu.dma_semaphore, #tpu.memory_space<semaphore_mem>>) src(%dma_wait3A_77 : memref<2x128xi32, #tpu.memory_space<hbm>>) dst(%arg6 : memref<2x128xi32, #tpu.memory_space<vmem>>)
        tpu.yield
      }) : () -> ()
      %mul3A_19 = arith.constant 5120 : i32
      %mul3A_20 = arith.muli %add3A, %mul3A_19 : i32
      %mul3A_21 = arith.constant 256 : i32
      %mul3A_22 = arith.muli %add3A_18, %mul3A_21 : i32
      %add3A_23 = arith.addi %mul3A_20, %mul3A_22 : i32
      "tpu.region"() ({
        %run_scoped3A = tpu.sem_alloc : memref<!tpu.dma_semaphore, #tpu.memory_space<semaphore_mem>>
        %dma_start3A_62 = arith.constant 0 : i32
        %dma_start3A_63 = tpu.memref_slice %arg3[%add3A_23, %dma_start3A_62] : memref<163840x128xf32, #tpu.memory_space<hbm>> -> memref<256x128xf32, #tpu.memory_space<hbm>>
        %dma_start3A_64 = arith.constant 0 : i32
        %dma_start3A_65 = tpu.memref_slice %arg3[%add3A_23, %dma_start3A_64] : memref<163840x128xf32, #tpu.memory_space<hbm>> -> memref<256x128xf32, #tpu.memory_space<hbm>>
        tpu.enqueue_dma source(%dma_start3A_65 : memref<256x128xf32, #tpu.memory_space<hbm>>) target(%arg7 : memref<256x128xf32, #tpu.memory_space<vmem>>) target_semaphore(%run_scoped3A : memref<!tpu.dma_semaphore, #tpu.memory_space<semaphore_mem>>)
        %dma_wait3A_66 = arith.constant 0 : i32
        %dma_wait3A_67 = tpu.memref_slice %arg3[%add3A_23, %dma_wait3A_66] : memref<163840x128xf32, #tpu.memory_space<hbm>> -> memref<256x128xf32, #tpu.memory_space<hbm>>
        %dma_wait3A_68 = arith.constant 0 : i32
        %dma_wait3A_69 = tpu.memref_slice %arg3[%add3A_23, %dma_wait3A_68] : memref<163840x128xf32, #tpu.memory_space<hbm>> -> memref<256x128xf32, #tpu.memory_space<hbm>>
        tpu.wait_dma2 semaphore(%run_scoped3A : memref<!tpu.dma_semaphore, #tpu.memory_space<semaphore_mem>>) src(%dma_wait3A_69 : memref<256x128xf32, #tpu.memory_space<hbm>>) dst(%arg7 : memref<256x128xf32, #tpu.memory_space<vmem>>)
        tpu.yield
      }) : () -> ()
      %dma_start3A = arith.constant 0 : i32
      %dma_start3A_24 = arith.constant 0 : i32
      %dma_start3A_25 = arith.constant 0 : i32
      %dma_start3A_26 = tpu.memref_slice %arg7[%dma_start3A_24, %dma_start3A_25] : memref<256x128xf32, #tpu.memory_space<vmem>> -> memref<128x128xf32, #tpu.memory_space<vmem>>
      %dma_start3A_27 = arith.constant 0 : i32
      %dma_start3A_28 = tpu.memref_slice %arg6[%dma_start3A, %dma_start3A_27] : memref<2x128xi32, #tpu.memory_space<vmem>> -> memref<1x128xi32, #tpu.memory_space<vmem>>
      %dma_start3A_29 = tpu.memref_squeeze %dma_start3A_28 : memref<1x128xi32, #tpu.memory_space<vmem>> -> memref<128xi32, #tpu.memory_space<vmem>>
      %dma_start3A_30 = arith.constant 0 : i32
      %dma_start3A_31 = arith.constant 0 : i32
      %dma_start3A_32 = tpu.memref_slice %arg8[%dma_start3A_30, %dma_start3A_31] : memref<10112x128xf32, #tpu.memory_space<vmem_shared>> -> memref<10112x128xf32, #tpu.memory_space<vmem_shared>>
      tpu.enqueue_indirect_dma source(%dma_start3A_26 : memref<128x128xf32, #tpu.memory_space<vmem>>) target(%dma_start3A_32 : memref<10112x128xf32, #tpu.memory_space<vmem_shared>>) offsets(%dma_start3A_29 : memref<128xi32, #tpu.memory_space<vmem>>) semaphore(%arg9 : memref<!tpu.dma_semaphore, #tpu.memory_space<semaphore_mem>>) {add = true}
      %dma_start3A_33 = arith.constant 1 : i32
      %dma_start3A_34 = arith.constant 128 : i32
      %dma_start3A_35 = arith.constant 0 : i32
      %dma_start3A_36 = tpu.memref_slice %arg7[%dma_start3A_34, %dma_start3A_35] : memref<256x128xf32, #tpu.memory_space<vmem>> -> memref<128x128xf32, #tpu.memory_space<vmem>>
      %dma_start3A_37 = arith.constant 0 : i32
      %dma_start3A_38 = tpu.memref_slice %arg6[%dma_start3A_33, %dma_start3A_37] : memref<2x128xi32, #tpu.memory_space<vmem>> -> memref<1x128xi32, #tpu.memory_space<vmem>>
      %dma_start3A_39 = tpu.memref_squeeze %dma_start3A_38 : memref<1x128xi32, #tpu.memory_space<vmem>> -> memref<128xi32, #tpu.memory_space<vmem>>
      %dma_start3A_40 = arith.constant 0 : i32
      %dma_start3A_41 = arith.constant 0 : i32
      %dma_start3A_42 = tpu.memref_slice %arg8[%dma_start3A_40, %dma_start3A_41] : memref<10112x128xf32, #tpu.memory_space<vmem_shared>> -> memref<10112x128xf32, #tpu.memory_space<vmem_shared>>
      tpu.enqueue_indirect_dma source(%dma_start3A_36 : memref<128x128xf32, #tpu.memory_space<vmem>>) target(%dma_start3A_42 : memref<10112x128xf32, #tpu.memory_space<vmem_shared>>) offsets(%dma_start3A_39 : memref<128xi32, #tpu.memory_space<vmem>>) semaphore(%arg9 : memref<!tpu.dma_semaphore, #tpu.memory_space<semaphore_mem>>) {add = true}
      %dma_wait3A = arith.constant 0 : i32
      %dma_wait3A_43 = arith.constant 0 : i32
      %dma_wait3A_44 = arith.constant 0 : i32
      %dma_wait3A_45 = tpu.memref_slice %arg7[%dma_wait3A_43, %dma_wait3A_44] : memref<256x128xf32, #tpu.memory_space<vmem>> -> memref<128x128xf32, #tpu.memory_space<vmem>>
      %dma_wait3A_46 = arith.constant 0 : i32
      %dma_wait3A_47 = tpu.memref_slice %arg6[%dma_wait3A, %dma_wait3A_46] : memref<2x128xi32, #tpu.memory_space<vmem>> -> memref<1x128xi32, #tpu.memory_space<vmem>>
      %dma_wait3A_48 = tpu.memref_squeeze %dma_wait3A_47 : memref<1x128xi32, #tpu.memory_space<vmem>> -> memref<128xi32, #tpu.memory_space<vmem>>
      %dma_wait3A_49 = arith.constant 0 : i32
      %dma_wait3A_50 = arith.constant 0 : i32
      %dma_wait3A_51 = tpu.memref_slice %arg8[%dma_wait3A_49, %dma_wait3A_50] : memref<10112x128xf32, #tpu.memory_space<vmem_shared>> -> memref<10112x128xf32, #tpu.memory_space<vmem_shared>>
      tpu.wait_indirect_dma semaphore(%arg9 : memref<!tpu.dma_semaphore, #tpu.memory_space<semaphore_mem>>) src(%dma_wait3A_45 : memref<128x128xf32, #tpu.memory_space<vmem>>) dst(%dma_wait3A_51 : memref<10112x128xf32, #tpu.memory_space<vmem_shared>>)
      %dma_wait3A_52 = arith.constant 1 : i32
      %dma_wait3A_53 = arith.constant 128 : i32
      %dma_wait3A_54 = arith.constant 0 : i32
      %dma_wait3A_55 = tpu.memref_slice %arg7[%dma_wait3A_53, %dma_wait3A_54] : memref<256x128xf32, #tpu.memory_space<vmem>> -> memref<128x128xf32, #tpu.memory_space<vmem>>
      %dma_wait3A_56 = arith.constant 0 : i32
      %dma_wait3A_57 = tpu.memref_slice %arg6[%dma_wait3A_52, %dma_wait3A_56] : memref<2x128xi32, #tpu.memory_space<vmem>> -> memref<1x128xi32, #tpu.memory_space<vmem>>
      %dma_wait3A_58 = tpu.memref_squeeze %dma_wait3A_57 : memref<1x128xi32, #tpu.memory_space<vmem>> -> memref<128xi32, #tpu.memory_space<vmem>>
      %dma_wait3A_59 = arith.constant 0 : i32
      %dma_wait3A_60 = arith.constant 0 : i32
      %dma_wait3A_61 = tpu.memref_slice %arg8[%dma_wait3A_59, %dma_wait3A_60] : memref<10112x128xf32, #tpu.memory_space<vmem_shared>> -> memref<10112x128xf32, #tpu.memory_space<vmem_shared>>
      tpu.wait_indirect_dma semaphore(%arg9 : memref<!tpu.dma_semaphore, #tpu.memory_space<semaphore_mem>>) src(%dma_wait3A_55 : memref<128x128xf32, #tpu.memory_space<vmem>>) dst(%dma_wait3A_61 : memref<10112x128xf32, #tpu.memory_space<vmem_shared>>)
    }
    %scan3A_8 = arith.constant 20 : i32
    %barrier3A_9 = arith.constant 0 : index
    tpu.barrier barrier_id(%barrier3A_9)
    %mul3A_10 = arith.constant 632 : i32
    %mul3A_11 = arith.muli %arg1, %mul3A_10 : i32
    %mul3A_12 = arith.constant 632 : i32
    %mul3A_13 = arith.muli %arg1, %mul3A_12 : i32
    "tpu.region"() ({
      %run_scoped3A = tpu.sem_alloc : memref<!tpu.dma_semaphore, #tpu.memory_space<semaphore_mem>>
      %dma_start3A = arith.constant 0 : i32
      %dma_start3A_14 = tpu.memref_slice %arg5[%arg0, %mul3A_13, %dma_start3A] : memref<2x10112x128xf32, #tpu.memory_space<hbm>> -> memref<1x632x128xf32, #tpu.memory_space<hbm>>
      %dma_start3A_15 = tpu.memref_squeeze %dma_start3A_14 : memref<1x632x128xf32, #tpu.memory_space<hbm>> -> memref<632x128xf32, #tpu.memory_space<hbm>>
      %dma_start3A_16 = arith.constant 0 : i32
      %dma_start3A_17 = tpu.memref_slice %arg8[%mul3A_11, %dma_start3A_16] : memref<10112x128xf32, #tpu.memory_space<vmem_shared>> -> memref<632x128xf32, #tpu.memory_space<vmem_shared>>
      tpu.enqueue_dma source(%dma_start3A_17 : memref<632x128xf32, #tpu.memory_space<vmem_shared>>) target(%dma_start3A_15 : memref<632x128xf32, #tpu.memory_space<hbm>>) target_semaphore(%run_scoped3A : memref<!tpu.dma_semaphore, #tpu.memory_space<semaphore_mem>>)
      %dma_wait3A = arith.constant 0 : i32
      %dma_wait3A_18 = tpu.memref_slice %arg5[%arg0, %mul3A_13, %dma_wait3A] : memref<2x10112x128xf32, #tpu.memory_space<hbm>> -> memref<1x632x128xf32, #tpu.memory_space<hbm>>
      %dma_wait3A_19 = tpu.memref_squeeze %dma_wait3A_18 : memref<1x632x128xf32, #tpu.memory_space<hbm>> -> memref<632x128xf32, #tpu.memory_space<hbm>>
      %dma_wait3A_20 = arith.constant 0 : i32
      %dma_wait3A_21 = tpu.memref_slice %arg8[%mul3A_11, %dma_wait3A_20] : memref<10112x128xf32, #tpu.memory_space<vmem_shared>> -> memref<632x128xf32, #tpu.memory_space<vmem_shared>>
      tpu.wait_dma2 semaphore(%run_scoped3A : memref<!tpu.dma_semaphore, #tpu.memory_space<semaphore_mem>>) src(%dma_wait3A_21 : memref<632x128xf32, #tpu.memory_space<vmem_shared>>) dst(%dma_wait3A_19 : memref<632x128xf32, #tpu.memory_space<hbm>>)
      tpu.yield
    }) : () -> ()
    return
  }
}

#map = affine_map<(d0, d1) -> (0, 0, 0, 0)>
#map1 = affine_map<(d0, d1) -> (0, 0)>
module attributes {stable_mosaic.version = 14 : i64} {
  func.func @_gather_body(%arg0: i32, %arg1: i32, %arg2: memref<32x20x2x128xi32, #tpu.memory_space<hbm>>, %arg3: memref<10000x64xi32, #tpu.memory_space<hbm>>, %arg4: memref<163840x64xi32, #tpu.memory_space<hbm>>, %arg5: memref<2x128xi32, #tpu.memory_space<vmem>>, %arg6: memref<256x64xi32, #tpu.memory_space<vmem>>, %arg7: memref<10000x64xi32, #tpu.memory_space<vmem_shared>>, %arg8: memref<!tpu.dma_semaphore, #tpu.memory_space<semaphore_mem>>) attributes {dimension_semantics = [#tpu.dimension_semantics<core_parallel>, #tpu.dimension_semantics<subcore_parallel>], iteration_bounds = array<i64: 2, 16>, scalar_prefetch = 0 : i64, scratch_operands = 4 : i64, tpu.core_type = #tpu.core_type<sc_vector_subcore>, window_params = [{transform_indices = #map}, {transform_indices = #map1}, {transform_indices = #map1}]} {
    %mul3A = arith.constant 2 : i32
    %mul3A_0 = arith.muli %arg1, %mul3A : i32
    %add3A = arith.addi %mul3A_0, %arg0 : i32
    %lt3A = arith.constant 15 : i32
    %lt3A_1 = arith.cmpi slt, %arg1, %lt3A : i32
    %convert_element_type3A = arith.extui %lt3A_1 : i1 to i32
    %cond3A = arith.constant 0 : i32
    %cond3A_2 = arith.cmpi ne, %convert_element_type3A, %cond3A : i32
    scf.if %cond3A_2 {
      %mul3A_11 = arith.constant 640 : i32
      %mul3A_12 = arith.muli %arg1, %mul3A_11 : i32
      %mul3A_13 = arith.constant 640 : i32
      %mul3A_14 = arith.muli %arg1, %mul3A_13 : i32
      "tpu.region"() ({
        %run_scoped3A = tpu.sem_alloc : memref<!tpu.dma_semaphore, #tpu.memory_space<semaphore_mem>>
        %dma_start3A = arith.constant 0 : i32
        %dma_start3A_15 = tpu.memref_slice %arg7[%mul3A_14, %dma_start3A] : memref<10000x64xi32, #tpu.memory_space<vmem_shared>> -> memref<640x64xi32, #tpu.memory_space<vmem_shared>>
        %dma_start3A_16 = arith.constant 0 : i32
        %dma_start3A_17 = tpu.memref_slice %arg3[%mul3A_12, %dma_start3A_16] : memref<10000x64xi32, #tpu.memory_space<hbm>> -> memref<640x64xi32, #tpu.memory_space<hbm>>
        tpu.enqueue_dma source(%dma_start3A_17 : memref<640x64xi32, #tpu.memory_space<hbm>>) target(%dma_start3A_15 : memref<640x64xi32, #tpu.memory_space<vmem_shared>>) target_semaphore(%run_scoped3A : memref<!tpu.dma_semaphore, #tpu.memory_space<semaphore_mem>>)
        %dma_wait3A = arith.constant 0 : i32
        %dma_wait3A_18 = tpu.memref_slice %arg7[%mul3A_14, %dma_wait3A] : memref<10000x64xi32, #tpu.memory_space<vmem_shared>> -> memref<640x64xi32, #tpu.memory_space<vmem_shared>>
        %dma_wait3A_19 = arith.constant 0 : i32
        %dma_wait3A_20 = tpu.memref_slice %arg3[%mul3A_12, %dma_wait3A_19] : memref<10000x64xi32, #tpu.memory_space<hbm>> -> memref<640x64xi32, #tpu.memory_space<hbm>>
        tpu.wait_dma2 semaphore(%run_scoped3A : memref<!tpu.dma_semaphore, #tpu.memory_space<semaphore_mem>>) src(%dma_wait3A_20 : memref<640x64xi32, #tpu.memory_space<hbm>>) dst(%dma_wait3A_18 : memref<640x64xi32, #tpu.memory_space<vmem_shared>>)
        tpu.yield
      }) : () -> ()
    } else {
    }
    %eq3A = arith.constant 15 : i32
    %eq3A_3 = arith.cmpi eq, %arg1, %eq3A : i32
    %convert_element_type3A_4 = arith.extui %eq3A_3 : i1 to i32
    %cond3A_5 = arith.constant 0 : i32
    %cond3A_6 = arith.cmpi ne, %convert_element_type3A_4, %cond3A_5 : i32
    scf.if %cond3A_6 {
      "tpu.region"() ({
        %run_scoped3A = tpu.sem_alloc : memref<!tpu.dma_semaphore, #tpu.memory_space<semaphore_mem>>
        %dma_start3A = arith.constant 9600 : i32
        %dma_start3A_11 = arith.constant 0 : i32
        %dma_start3A_12 = tpu.memref_slice %arg7[%dma_start3A, %dma_start3A_11] : memref<10000x64xi32, #tpu.memory_space<vmem_shared>> -> memref<400x64xi32, #tpu.memory_space<vmem_shared>>
        %dma_start3A_13 = arith.constant 9600 : i32
        %dma_start3A_14 = arith.constant 0 : i32
        %dma_start3A_15 = tpu.memref_slice %arg3[%dma_start3A_13, %dma_start3A_14] : memref<10000x64xi32, #tpu.memory_space<hbm>> -> memref<400x64xi32, #tpu.memory_space<hbm>>
        tpu.enqueue_dma source(%dma_start3A_15 : memref<400x64xi32, #tpu.memory_space<hbm>>) target(%dma_start3A_12 : memref<400x64xi32, #tpu.memory_space<vmem_shared>>) target_semaphore(%run_scoped3A : memref<!tpu.dma_semaphore, #tpu.memory_space<semaphore_mem>>)
        %dma_wait3A = arith.constant 9600 : i32
        %dma_wait3A_16 = arith.constant 0 : i32
        %dma_wait3A_17 = tpu.memref_slice %arg7[%dma_wait3A, %dma_wait3A_16] : memref<10000x64xi32, #tpu.memory_space<vmem_shared>> -> memref<400x64xi32, #tpu.memory_space<vmem_shared>>
        %dma_wait3A_18 = arith.constant 9600 : i32
        %dma_wait3A_19 = arith.constant 0 : i32
        %dma_wait3A_20 = tpu.memref_slice %arg3[%dma_wait3A_18, %dma_wait3A_19] : memref<10000x64xi32, #tpu.memory_space<hbm>> -> memref<400x64xi32, #tpu.memory_space<hbm>>
        tpu.wait_dma2 semaphore(%run_scoped3A : memref<!tpu.dma_semaphore, #tpu.memory_space<semaphore_mem>>) src(%dma_wait3A_20 : memref<400x64xi32, #tpu.memory_space<hbm>>) dst(%dma_wait3A_17 : memref<400x64xi32, #tpu.memory_space<vmem_shared>>)
        tpu.yield
      }) : () -> ()
    } else {
    }
    %barrier3A = arith.constant 0 : index
    tpu.barrier barrier_id(%barrier3A)
    %scan3A = arith.constant 0 : i32
    %scan3A_7 = arith.constant 20 : i32
    %scan3A_8 = arith.addi %scan3A, %scan3A_7 : i32
    %scan3A_9 = arith.constant 1 : i32
    scf.for %scan3A_11 = %scan3A to %scan3A_8 step %scan3A_9  : i32 {
      %mul3A_12 = arith.constant 1 : i32
      %mul3A_13 = arith.muli %scan3A_11, %mul3A_12 : i32
      %add3A_14 = arith.constant 0 : i32
      %add3A_15 = arith.addi %add3A_14, %mul3A_13 : i32
      "tpu.region"() ({
        %run_scoped3A = tpu.sem_alloc : memref<!tpu.dma_semaphore, #tpu.memory_space<semaphore_mem>>
        %dma_start3A_59 = arith.constant 0 : i32
        %dma_start3A_60 = arith.constant 0 : i32
        %dma_start3A_61 = tpu.memref_slice %arg2[%add3A, %add3A_15, %dma_start3A_59, %dma_start3A_60] : memref<32x20x2x128xi32, #tpu.memory_space<hbm>> -> memref<1x1x2x128xi32, #tpu.memory_space<hbm>>
        %dma_start3A_62 = tpu.memref_squeeze %dma_start3A_61 : memref<1x1x2x128xi32, #tpu.memory_space<hbm>> -> memref<2x128xi32, #tpu.memory_space<hbm>>
        %dma_start3A_63 = arith.constant 0 : i32
        %dma_start3A_64 = arith.constant 0 : i32
        %dma_start3A_65 = tpu.memref_slice %arg2[%add3A, %add3A_15, %dma_start3A_63, %dma_start3A_64] : memref<32x20x2x128xi32, #tpu.memory_space<hbm>> -> memref<1x1x2x128xi32, #tpu.memory_space<hbm>>
        %dma_start3A_66 = tpu.memref_squeeze %dma_start3A_65 : memref<1x1x2x128xi32, #tpu.memory_space<hbm>> -> memref<2x128xi32, #tpu.memory_space<hbm>>
        tpu.enqueue_dma source(%dma_start3A_66 : memref<2x128xi32, #tpu.memory_space<hbm>>) target(%arg5 : memref<2x128xi32, #tpu.memory_space<vmem>>) target_semaphore(%run_scoped3A : memref<!tpu.dma_semaphore, #tpu.memory_space<semaphore_mem>>)
        %dma_wait3A_67 = arith.constant 0 : i32
        %dma_wait3A_68 = arith.constant 0 : i32
        %dma_wait3A_69 = tpu.memref_slice %arg2[%add3A, %add3A_15, %dma_wait3A_67, %dma_wait3A_68] : memref<32x20x2x128xi32, #tpu.memory_space<hbm>> -> memref<1x1x2x128xi32, #tpu.memory_space<hbm>>
        %dma_wait3A_70 = tpu.memref_squeeze %dma_wait3A_69 : memref<1x1x2x128xi32, #tpu.memory_space<hbm>> -> memref<2x128xi32, #tpu.memory_space<hbm>>
        %dma_wait3A_71 = arith.constant 0 : i32
        %dma_wait3A_72 = arith.constant 0 : i32
        %dma_wait3A_73 = tpu.memref_slice %arg2[%add3A, %add3A_15, %dma_wait3A_71, %dma_wait3A_72] : memref<32x20x2x128xi32, #tpu.memory_space<hbm>> -> memref<1x1x2x128xi32, #tpu.memory_space<hbm>>
        %dma_wait3A_74 = tpu.memref_squeeze %dma_wait3A_73 : memref<1x1x2x128xi32, #tpu.memory_space<hbm>> -> memref<2x128xi32, #tpu.memory_space<hbm>>
        tpu.wait_dma2 semaphore(%run_scoped3A : memref<!tpu.dma_semaphore, #tpu.memory_space<semaphore_mem>>) src(%dma_wait3A_74 : memref<2x128xi32, #tpu.memory_space<hbm>>) dst(%arg5 : memref<2x128xi32, #tpu.memory_space<vmem>>)
        tpu.yield
      }) : () -> ()
      %dma_start3A = arith.constant 0 : i32
      %dma_start3A_16 = arith.constant 0 : i32
      %dma_start3A_17 = arith.constant 0 : i32
      %dma_start3A_18 = tpu.memref_slice %arg6[%dma_start3A_16, %dma_start3A_17] : memref<256x64xi32, #tpu.memory_space<vmem>> -> memref<128x64xi32, #tpu.memory_space<vmem>>
      %dma_start3A_19 = arith.constant 0 : i32
      %dma_start3A_20 = tpu.memref_slice %arg5[%dma_start3A, %dma_start3A_19] : memref<2x128xi32, #tpu.memory_space<vmem>> -> memref<1x128xi32, #tpu.memory_space<vmem>>
      %dma_start3A_21 = tpu.memref_squeeze %dma_start3A_20 : memref<1x128xi32, #tpu.memory_space<vmem>> -> memref<128xi32, #tpu.memory_space<vmem>>
      %dma_start3A_22 = arith.constant 0 : i32
      %dma_start3A_23 = arith.constant 0 : i32
      %dma_start3A_24 = tpu.memref_slice %arg7[%dma_start3A_22, %dma_start3A_23] : memref<10000x64xi32, #tpu.memory_space<vmem_shared>> -> memref<10000x64xi32, #tpu.memory_space<vmem_shared>>
      tpu.enqueue_indirect_dma source(%dma_start3A_24 : memref<10000x64xi32, #tpu.memory_space<vmem_shared>>) target(%dma_start3A_18 : memref<128x64xi32, #tpu.memory_space<vmem>>) offsets(%dma_start3A_21 : memref<128xi32, #tpu.memory_space<vmem>>) semaphore(%arg8 : memref<!tpu.dma_semaphore, #tpu.memory_space<semaphore_mem>>)
      %dma_start3A_25 = arith.constant 1 : i32
      %dma_start3A_26 = arith.constant 128 : i32
      %dma_start3A_27 = arith.constant 0 : i32
      %dma_start3A_28 = tpu.memref_slice %arg6[%dma_start3A_26, %dma_start3A_27] : memref<256x64xi32, #tpu.memory_space<vmem>> -> memref<128x64xi32, #tpu.memory_space<vmem>>
      %dma_start3A_29 = arith.constant 0 : i32
      %dma_start3A_30 = tpu.memref_slice %arg5[%dma_start3A_25, %dma_start3A_29] : memref<2x128xi32, #tpu.memory_space<vmem>> -> memref<1x128xi32, #tpu.memory_space<vmem>>
      %dma_start3A_31 = tpu.memref_squeeze %dma_start3A_30 : memref<1x128xi32, #tpu.memory_space<vmem>> -> memref<128xi32, #tpu.memory_space<vmem>>
      %dma_start3A_32 = arith.constant 0 : i32
      %dma_start3A_33 = arith.constant 0 : i32
      %dma_start3A_34 = tpu.memref_slice %arg7[%dma_start3A_32, %dma_start3A_33] : memref<10000x64xi32, #tpu.memory_space<vmem_shared>> -> memref<10000x64xi32, #tpu.memory_space<vmem_shared>>
      tpu.enqueue_indirect_dma source(%dma_start3A_34 : memref<10000x64xi32, #tpu.memory_space<vmem_shared>>) target(%dma_start3A_28 : memref<128x64xi32, #tpu.memory_space<vmem>>) offsets(%dma_start3A_31 : memref<128xi32, #tpu.memory_space<vmem>>) semaphore(%arg8 : memref<!tpu.dma_semaphore, #tpu.memory_space<semaphore_mem>>)
      %dma_wait3A = arith.constant 0 : i32
      %dma_wait3A_35 = arith.constant 0 : i32
      %dma_wait3A_36 = arith.constant 0 : i32
      %dma_wait3A_37 = tpu.memref_slice %arg6[%dma_wait3A_35, %dma_wait3A_36] : memref<256x64xi32, #tpu.memory_space<vmem>> -> memref<128x64xi32, #tpu.memory_space<vmem>>
      %dma_wait3A_38 = arith.constant 0 : i32
      %dma_wait3A_39 = tpu.memref_slice %arg5[%dma_wait3A, %dma_wait3A_38] : memref<2x128xi32, #tpu.memory_space<vmem>> -> memref<1x128xi32, #tpu.memory_space<vmem>>
      %dma_wait3A_40 = tpu.memref_squeeze %dma_wait3A_39 : memref<1x128xi32, #tpu.memory_space<vmem>> -> memref<128xi32, #tpu.memory_space<vmem>>
      %dma_wait3A_41 = arith.constant 0 : i32
      %dma_wait3A_42 = arith.constant 0 : i32
      %dma_wait3A_43 = tpu.memref_slice %arg7[%dma_wait3A_41, %dma_wait3A_42] : memref<10000x64xi32, #tpu.memory_space<vmem_shared>> -> memref<10000x64xi32, #tpu.memory_space<vmem_shared>>
      tpu.wait_indirect_dma semaphore(%arg8 : memref<!tpu.dma_semaphore, #tpu.memory_space<semaphore_mem>>) src(%dma_wait3A_43 : memref<10000x64xi32, #tpu.memory_space<vmem_shared>>) dst(%dma_wait3A_37 : memref<128x64xi32, #tpu.memory_space<vmem>>)
      %dma_wait3A_44 = arith.constant 1 : i32
      %dma_wait3A_45 = arith.constant 128 : i32
      %dma_wait3A_46 = arith.constant 0 : i32
      %dma_wait3A_47 = tpu.memref_slice %arg6[%dma_wait3A_45, %dma_wait3A_46] : memref<256x64xi32, #tpu.memory_space<vmem>> -> memref<128x64xi32, #tpu.memory_space<vmem>>
      %dma_wait3A_48 = arith.constant 0 : i32
      %dma_wait3A_49 = tpu.memref_slice %arg5[%dma_wait3A_44, %dma_wait3A_48] : memref<2x128xi32, #tpu.memory_space<vmem>> -> memref<1x128xi32, #tpu.memory_space<vmem>>
      %dma_wait3A_50 = tpu.memref_squeeze %dma_wait3A_49 : memref<1x128xi32, #tpu.memory_space<vmem>> -> memref<128xi32, #tpu.memory_space<vmem>>
      %dma_wait3A_51 = arith.constant 0 : i32
      %dma_wait3A_52 = arith.constant 0 : i32
      %dma_wait3A_53 = tpu.memref_slice %arg7[%dma_wait3A_51, %dma_wait3A_52] : memref<10000x64xi32, #tpu.memory_space<vmem_shared>> -> memref<10000x64xi32, #tpu.memory_space<vmem_shared>>
      tpu.wait_indirect_dma semaphore(%arg8 : memref<!tpu.dma_semaphore, #tpu.memory_space<semaphore_mem>>) src(%dma_wait3A_53 : memref<10000x64xi32, #tpu.memory_space<vmem_shared>>) dst(%dma_wait3A_47 : memref<128x64xi32, #tpu.memory_space<vmem>>)
      %mul3A_54 = arith.constant 5120 : i32
      %mul3A_55 = arith.muli %add3A, %mul3A_54 : i32
      %mul3A_56 = arith.constant 256 : i32
      %mul3A_57 = arith.muli %add3A_15, %mul3A_56 : i32
      %add3A_58 = arith.addi %mul3A_55, %mul3A_57 : i32
      "tpu.region"() ({
        %run_scoped3A = tpu.sem_alloc : memref<!tpu.dma_semaphore, #tpu.memory_space<semaphore_mem>>
        %dma_start3A_59 = arith.constant 0 : i32
        %dma_start3A_60 = tpu.memref_slice %arg4[%add3A_58, %dma_start3A_59] : memref<163840x64xi32, #tpu.memory_space<hbm>> -> memref<256x64xi32, #tpu.memory_space<hbm>>
        %dma_start3A_61 = arith.constant 0 : i32
        %dma_start3A_62 = tpu.memref_slice %arg4[%add3A_58, %dma_start3A_61] : memref<163840x64xi32, #tpu.memory_space<hbm>> -> memref<256x64xi32, #tpu.memory_space<hbm>>
        tpu.enqueue_dma source(%arg6 : memref<256x64xi32, #tpu.memory_space<vmem>>) target(%dma_start3A_62 : memref<256x64xi32, #tpu.memory_space<hbm>>) target_semaphore(%run_scoped3A : memref<!tpu.dma_semaphore, #tpu.memory_space<semaphore_mem>>)
        %dma_wait3A_63 = arith.constant 0 : i32
        %dma_wait3A_64 = tpu.memref_slice %arg4[%add3A_58, %dma_wait3A_63] : memref<163840x64xi32, #tpu.memory_space<hbm>> -> memref<256x64xi32, #tpu.memory_space<hbm>>
        %dma_wait3A_65 = arith.constant 0 : i32
        %dma_wait3A_66 = tpu.memref_slice %arg4[%add3A_58, %dma_wait3A_65] : memref<163840x64xi32, #tpu.memory_space<hbm>> -> memref<256x64xi32, #tpu.memory_space<hbm>>
        tpu.wait_dma2 semaphore(%run_scoped3A : memref<!tpu.dma_semaphore, #tpu.memory_space<semaphore_mem>>) src(%arg6 : memref<256x64xi32, #tpu.memory_space<vmem>>) dst(%dma_wait3A_66 : memref<256x64xi32, #tpu.memory_space<hbm>>)
        tpu.yield
      }) : () -> ()
    }
    %scan3A_10 = arith.constant 20 : i32
    return
  }
}

#map = affine_map<(d0, d1) -> (0, 0, 0, 0)>
#map1 = affine_map<(d0, d1) -> (0, 0)>
#map2 = affine_map<(d0, d1) -> (0, 0, 0)>
module attributes {stable_mosaic.version = 14 : i64} {
  func.func @_scatter_body(%arg0: i32, %arg1: i32, %arg2: memref<32x20x2x128xi32, #tpu.memory_space<hbm>>, %arg3: memref<163840x128xf32, #tpu.memory_space<hbm>>, %arg4: memref<10112x128xf32, #tpu.memory_space<hbm>>, %arg5: memref<2x10112x128xf32, #tpu.memory_space<hbm>>, %arg6: memref<2x128xi32, #tpu.memory_space<vmem>>, %arg7: memref<256x128xf32, #tpu.memory_space<vmem>>, %arg8: memref<10112x128xf32, #tpu.memory_space<vmem_shared>>, %arg9: memref<!tpu.dma_semaphore, #tpu.memory_space<semaphore_mem>>) attributes {dimension_semantics = [#tpu.dimension_semantics<core_parallel>, #tpu.dimension_semantics<subcore_parallel>], iteration_bounds = array<i64: 2, 16>, scalar_prefetch = 0 : i64, scratch_operands = 4 : i64, tpu.core_type = #tpu.core_type<sc_vector_subcore>, window_params = [{transform_indices = #map}, {transform_indices = #map1}, {transform_indices = #map1}, {transform_indices = #map2}]} {
    %mul3A = arith.constant 2 : i32
    %mul3A_0 = arith.muli %arg1, %mul3A : i32
    %add3A = arith.addi %mul3A_0, %arg0 : i32
    %mul3A_1 = arith.constant 632 : i32
    %mul3A_2 = arith.muli %arg1, %mul3A_1 : i32
    %mul3A_3 = arith.constant 632 : i32
    %mul3A_4 = arith.muli %arg1, %mul3A_3 : i32
    "tpu.region"() ({
      %run_scoped3A = tpu.sem_alloc : memref<!tpu.dma_semaphore, #tpu.memory_space<semaphore_mem>>
      %dma_start3A = arith.constant 0 : i32
      %dma_start3A_14 = tpu.memref_slice %arg8[%mul3A_4, %dma_start3A] : memref<10112x128xf32, #tpu.memory_space<vmem_shared>> -> memref<632x128xf32, #tpu.memory_space<vmem_shared>>
      %dma_start3A_15 = arith.constant 0 : i32
      %dma_start3A_16 = tpu.memref_slice %arg4[%mul3A_2, %dma_start3A_15] : memref<10112x128xf32, #tpu.memory_space<hbm>> -> memref<632x128xf32, #tpu.memory_space<hbm>>
      tpu.enqueue_dma source(%dma_start3A_16 : memref<632x128xf32, #tpu.memory_space<hbm>>) target(%dma_start3A_14 : memref<632x128xf32, #tpu.memory_space<vmem_shared>>) target_semaphore(%run_scoped3A : memref<!tpu.dma_semaphore, #tpu.memory_space<semaphore_mem>>)
      %dma_wait3A = arith.constant 0 : i32
      %dma_wait3A_17 = tpu.memref_slice %arg8[%mul3A_4, %dma_wait3A] : memref<10112x128xf32, #tpu.memory_space<vmem_shared>> -> memref<632x128xf32, #tpu.memory_space<vmem_shared>>
      %dma_wait3A_18 = arith.constant 0 : i32
      %dma_wait3A_19 = tpu.memref_slice %arg4[%mul3A_2, %dma_wait3A_18] : memref<10112x128xf32, #tpu.memory_space<hbm>> -> memref<632x128xf32, #tpu.memory_space<hbm>>
      tpu.wait_dma2 semaphore(%run_scoped3A : memref<!tpu.dma_semaphore, #tpu.memory_space<semaphore_mem>>) src(%dma_wait3A_19 : memref<632x128xf32, #tpu.memory_space<hbm>>) dst(%dma_wait3A_17 : memref<632x128xf32, #tpu.memory_space<vmem_shared>>)
      tpu.yield
    }) : () -> ()
    %barrier3A = arith.constant 0 : index
    tpu.barrier barrier_id(%barrier3A)
    %scan3A = arith.constant 0 : i32
    %scan3A_5 = arith.constant 20 : i32
    %scan3A_6 = arith.addi %scan3A, %scan3A_5 : i32
    %scan3A_7 = arith.constant 1 : i32
    scf.for %scan3A_14 = %scan3A to %scan3A_6 step %scan3A_7  : i32 {
      %mul3A_15 = arith.constant 1 : i32
      %mul3A_16 = arith.muli %scan3A_14, %mul3A_15 : i32
      %add3A_17 = arith.constant 0 : i32
      %add3A_18 = arith.addi %add3A_17, %mul3A_16 : i32
      "tpu.region"() ({
        %run_scoped3A = tpu.sem_alloc : memref<!tpu.dma_semaphore, #tpu.memory_space<semaphore_mem>>
        %dma_start3A_62 = arith.constant 0 : i32
        %dma_start3A_63 = arith.constant 0 : i32
        %dma_start3A_64 = tpu.memref_slice %arg2[%add3A, %add3A_18, %dma_start3A_62, %dma_start3A_63] : memref<32x20x2x128xi32, #tpu.memory_space<hbm>> -> memref<1x1x2x128xi32, #tpu.memory_space<hbm>>
        %dma_start3A_65 = tpu.memref_squeeze %dma_start3A_64 : memref<1x1x2x128xi32, #tpu.memory_space<hbm>> -> memref<2x128xi32, #tpu.memory_space<hbm>>
        %dma_start3A_66 = arith.constant 0 : i32
        %dma_start3A_67 = arith.constant 0 : i32
        %dma_start3A_68 = tpu.memref_slice %arg2[%add3A, %add3A_18, %dma_start3A_66, %dma_start3A_67] : memref<32x20x2x128xi32, #tpu.memory_space<hbm>> -> memref<1x1x2x128xi32, #tpu.memory_space<hbm>>
        %dma_start3A_69 = tpu.memref_squeeze %dma_start3A_68 : memref<1x1x2x128xi32, #tpu.memory_space<hbm>> -> memref<2x128xi32, #tpu.memory_space<hbm>>
        tpu.enqueue_dma source(%dma_start3A_69 : memref<2x128xi32, #tpu.memory_space<hbm>>) target(%arg6 : memref<2x128xi32, #tpu.memory_space<vmem>>) target_semaphore(%run_scoped3A : memref<!tpu.dma_semaphore, #tpu.memory_space<semaphore_mem>>)
        %dma_wait3A_70 = arith.constant 0 : i32
        %dma_wait3A_71 = arith.constant 0 : i32
        %dma_wait3A_72 = tpu.memref_slice %arg2[%add3A, %add3A_18, %dma_wait3A_70, %dma_wait3A_71] : memref<32x20x2x128xi32, #tpu.memory_space<hbm>> -> memref<1x1x2x128xi32, #tpu.memory_space<hbm>>
        %dma_wait3A_73 = tpu.memref_squeeze %dma_wait3A_72 : memref<1x1x2x128xi32, #tpu.memory_space<hbm>> -> memref<2x128xi32, #tpu.memory_space<hbm>>
        %dma_wait3A_74 = arith.constant 0 : i32
        %dma_wait3A_75 = arith.constant 0 : i32
        %dma_wait3A_76 = tpu.memref_slice %arg2[%add3A, %add3A_18, %dma_wait3A_74, %dma_wait3A_75] : memref<32x20x2x128xi32, #tpu.memory_space<hbm>> -> memref<1x1x2x128xi32, #tpu.memory_space<hbm>>
        %dma_wait3A_77 = tpu.memref_squeeze %dma_wait3A_76 : memref<1x1x2x128xi32, #tpu.memory_space<hbm>> -> memref<2x128xi32, #tpu.memory_space<hbm>>
        tpu.wait_dma2 semaphore(%run_scoped3A : memref<!tpu.dma_semaphore, #tpu.memory_space<semaphore_mem>>) src(%dma_wait3A_77 : memref<2x128xi32, #tpu.memory_space<hbm>>) dst(%arg6 : memref<2x128xi32, #tpu.memory_space<vmem>>)
        tpu.yield
      }) : () -> ()
      %mul3A_19 = arith.constant 5120 : i32
      %mul3A_20 = arith.muli %add3A, %mul3A_19 : i32
      %mul3A_21 = arith.constant 256 : i32
      %mul3A_22 = arith.muli %add3A_18, %mul3A_21 : i32
      %add3A_23 = arith.addi %mul3A_20, %mul3A_22 : i32
      "tpu.region"() ({
        %run_scoped3A = tpu.sem_alloc : memref<!tpu.dma_semaphore, #tpu.memory_space<semaphore_mem>>
        %dma_start3A_62 = arith.constant 0 : i32
        %dma_start3A_63 = tpu.memref_slice %arg3[%add3A_23, %dma_start3A_62] : memref<163840x128xf32, #tpu.memory_space<hbm>> -> memref<256x128xf32, #tpu.memory_space<hbm>>
        %dma_start3A_64 = arith.constant 0 : i32
        %dma_start3A_65 = tpu.memref_slice %arg3[%add3A_23, %dma_start3A_64] : memref<163840x128xf32, #tpu.memory_space<hbm>> -> memref<256x128xf32, #tpu.memory_space<hbm>>
        tpu.enqueue_dma source(%dma_start3A_65 : memref<256x128xf32, #tpu.memory_space<hbm>>) target(%arg7 : memref<256x128xf32, #tpu.memory_space<vmem>>) target_semaphore(%run_scoped3A : memref<!tpu.dma_semaphore, #tpu.memory_space<semaphore_mem>>)
        %dma_wait3A_66 = arith.constant 0 : i32
        %dma_wait3A_67 = tpu.memref_slice %arg3[%add3A_23, %dma_wait3A_66] : memref<163840x128xf32, #tpu.memory_space<hbm>> -> memref<256x128xf32, #tpu.memory_space<hbm>>
        %dma_wait3A_68 = arith.constant 0 : i32
        %dma_wait3A_69 = tpu.memref_slice %arg3[%add3A_23, %dma_wait3A_68] : memref<163840x128xf32, #tpu.memory_space<hbm>> -> memref<256x128xf32, #tpu.memory_space<hbm>>
        tpu.wait_dma2 semaphore(%run_scoped3A : memref<!tpu.dma_semaphore, #tpu.memory_space<semaphore_mem>>) src(%dma_wait3A_69 : memref<256x128xf32, #tpu.memory_space<hbm>>) dst(%arg7 : memref<256x128xf32, #tpu.memory_space<vmem>>)
        tpu.yield
      }) : () -> ()
      %dma_start3A = arith.constant 0 : i32
      %dma_start3A_24 = arith.constant 0 : i32
      %dma_start3A_25 = arith.constant 0 : i32
      %dma_start3A_26 = tpu.memref_slice %arg7[%dma_start3A_24, %dma_start3A_25] : memref<256x128xf32, #tpu.memory_space<vmem>> -> memref<128x128xf32, #tpu.memory_space<vmem>>
      %dma_start3A_27 = arith.constant 0 : i32
      %dma_start3A_28 = tpu.memref_slice %arg6[%dma_start3A, %dma_start3A_27] : memref<2x128xi32, #tpu.memory_space<vmem>> -> memref<1x128xi32, #tpu.memory_space<vmem>>
      %dma_start3A_29 = tpu.memref_squeeze %dma_start3A_28 : memref<1x128xi32, #tpu.memory_space<vmem>> -> memref<128xi32, #tpu.memory_space<vmem>>
      %dma_start3A_30 = arith.constant 0 : i32
      %dma_start3A_31 = arith.constant 0 : i32
      %dma_start3A_32 = tpu.memref_slice %arg8[%dma_start3A_30, %dma_start3A_31] : memref<10112x128xf32, #tpu.memory_space<vmem_shared>> -> memref<10112x128xf32, #tpu.memory_space<vmem_shared>>
      tpu.enqueue_indirect_dma source(%dma_start3A_26 : memref<128x128xf32, #tpu.memory_space<vmem>>) target(%dma_start3A_32 : memref<10112x128xf32, #tpu.memory_space<vmem_shared>>) offsets(%dma_start3A_29 : memref<128xi32, #tpu.memory_space<vmem>>) semaphore(%arg9 : memref<!tpu.dma_semaphore, #tpu.memory_space<semaphore_mem>>) {add = true}
      %dma_start3A_33 = arith.constant 1 : i32
      %dma_start3A_34 = arith.constant 128 : i32
      %dma_start3A_35 = arith.constant 0 : i32
      %dma_start3A_36 = tpu.memref_slice %arg7[%dma_start3A_34, %dma_start3A_35] : memref<256x128xf32, #tpu.memory_space<vmem>> -> memref<128x128xf32, #tpu.memory_space<vmem>>
      %dma_start3A_37 = arith.constant 0 : i32
      %dma_start3A_38 = tpu.memref_slice %arg6[%dma_start3A_33, %dma_start3A_37] : memref<2x128xi32, #tpu.memory_space<vmem>> -> memref<1x128xi32, #tpu.memory_space<vmem>>
      %dma_start3A_39 = tpu.memref_squeeze %dma_start3A_38 : memref<1x128xi32, #tpu.memory_space<vmem>> -> memref<128xi32, #tpu.memory_space<vmem>>
      %dma_start3A_40 = arith.constant 0 : i32
      %dma_start3A_41 = arith.constant 0 : i32
      %dma_start3A_42 = tpu.memref_slice %arg8[%dma_start3A_40, %dma_start3A_41] : memref<10112x128xf32, #tpu.memory_space<vmem_shared>> -> memref<10112x128xf32, #tpu.memory_space<vmem_shared>>
      tpu.enqueue_indirect_dma source(%dma_start3A_36 : memref<128x128xf32, #tpu.memory_space<vmem>>) target(%dma_start3A_42 : memref<10112x128xf32, #tpu.memory_space<vmem_shared>>) offsets(%dma_start3A_39 : memref<128xi32, #tpu.memory_space<vmem>>) semaphore(%arg9 : memref<!tpu.dma_semaphore, #tpu.memory_space<semaphore_mem>>) {add = true}
      %dma_wait3A = arith.constant 0 : i32
      %dma_wait3A_43 = arith.constant 0 : i32
      %dma_wait3A_44 = arith.constant 0 : i32
      %dma_wait3A_45 = tpu.memref_slice %arg7[%dma_wait3A_43, %dma_wait3A_44] : memref<256x128xf32, #tpu.memory_space<vmem>> -> memref<128x128xf32, #tpu.memory_space<vmem>>
      %dma_wait3A_46 = arith.constant 0 : i32
      %dma_wait3A_47 = tpu.memref_slice %arg6[%dma_wait3A, %dma_wait3A_46] : memref<2x128xi32, #tpu.memory_space<vmem>> -> memref<1x128xi32, #tpu.memory_space<vmem>>
      %dma_wait3A_48 = tpu.memref_squeeze %dma_wait3A_47 : memref<1x128xi32, #tpu.memory_space<vmem>> -> memref<128xi32, #tpu.memory_space<vmem>>
      %dma_wait3A_49 = arith.constant 0 : i32
      %dma_wait3A_50 = arith.constant 0 : i32
      %dma_wait3A_51 = tpu.memref_slice %arg8[%dma_wait3A_49, %dma_wait3A_50] : memref<10112x128xf32, #tpu.memory_space<vmem_shared>> -> memref<10112x128xf32, #tpu.memory_space<vmem_shared>>
      tpu.wait_indirect_dma semaphore(%arg9 : memref<!tpu.dma_semaphore, #tpu.memory_space<semaphore_mem>>) src(%dma_wait3A_45 : memref<128x128xf32, #tpu.memory_space<vmem>>) dst(%dma_wait3A_51 : memref<10112x128xf32, #tpu.memory_space<vmem_shared>>)
      %dma_wait3A_52 = arith.constant 1 : i32
      %dma_wait3A_53 = arith.constant 128 : i32
      %dma_wait3A_54 = arith.constant 0 : i32
      %dma_wait3A_55 = tpu.memref_slice %arg7[%dma_wait3A_53, %dma_wait3A_54] : memref<256x128xf32, #tpu.memory_space<vmem>> -> memref<128x128xf32, #tpu.memory_space<vmem>>
      %dma_wait3A_56 = arith.constant 0 : i32
      %dma_wait3A_57 = tpu.memref_slice %arg6[%dma_wait3A_52, %dma_wait3A_56] : memref<2x128xi32, #tpu.memory_space<vmem>> -> memref<1x128xi32, #tpu.memory_space<vmem>>
      %dma_wait3A_58 = tpu.memref_squeeze %dma_wait3A_57 : memref<1x128xi32, #tpu.memory_space<vmem>> -> memref<128xi32, #tpu.memory_space<vmem>>
      %dma_wait3A_59 = arith.constant 0 : i32
      %dma_wait3A_60 = arith.constant 0 : i32
      %dma_wait3A_61 = tpu.memref_slice %arg8[%dma_wait3A_59, %dma_wait3A_60] : memref<10112x128xf32, #tpu.memory_space<vmem_shared>> -> memref<10112x128xf32, #tpu.memory_space<vmem_shared>>
      tpu.wait_indirect_dma semaphore(%arg9 : memref<!tpu.dma_semaphore, #tpu.memory_space<semaphore_mem>>) src(%dma_wait3A_55 : memref<128x128xf32, #tpu.memory_space<vmem>>) dst(%dma_wait3A_61 : memref<10112x128xf32, #tpu.memory_space<vmem_shared>>)
    }
    %scan3A_8 = arith.constant 20 : i32
    %barrier3A_9 = arith.constant 0 : index
    tpu.barrier barrier_id(%barrier3A_9)
    %mul3A_10 = arith.constant 632 : i32
    %mul3A_11 = arith.muli %arg1, %mul3A_10 : i32
    %mul3A_12 = arith.constant 632 : i32
    %mul3A_13 = arith.muli %arg1, %mul3A_12 : i32
    "tpu.region"() ({
      %run_scoped3A = tpu.sem_alloc : memref<!tpu.dma_semaphore, #tpu.memory_space<semaphore_mem>>
      %dma_start3A = arith.constant 0 : i32
      %dma_start3A_14 = tpu.memref_slice %arg5[%arg0, %mul3A_13, %dma_start3A] : memref<2x10112x128xf32, #tpu.memory_space<hbm>> -> memref<1x632x128xf32, #tpu.memory_space<hbm>>
      %dma_start3A_15 = tpu.memref_squeeze %dma_start3A_14 : memref<1x632x128xf32, #tpu.memory_space<hbm>> -> memref<632x128xf32, #tpu.memory_space<hbm>>
      %dma_start3A_16 = arith.constant 0 : i32
      %dma_start3A_17 = tpu.memref_slice %arg8[%mul3A_11, %dma_start3A_16] : memref<10112x128xf32, #tpu.memory_space<vmem_shared>> -> memref<632x128xf32, #tpu.memory_space<vmem_shared>>
      tpu.enqueue_dma source(%dma_start3A_17 : memref<632x128xf32, #tpu.memory_space<vmem_shared>>) target(%dma_start3A_15 : memref<632x128xf32, #tpu.memory_space<hbm>>) target_semaphore(%run_scoped3A : memref<!tpu.dma_semaphore, #tpu.memory_space<semaphore_mem>>)
      %dma_wait3A = arith.constant 0 : i32
      %dma_wait3A_18 = tpu.memref_slice %arg5[%arg0, %mul3A_13, %dma_wait3A] : memref<2x10112x128xf32, #tpu.memory_space<hbm>> -> memref<1x632x128xf32, #tpu.memory_space<hbm>>
      %dma_wait3A_19 = tpu.memref_squeeze %dma_wait3A_18 : memref<1x632x128xf32, #tpu.memory_space<hbm>> -> memref<632x128xf32, #tpu.memory_space<hbm>>
      %dma_wait3A_20 = arith.constant 0 : i32
      %dma_wait3A_21 = tpu.memref_slice %arg8[%mul3A_11, %dma_wait3A_20] : memref<10112x128xf32, #tpu.memory_space<vmem_shared>> -> memref<632x128xf32, #tpu.memory_space<vmem_shared>>
      tpu.wait_dma2 semaphore(%run_scoped3A : memref<!tpu.dma_semaphore, #tpu.memory_space<semaphore_mem>>) src(%dma_wait3A_21 : memref<632x128xf32, #tpu.memory_space<vmem_shared>>) dst(%dma_wait3A_19 : memref<632x128xf32, #tpu.memory_space<hbm>>)
      tpu.yield
    }) : () -> ()
    return
  }
}

module attributes {stable_mosaic.version = 14 : i64} {
  func.func @_embed_body(%arg0: i32, %arg1: memref<1x1x1000xi32, #tpu.memory_space<vmem>>, %arg2: memref<100x128xf32, #tpu.memory_space<vmem>>, %arg3: memref<1x128xf32, #tpu.memory_space<vmem>>, %arg4: memref<1000x128xf32, #tpu.memory_space<vmem>>, %arg5: memref<1000x128xbf16, #tpu.memory_space<vmem>>) attributes {dimension_semantics = [#tpu.dimension_semantics<arbitrary>], iteration_bounds = array<i64: 10>, scalar_prefetch = 0 : i64, scratch_operands = 0 : i64, tpu.core_type = #tpu.core_type<tc>, window_params = [{transform_indices = @transform_0, window_bounds = array<i64: 1, 1, 1000>}, {pipeline_mode = #tpu.pipeline_mode<synchronous>, transform_indices = @transform_1, window_bounds = array<i64: 100, 128>}, {pipeline_mode = #tpu.pipeline_mode<synchronous>, transform_indices = @transform_2, window_bounds = array<i64: 1, 128>}, {transform_indices = @transform_3, window_bounds = array<i64: 1000, 128>}, {transform_indices = @transform_4, window_bounds = array<i64: 1000, 128>}]} {
    %get3A = arith.constant 0 : index
    %get3A_0 = arith.constant 0 : index
    %get3A_1 = arith.constant 0 : index
    %get3A_2 = vector.load %arg1[%get3A, %get3A_0, %get3A_1] : memref<1x1x1000xi32, #tpu.memory_space<vmem>>, vector<1x1x1000xi32>
    %get3A_3 = vector.shape_cast %get3A_2 : vector<1x1x1000xi32> to vector<1x1000xi32>
    %iota3A = tpu.iota {dimensions = array<i32: 0>} : vector<100x1000xi32>
    %eq3A = vector.broadcast %get3A_3 : vector<1x1000xi32> to vector<100x1000xi32>
    %eq3A_4 = arith.cmpi eq, %iota3A, %eq3A : vector<100x1000xi32>
    %convert_element_type3A = arith.extui %eq3A_4 : vector<100x1000xi1> to vector<100x1000xi32>
    %convert_element_type3A_5 = arith.sitofp %convert_element_type3A : vector<100x1000xi32> to vector<100x1000xf32>
    %get3A_6 = arith.constant 0 : index
    %get3A_7 = arith.constant 0 : index
    %get3A_8 = vector.load %arg2[%get3A_6, %get3A_7] : memref<100x128xf32, #tpu.memory_space<vmem>>, vector<100x128xf32>
    %dot_general3A = arith.constant dense<0.000000e+00> : vector<1000x128xf32>
    %dot_general3A_9 = tpu.matmul %convert_element_type3A_5, %get3A_8, %dot_general3A {dimension_numbers = #tpu.dot_dimension_numbers<[0], [0], [1], [1], [0, 1, 1, 1], [], []>, transpose_lhs_hint = false} : vector<100x1000xf32>, vector<100x128xf32>, vector<1000x128xf32> -> vector<1000x128xf32>
    %get3A_10 = arith.constant 0 : index
    %get3A_11 = arith.constant 0 : index
    %get3A_12 = vector.load %arg3[%get3A_10, %get3A_11] : memref<1x128xf32, #tpu.memory_space<vmem>>, vector<1x128xf32>
    %add3A = vector.broadcast %get3A_12 : vector<1x128xf32> to vector<1000x128xf32>
    %add3A_13 = arith.addf %dot_general3A_9, %add3A : vector<1000x128xf32>
    %swap3A = arith.constant 0 : index
    %swap3A_14 = arith.constant 0 : index
    %swap3A_15 = vector.load %arg4[%swap3A, %swap3A_14] : memref<1000x128xf32, #tpu.memory_space<vmem>>, vector<1000x128xf32>
    tpu.vector_store %arg4[%swap3A, %swap3A_14], %add3A_13 {strides = array<i32>} : memref<1000x128xf32, #tpu.memory_space<vmem>>, vector<1000x128xf32>,
    %convert_element_type3A_16 = arith.truncf %add3A_13 : vector<1000x128xf32> to vector<1000x128xbf16>
    %swap3A_17 = arith.constant 0 : index
    %swap3A_18 = arith.constant 0 : index
    %swap3A_19 = vector.load %arg5[%swap3A_17, %swap3A_18] : memref<1000x128xbf16, #tpu.memory_space<vmem>>, vector<1000x128xbf16>
    tpu.vector_store %arg5[%swap3A_17, %swap3A_18], %convert_element_type3A_16 {strides = array<i32>} : memref<1000x128xbf16, #tpu.memory_space<vmem>>, vector<1000x128xbf16>,
    return
  }
  func.func @transform_0(%arg0: i32) -> (i32, i32, i32) {
    %c0_i32 = arith.constant 0 : i32
    %c0_i32_0 = arith.constant 0 : i32
    %c0_i32_1 = arith.constant 0 : i32
    return %arg0, %c0_i32, %c0_i32_0 : i32, i32, i32
  }
  func.func @transform_1(%arg0: i32) -> (i32, i32) {
    %c0_i32 = arith.constant 0 : i32
    %c0_i32_0 = arith.constant 0 : i32
    %c0_i32_1 = arith.constant 0 : i32
    return %c0_i32, %c0_i32_0 : i32, i32
  }
  func.func @transform_2(%arg0: i32) -> (i32, i32) {
    %c0_i32 = arith.constant 0 : i32
    %c0_i32_0 = arith.constant 0 : i32
    %c0_i32_1 = arith.constant 0 : i32
    return %c0_i32, %c0_i32_0 : i32, i32
  }
  func.func @transform_3(%arg0: i32) -> (i32, i32) {
    %c0_i32 = arith.constant 0 : i32
    %c0_i32_0 = arith.constant 0 : i32
    return %arg0, %c0_i32 : i32, i32
  }
  func.func @transform_4(%arg0: i32) -> (i32, i32) {
    %c0_i32 = arith.constant 0 : i32
    %c0_i32_0 = arith.constant 0 : i32
    return %arg0, %c0_i32 : i32, i32
  }
}

module attributes {stable_mosaic.version = 14 : i64} {
  func.func @_edge_body(%arg0: i32, %arg1: memref<2048x128xbf16, #tpu.memory_space<vmem>>, %arg2: memref<2048x1xf32, #tpu.memory_space<vmem>>, %arg3: memref<896x128xbf16, #tpu.memory_space<vmem>>, %arg4: memref<2048x128xf32, #tpu.memory_space<vmem>>) attributes {dimension_semantics = [#tpu.dimension_semantics<arbitrary>], iteration_bounds = array<i64: 80>, scalar_prefetch = 0 : i64, scratch_operands = 0 : i64, tpu.core_type = #tpu.core_type<tc>, window_params = [{transform_indices = @transform_0, window_bounds = array<i64: 2048, 128>}, {transform_indices = @transform_1, window_bounds = array<i64: 2048, 1>}, {pipeline_mode = #tpu.pipeline_mode<synchronous>, transform_indices = @transform_2, window_bounds = array<i64: 896, 128>}, {transform_indices = @transform_3, window_bounds = array<i64: 2048, 128>}]} {
    %get3A = arith.constant 0 : index
    %get3A_0 = arith.constant 0 : index
    %get3A_1 = vector.load %arg2[%get3A, %get3A_0] : memref<2048x1xf32, #tpu.memory_space<vmem>>, vector<2048x1xf32>
    %add3A = arith.constant 9.99999996E-13 : f32
    %add3A_2 = vector.broadcast %add3A : f32 to vector<2048x1xf32>
    %add3A_3 = arith.addf %get3A_1, %add3A_2 : vector<2048x1xf32>
    %sqrt3A = math.sqrt %add3A_3 : vector<2048x1xf32>
    %get3A_4 = arith.constant 0 : index
    %get3A_5 = arith.constant 0 : index
    %get3A_6 = vector.load %arg1[%get3A_4, %get3A_5] : memref<2048x128xbf16, #tpu.memory_space<vmem>>, vector<2048x128xbf16>
    %get3A_7 = arith.constant 0 : index
    %get3A_8 = arith.constant 0 : index
    %get3A_9 = vector.load %arg3[%get3A_7, %get3A_8] : memref<896x128xbf16, #tpu.memory_space<vmem>>, vector<896x128xbf16>
    %slice3A = vector.extract_strided_slice %get3A_9 {offsets = [768, 0], sizes = [128, 128], strides = [1, 1]} : vector<896x128xbf16> to vector<128x128xbf16>
    %dot_general3A = arith.constant dense<0.000000e+00> : vector<2048x128xf32>
    %dot_general3A_10 = tpu.matmul %get3A_6, %slice3A, %dot_general3A {dimension_numbers = #tpu.dot_dimension_numbers<[1], [0], [0], [1], [0, 0, 1, 1], [], []>, transpose_lhs_hint = false} : vector<2048x128xbf16>, vector<128x128xbf16>, vector<2048x128xf32> -> vector<2048x128xf32>
    %sub3A = arith.constant 0.000000e+00 : f32
    %sub3A_11 = vector.broadcast %sub3A : f32 to vector<2048x1xf32>
    %sub3A_12 = arith.subf %sqrt3A, %sub3A_11 : vector<2048x1xf32>
    %div3A = arith.constant 1.000000e+00 : f32
    %div3A_13 = vector.broadcast %div3A : f32 to vector<2048x1xf32>
    %div3A_14 = arith.divf %sub3A_12, %div3A_13 : vector<2048x1xf32>
    %integer_pow3A = arith.mulf %div3A_14, %div3A_14 : vector<2048x1xf32>
    %mul3A = arith.constant -5.000000e-01 : f32
    %mul3A_15 = vector.broadcast %mul3A : f32 to vector<2048x1xf32>
    %mul3A_16 = arith.mulf %mul3A_15, %integer_pow3A : vector<2048x1xf32>
    %exp3A = math.exp %mul3A_16 : vector<2048x1xf32>
    %slice3A_17 = vector.extract_strided_slice %get3A_9 {offsets = [0, 0], sizes = [128, 128], strides = [1, 1]} : vector<896x128xbf16> to vector<128x128xbf16>
    %dot_general3A_18 = arith.constant dense<0.000000e+00> : vector<2048x128xf32>
    %dot_general3A_19 = tpu.matmul %get3A_6, %slice3A_17, %dot_general3A_18 {dimension_numbers = #tpu.dot_dimension_numbers<[1], [0], [0], [1], [0, 0, 1, 1], [], []>, transpose_lhs_hint = false} : vector<2048x128xbf16>, vector<128x128xbf16>, vector<2048x128xf32> -> vector<2048x128xf32>
    %mul3A_20 = vector.broadcast %exp3A : vector<2048x1xf32> to vector<2048x128xf32>
    %mul3A_21 = arith.mulf %mul3A_20, %dot_general3A_19 : vector<2048x128xf32>
    %add3A_22 = arith.addf %dot_general3A_10, %mul3A_21 : vector<2048x128xf32>
    %sub3A_23 = arith.constant 1.000000e+00 : f32
    %sub3A_24 = vector.broadcast %sub3A_23 : f32 to vector<2048x1xf32>
    %sub3A_25 = arith.subf %sqrt3A, %sub3A_24 : vector<2048x1xf32>
    %div3A_26 = arith.constant 1.000000e+00 : f32
    %div3A_27 = vector.broadcast %div3A_26 : f32 to vector<2048x1xf32>
    %div3A_28 = arith.divf %sub3A_25, %div3A_27 : vector<2048x1xf32>
    %integer_pow3A_29 = arith.mulf %div3A_28, %div3A_28 : vector<2048x1xf32>
    %mul3A_30 = arith.constant -5.000000e-01 : f32
    %mul3A_31 = vector.broadcast %mul3A_30 : f32 to vector<2048x1xf32>
    %mul3A_32 = arith.mulf %mul3A_31, %integer_pow3A_29 : vector<2048x1xf32>
    %exp3A_33 = math.exp %mul3A_32 : vector<2048x1xf32>
    %slice3A_34 = vector.extract_strided_slice %get3A_9 {offsets = [128, 0], sizes = [128, 128], strides = [1, 1]} : vector<896x128xbf16> to vector<128x128xbf16>
    %dot_general3A_35 = arith.constant dense<0.000000e+00> : vector<2048x128xf32>
    %dot_general3A_36 = tpu.matmul %get3A_6, %slice3A_34, %dot_general3A_35 {dimension_numbers = #tpu.dot_dimension_numbers<[1], [0], [0], [1], [0, 0, 1, 1], [], []>, transpose_lhs_hint = false} : vector<2048x128xbf16>, vector<128x128xbf16>, vector<2048x128xf32> -> vector<2048x128xf32>
    %mul3A_37 = vector.broadcast %exp3A_33 : vector<2048x1xf32> to vector<2048x128xf32>
    %mul3A_38 = arith.mulf %mul3A_37, %dot_general3A_36 : vector<2048x128xf32>
    %add3A_39 = arith.addf %add3A_22, %mul3A_38 : vector<2048x128xf32>
    %sub3A_40 = arith.constant 2.000000e+00 : f32
    %sub3A_41 = vector.broadcast %sub3A_40 : f32 to vector<2048x1xf32>
    %sub3A_42 = arith.subf %sqrt3A, %sub3A_41 : vector<2048x1xf32>
    %div3A_43 = arith.constant 1.000000e+00 : f32
    %div3A_44 = vector.broadcast %div3A_43 : f32 to vector<2048x1xf32>
    %div3A_45 = arith.divf %sub3A_42, %div3A_44 : vector<2048x1xf32>
    %integer_pow3A_46 = arith.mulf %div3A_45, %div3A_45 : vector<2048x1xf32>
    %mul3A_47 = arith.constant -5.000000e-01 : f32
    %mul3A_48 = vector.broadcast %mul3A_47 : f32 to vector<2048x1xf32>
    %mul3A_49 = arith.mulf %mul3A_48, %integer_pow3A_46 : vector<2048x1xf32>
    %exp3A_50 = math.exp %mul3A_49 : vector<2048x1xf32>
    %slice3A_51 = vector.extract_strided_slice %get3A_9 {offsets = [256, 0], sizes = [128, 128], strides = [1, 1]} : vector<896x128xbf16> to vector<128x128xbf16>
    %dot_general3A_52 = arith.constant dense<0.000000e+00> : vector<2048x128xf32>
    %dot_general3A_53 = tpu.matmul %get3A_6, %slice3A_51, %dot_general3A_52 {dimension_numbers = #tpu.dot_dimension_numbers<[1], [0], [0], [1], [0, 0, 1, 1], [], []>, transpose_lhs_hint = false} : vector<2048x128xbf16>, vector<128x128xbf16>, vector<2048x128xf32> -> vector<2048x128xf32>
    %mul3A_54 = vector.broadcast %exp3A_50 : vector<2048x1xf32> to vector<2048x128xf32>
    %mul3A_55 = arith.mulf %mul3A_54, %dot_general3A_53 : vector<2048x128xf32>
    %add3A_56 = arith.addf %add3A_39, %mul3A_55 : vector<2048x128xf32>
    %sub3A_57 = arith.constant 3.000000e+00 : f32
    %sub3A_58 = vector.broadcast %sub3A_57 : f32 to vector<2048x1xf32>
    %sub3A_59 = arith.subf %sqrt3A, %sub3A_58 : vector<2048x1xf32>
    %div3A_60 = arith.constant 1.000000e+00 : f32
    %div3A_61 = vector.broadcast %div3A_60 : f32 to vector<2048x1xf32>
    %div3A_62 = arith.divf %sub3A_59, %div3A_61 : vector<2048x1xf32>
    %integer_pow3A_63 = arith.mulf %div3A_62, %div3A_62 : vector<2048x1xf32>
    %mul3A_64 = arith.constant -5.000000e-01 : f32
    %mul3A_65 = vector.broadcast %mul3A_64 : f32 to vector<2048x1xf32>
    %mul3A_66 = arith.mulf %mul3A_65, %integer_pow3A_63 : vector<2048x1xf32>
    %exp3A_67 = math.exp %mul3A_66 : vector<2048x1xf32>
    %slice3A_68 = vector.extract_strided_slice %get3A_9 {offsets = [384, 0], sizes = [128, 128], strides = [1, 1]} : vector<896x128xbf16> to vector<128x128xbf16>
    %dot_general3A_69 = arith.constant dense<0.000000e+00> : vector<2048x128xf32>
    %dot_general3A_70 = tpu.matmul %get3A_6, %slice3A_68, %dot_general3A_69 {dimension_numbers = #tpu.dot_dimension_numbers<[1], [0], [0], [1], [0, 0, 1, 1], [], []>, transpose_lhs_hint = false} : vector<2048x128xbf16>, vector<128x128xbf16>, vector<2048x128xf32> -> vector<2048x128xf32>
    %mul3A_71 = vector.broadcast %exp3A_67 : vector<2048x1xf32> to vector<2048x128xf32>
    %mul3A_72 = arith.mulf %mul3A_71, %dot_general3A_70 : vector<2048x128xf32>
    %add3A_73 = arith.addf %add3A_56, %mul3A_72 : vector<2048x128xf32>
    %sub3A_74 = arith.constant 4.000000e+00 : f32
    %sub3A_75 = vector.broadcast %sub3A_74 : f32 to vector<2048x1xf32>
    %sub3A_76 = arith.subf %sqrt3A, %sub3A_75 : vector<2048x1xf32>
    %div3A_77 = arith.constant 1.000000e+00 : f32
    %div3A_78 = vector.broadcast %div3A_77 : f32 to vector<2048x1xf32>
    %div3A_79 = arith.divf %sub3A_76, %div3A_78 : vector<2048x1xf32>
    %integer_pow3A_80 = arith.mulf %div3A_79, %div3A_79 : vector<2048x1xf32>
    %mul3A_81 = arith.constant -5.000000e-01 : f32
    %mul3A_82 = vector.broadcast %mul3A_81 : f32 to vector<2048x1xf32>
    %mul3A_83 = arith.mulf %mul3A_82, %integer_pow3A_80 : vector<2048x1xf32>
    %exp3A_84 = math.exp %mul3A_83 : vector<2048x1xf32>
    %slice3A_85 = vector.extract_strided_slice %get3A_9 {offsets = [512, 0], sizes = [128, 128], strides = [1, 1]} : vector<896x128xbf16> to vector<128x128xbf16>
    %dot_general3A_86 = arith.constant dense<0.000000e+00> : vector<2048x128xf32>
    %dot_general3A_87 = tpu.matmul %get3A_6, %slice3A_85, %dot_general3A_86 {dimension_numbers = #tpu.dot_dimension_numbers<[1], [0], [0], [1], [0, 0, 1, 1], [], []>, transpose_lhs_hint = false} : vector<2048x128xbf16>, vector<128x128xbf16>, vector<2048x128xf32> -> vector<2048x128xf32>
    %mul3A_88 = vector.broadcast %exp3A_84 : vector<2048x1xf32> to vector<2048x128xf32>
    %mul3A_89 = arith.mulf %mul3A_88, %dot_general3A_87 : vector<2048x128xf32>
    %add3A_90 = arith.addf %add3A_73, %mul3A_89 : vector<2048x128xf32>
    %sub3A_91 = arith.constant 5.000000e+00 : f32
    %sub3A_92 = vector.broadcast %sub3A_91 : f32 to vector<2048x1xf32>
    %sub3A_93 = arith.subf %sqrt3A, %sub3A_92 : vector<2048x1xf32>
    %div3A_94 = arith.constant 1.000000e+00 : f32
    %div3A_95 = vector.broadcast %div3A_94 : f32 to vector<2048x1xf32>
    %div3A_96 = arith.divf %sub3A_93, %div3A_95 : vector<2048x1xf32>
    %integer_pow3A_97 = arith.mulf %div3A_96, %div3A_96 : vector<2048x1xf32>
    %mul3A_98 = arith.constant -5.000000e-01 : f32
    %mul3A_99 = vector.broadcast %mul3A_98 : f32 to vector<2048x1xf32>
    %mul3A_100 = arith.mulf %mul3A_99, %integer_pow3A_97 : vector<2048x1xf32>
    %exp3A_101 = math.exp %mul3A_100 : vector<2048x1xf32>
    %slice3A_102 = vector.extract_strided_slice %get3A_9 {offsets = [640, 0], sizes = [128, 128], strides = [1, 1]} : vector<896x128xbf16> to vector<128x128xbf16>
    %dot_general3A_103 = arith.constant dense<0.000000e+00> : vector<2048x128xf32>
    %dot_general3A_104 = tpu.matmul %get3A_6, %slice3A_102, %dot_general3A_103 {dimension_numbers = #tpu.dot_dimension_numbers<[1], [0], [0], [1], [0, 0, 1, 1], [], []>, transpose_lhs_hint = false} : vector<2048x128xbf16>, vector<128x128xbf16>, vector<2048x128xf32> -> vector<2048x128xf32>
    %mul3A_105 = vector.broadcast %exp3A_101 : vector<2048x1xf32> to vector<2048x128xf32>
    %mul3A_106 = arith.mulf %mul3A_105, %dot_general3A_104 : vector<2048x128xf32>
    %add3A_107 = arith.addf %add3A_90, %mul3A_106 : vector<2048x128xf32>
    %mul3A_108 = arith.constant 0.00999999977 : f32
    %mul3A_109 = vector.broadcast %mul3A_108 : f32 to vector<2048x128xf32>
    %mul3A_110 = arith.mulf %add3A_107, %mul3A_109 : vector<2048x128xf32>
    %neg3A = arith.constant 0.000000e+00 : f32
    %neg3A_111 = vector.broadcast %neg3A : f32 to vector<2048x128xf32>
    %neg3A_112 = arith.subf %neg3A_111, %mul3A_110 : vector<2048x128xf32>
    %exp3A_113 = math.exp %neg3A_112 : vector<2048x128xf32>
    %add3A_114 = arith.constant 1.000000e+00 : f32
    %add3A_115 = vector.broadcast %add3A_114 : f32 to vector<2048x128xf32>
    %add3A_116 = arith.addf %add3A_115, %exp3A_113 : vector<2048x128xf32>
    %div3A_117 = arith.constant 1.000000e+00 : f32
    %div3A_118 = vector.broadcast %div3A_117 : f32 to vector<2048x128xf32>
    %div3A_119 = arith.divf %div3A_118, %add3A_116 : vector<2048x128xf32>
    %mul3A_120 = arith.mulf %mul3A_110, %div3A_119 : vector<2048x128xf32>
    %mul3A_121 = arith.constant 2048 : i32
    %mul3A_122 = arith.muli %arg0, %mul3A_121 : i32
    %iota3A = tpu.iota {dimensions = array<i32: 0>} : vector<2048x1xi32>
    %add3A_123 = vector.broadcast %mul3A_122 : i32 to vector<2048x1xi32>
    %add3A_124 = arith.addi %add3A_123, %iota3A : vector<2048x1xi32>
    %lt3A = arith.constant 160000 : i32
    %lt3A_125 = vector.broadcast %lt3A : i32 to vector<2048x1xi32>
    %lt3A_126 = arith.cmpi slt, %add3A_124, %lt3A_125 : vector<2048x1xi32>
    %jit3A = arith.constant 0.000000e+00 : f32
    %broadcast_in_dim3A = vector.shape_cast %lt3A_126 : vector<2048x1xi1> to vector<2048x1xi1>
    %broadcast_in_dim3A_127 = vector.broadcast %broadcast_in_dim3A : vector<2048x1xi1> to vector<2048x128xi1>
    %broadcast_in_dim3A_128 = vector.broadcast %jit3A : f32 to vector<2048x128xf32>
    %select_n3A = arith.select %broadcast_in_dim3A_127, %mul3A_120, %broadcast_in_dim3A_128 : vector<2048x128xi1>, vector<2048x128xf32>
    %swap3A = arith.constant 0 : index
    %swap3A_129 = arith.constant 0 : index
    %swap3A_130 = vector.load %arg4[%swap3A, %swap3A_129] : memref<2048x128xf32, #tpu.memory_space<vmem>>, vector<2048x128xf32>
    tpu.vector_store %arg4[%swap3A, %swap3A_129], %select_n3A {strides = array<i32>} : memref<2048x128xf32, #tpu.memory_space<vmem>>, vector<2048x128xf32>,
    return
  }
  func.func @transform_0(%arg0: i32) -> (i32, i32) {
    %c0_i32 = arith.constant 0 : i32
    %c0_i32_0 = arith.constant 0 : i32
    return %arg0, %c0_i32 : i32, i32
  }
  func.func @transform_1(%arg0: i32) -> (i32, i32) {
    %c0_i32 = arith.constant 0 : i32
    %c0_i32_0 = arith.constant 0 : i32
    return %arg0, %c0_i32 : i32, i32
  }
  func.func @transform_2(%arg0: i32) -> (i32, i32) {
    %c0_i32 = arith.constant 0 : i32
    %c0_i32_0 = arith.constant 0 : i32
    %c0_i32_1 = arith.constant 0 : i32
    return %c0_i32, %c0_i32_0 : i32, i32
  }
  func.func @transform_3(%arg0: i32) -> (i32, i32) {
    %c0_i32 = arith.constant 0 : i32
    %c0_i32_0 = arith.constant 0 : i32
    return %arg0, %c0_i32 : i32, i32
  }
}

module attributes {stable_mosaic.version = 14 : i64} {
  func.func @_add_body(%arg0: i32, %arg1: memref<1000x128xf32, #tpu.memory_space<vmem>>, %arg2: memref<1000x128xf32, #tpu.memory_space<vmem>>, %arg3: memref<1000x128xf32, #tpu.memory_space<vmem>>, %arg4: memref<1000x128xf32, #tpu.memory_space<vmem>>, %arg5: memref<1000x128xbf16, #tpu.memory_space<vmem>>) attributes {dimension_semantics = [#tpu.dimension_semantics<arbitrary>], iteration_bounds = array<i64: 10>, scalar_prefetch = 0 : i64, scratch_operands = 0 : i64, tpu.core_type = #tpu.core_type<tc>, window_params = [{transform_indices = @transform_0, window_bounds = array<i64: 1000, 128>}, {transform_indices = @transform_1, window_bounds = array<i64: 1000, 128>}, {transform_indices = @transform_2, window_bounds = array<i64: 1000, 128>}, {transform_indices = @transform_3, window_bounds = array<i64: 1000, 128>}, {transform_indices = @transform_4, window_bounds = array<i64: 1000, 128>}]} {
    %get3A = arith.constant 0 : index
    %get3A_0 = arith.constant 0 : index
    %get3A_1 = vector.load %arg1[%get3A, %get3A_0] : memref<1000x128xf32, #tpu.memory_space<vmem>>, vector<1000x128xf32>
    %get3A_2 = arith.constant 0 : index
    %get3A_3 = arith.constant 0 : index
    %get3A_4 = vector.load %arg2[%get3A_2, %get3A_3] : memref<1000x128xf32, #tpu.memory_space<vmem>>, vector<1000x128xf32>
    %add3A = arith.addf %get3A_1, %get3A_4 : vector<1000x128xf32>
    %get3A_5 = arith.constant 0 : index
    %get3A_6 = arith.constant 0 : index
    %get3A_7 = vector.load %arg3[%get3A_5, %get3A_6] : memref<1000x128xf32, #tpu.memory_space<vmem>>, vector<1000x128xf32>
    %add3A_8 = arith.addf %add3A, %get3A_7 : vector<1000x128xf32>
    %swap3A = arith.constant 0 : index
    %swap3A_9 = arith.constant 0 : index
    %swap3A_10 = vector.load %arg4[%swap3A, %swap3A_9] : memref<1000x128xf32, #tpu.memory_space<vmem>>, vector<1000x128xf32>
    tpu.vector_store %arg4[%swap3A, %swap3A_9], %add3A_8 {strides = array<i32>} : memref<1000x128xf32, #tpu.memory_space<vmem>>, vector<1000x128xf32>,
    %convert_element_type3A = arith.truncf %add3A_8 : vector<1000x128xf32> to vector<1000x128xbf16>
    %swap3A_11 = arith.constant 0 : index
    %swap3A_12 = arith.constant 0 : index
    %swap3A_13 = vector.load %arg5[%swap3A_11, %swap3A_12] : memref<1000x128xbf16, #tpu.memory_space<vmem>>, vector<1000x128xbf16>
    tpu.vector_store %arg5[%swap3A_11, %swap3A_12], %convert_element_type3A {strides = array<i32>} : memref<1000x128xbf16, #tpu.memory_space<vmem>>, vector<1000x128xbf16>,
    return
  }
  func.func @transform_0(%arg0: i32) -> (i32, i32) {
    %c0_i32 = arith.constant 0 : i32
    %c0_i32_0 = arith.constant 0 : i32
    return %arg0, %c0_i32 : i32, i32
  }
  func.func @transform_1(%arg0: i32) -> (i32, i32) {
    %c0_i32 = arith.constant 0 : i32
    %c0_i32_0 = arith.constant 0 : i32
    return %arg0, %c0_i32 : i32, i32
  }
  func.func @transform_2(%arg0: i32) -> (i32, i32) {
    %c0_i32 = arith.constant 0 : i32
    %c0_i32_0 = arith.constant 0 : i32
    return %arg0, %c0_i32 : i32, i32
  }
  func.func @transform_3(%arg0: i32) -> (i32, i32) {
    %c0_i32 = arith.constant 0 : i32
    %c0_i32_0 = arith.constant 0 : i32
    return %arg0, %c0_i32 : i32, i32
  }
  func.func @transform_4(%arg0: i32) -> (i32, i32) {
    %c0_i32 = arith.constant 0 : i32
    %c0_i32_0 = arith.constant 0 : i32
    return %arg0, %c0_i32 : i32, i32
  }
}

module attributes {stable_mosaic.version = 14 : i64} {
  func.func @_readout_body(%arg0: i32, %arg1: memref<1000x128xf32, #tpu.memory_space<vmem>>, %arg2: memref<1000x128xf32, #tpu.memory_space<vmem>>, %arg3: memref<1000x128xf32, #tpu.memory_space<vmem>>, %arg4: memref<128x64xf32, #tpu.memory_space<vmem>>, %arg5: memref<1x64xf32, #tpu.memory_space<vmem>>, %arg6: memref<64x1xf32, #tpu.memory_space<vmem>>, %arg7: memref<1x1xf32, #tpu.memory_space<vmem>>, %arg8: memref<1x1xf32, #tpu.memory_space<vmem>>, %arg9: memref<1000x128xf32, #tpu.memory_space<vmem>>, %arg10: memref<1x1xf32, #tpu.memory_space<vmem>>, %arg11: memref<1x1xf32, #tpu.memory_space<vmem>>) attributes {dimension_semantics = [#tpu.dimension_semantics<arbitrary>], iteration_bounds = array<i64: 10>, scalar_prefetch = 0 : i64, scratch_operands = 0 : i64, tpu.core_type = #tpu.core_type<tc>, window_params = [{transform_indices = @transform_0, window_bounds = array<i64: 1000, 128>}, {transform_indices = @transform_1, window_bounds = array<i64: 1000, 128>}, {transform_indices = @transform_2, window_bounds = array<i64: 1000, 128>}, {pipeline_mode = #tpu.pipeline_mode<synchronous>, transform_indices = @transform_3, window_bounds = array<i64: 128, 64>}, {pipeline_mode = #tpu.pipeline_mode<synchronous>, transform_indices = @transform_4, window_bounds = array<i64: 1, 64>}, {pipeline_mode = #tpu.pipeline_mode<synchronous>, transform_indices = @transform_5, window_bounds = array<i64: 64, 1>}, {pipeline_mode = #tpu.pipeline_mode<synchronous>, transform_indices = @transform_6, window_bounds = array<i64: 1, 1>}, {pipeline_mode = #tpu.pipeline_mode<synchronous>, transform_indices = @transform_7, window_bounds = array<i64: 1, 1>}, {transform_indices = @transform_8, window_bounds = array<i64: 1000, 128>}, {pipeline_mode = #tpu.pipeline_mode<synchronous>, transform_indices = @transform_9, window_bounds = array<i64: 1, 1>}, {pipeline_mode = #tpu.pipeline_mode<synchronous>, transform_indices = @transform_10, window_bounds = array<i64: 1, 1>}]} {
    %get3A = arith.constant 0 : index
    %get3A_0 = arith.constant 0 : index
    %get3A_1 = vector.load %arg1[%get3A, %get3A_0] : memref<1000x128xf32, #tpu.memory_space<vmem>>, vector<1000x128xf32>
    %get3A_2 = arith.constant 0 : index
    %get3A_3 = arith.constant 0 : index
    %get3A_4 = vector.load %arg2[%get3A_2, %get3A_3] : memref<1000x128xf32, #tpu.memory_space<vmem>>, vector<1000x128xf32>
    %add3A = arith.addf %get3A_1, %get3A_4 : vector<1000x128xf32>
    %get3A_5 = arith.constant 0 : index
    %get3A_6 = arith.constant 0 : index
    %get3A_7 = vector.load %arg3[%get3A_5, %get3A_6] : memref<1000x128xf32, #tpu.memory_space<vmem>>, vector<1000x128xf32>
    %add3A_8 = arith.addf %add3A, %get3A_7 : vector<1000x128xf32>
    %swap3A = arith.constant 0 : index
    %swap3A_9 = arith.constant 0 : index
    %swap3A_10 = vector.load %arg9[%swap3A, %swap3A_9] : memref<1000x128xf32, #tpu.memory_space<vmem>>, vector<1000x128xf32>
    tpu.vector_store %arg9[%swap3A, %swap3A_9], %add3A_8 {strides = array<i32>} : memref<1000x128xf32, #tpu.memory_space<vmem>>, vector<1000x128xf32>,
    %get3A_11 = arith.constant 0 : index
    %get3A_12 = arith.constant 0 : index
    %get3A_13 = vector.load %arg4[%get3A_11, %get3A_12] : memref<128x64xf32, #tpu.memory_space<vmem>>, vector<128x64xf32>
    %dot_general3A = arith.constant dense<0.000000e+00> : vector<1000x64xf32>
    %dot_general3A_14 = tpu.matmul %add3A_8, %get3A_13, %dot_general3A {dimension_numbers = #tpu.dot_dimension_numbers<[1], [0], [0], [1], [0, 0, 1, 1], [], []>, transpose_lhs_hint = false} : vector<1000x128xf32>, vector<128x64xf32>, vector<1000x64xf32> -> vector<1000x64xf32>
    %get3A_15 = arith.constant 0 : index
    %get3A_16 = arith.constant 0 : index
    %get3A_17 = vector.load %arg5[%get3A_15, %get3A_16] : memref<1x64xf32, #tpu.memory_space<vmem>>, vector<1x64xf32>
    %add3A_18 = vector.broadcast %get3A_17 : vector<1x64xf32> to vector<1000x64xf32>
    %add3A_19 = arith.addf %dot_general3A_14, %add3A_18 : vector<1000x64xf32>
    %neg3A = arith.constant 0.000000e+00 : f32
    %neg3A_20 = vector.broadcast %neg3A : f32 to vector<1000x64xf32>
    %neg3A_21 = arith.subf %neg3A_20, %add3A_19 : vector<1000x64xf32>
    %exp3A = math.exp %neg3A_21 : vector<1000x64xf32>
    %add3A_22 = arith.constant 1.000000e+00 : f32
    %add3A_23 = vector.broadcast %add3A_22 : f32 to vector<1000x64xf32>
    %add3A_24 = arith.addf %add3A_23, %exp3A : vector<1000x64xf32>
    %div3A = arith.constant 1.000000e+00 : f32
    %div3A_25 = vector.broadcast %div3A : f32 to vector<1000x64xf32>
    %div3A_26 = arith.divf %div3A_25, %add3A_24 : vector<1000x64xf32>
    %mul3A = arith.mulf %add3A_19, %div3A_26 : vector<1000x64xf32>
    %get3A_27 = arith.constant 0 : index
    %get3A_28 = arith.constant 0 : index
    %get3A_29 = vector.load %arg6[%get3A_27, %get3A_28] : memref<64x1xf32, #tpu.memory_space<vmem>>, vector<64x1xf32>
    %dot_general3A_30 = arith.constant dense<0.000000e+00> : vector<1000x1xf32>
    %dot_general3A_31 = tpu.matmul %mul3A, %get3A_29, %dot_general3A_30 {dimension_numbers = #tpu.dot_dimension_numbers<[1], [0], [0], [1], [0, 0, 1, 1], [], []>, transpose_lhs_hint = false} : vector<1000x64xf32>, vector<64x1xf32>, vector<1000x1xf32> -> vector<1000x1xf32>
    %reduce_sum3A = vector.shape_cast %dot_general3A_31 : vector<1000x1xf32> to vector<1x1000x1xf32>
    %reduce_sum3A_32 = arith.constant dense<0.000000e+00> : vector<1xf32>
    %reduce_sum3A_33 = vector.multi_reduction <add>, %reduce_sum3A, %reduce_sum3A_32 [1, 2] : vector<1x1000x1xf32> to vector<1xf32>
    %reduce_sum3A_34 = vector.shape_cast %reduce_sum3A_33 : vector<1xf32> to vector<1x1x1xf32>
    %reduce_sum3A_35 = vector.extract %reduce_sum3A_34[0, 0, 0] : f32 from vector<1x1x1xf32>
    %eq3A = arith.constant 0 : i32
    %eq3A_36 = arith.cmpi eq, %arg0, %eq3A : i32
    %convert_element_type3A = arith.extui %eq3A_36 : i1 to i32
    %cond3A = arith.constant 0 : i32
    %cond3A_37 = arith.cmpi ne, %convert_element_type3A, %cond3A : i32
    scf.if %cond3A_37 {
      %get3A_46 = arith.constant 0 : index
      %get3A_47 = arith.constant 0 : index
      %get3A_48 = vector.load %arg7[%get3A_46, %get3A_47] : memref<1x1xf32, #tpu.memory_space<vmem>>, vector<1x1xf32>
      %mul3A_49 = arith.constant 1.000000e+04 : f32
      %mul3A_50 = vector.broadcast %mul3A_49 : f32 to vector<1x1xf32>
      %mul3A_51 = arith.mulf %mul3A_50, %get3A_48 : vector<1x1xf32>
      %swap3A_52 = arith.constant 0 : index
      %swap3A_53 = arith.constant 0 : index
      %swap3A_54 = vector.load %arg10[%swap3A_52, %swap3A_53] : memref<1x1xf32, #tpu.memory_space<vmem>>, vector<1x1xf32>
      tpu.vector_store %arg10[%swap3A_52, %swap3A_53], %mul3A_51 {strides = array<i32>} : memref<1x1xf32, #tpu.memory_space<vmem>>, vector<1x1xf32>,
      %get3A_55 = arith.constant 0 : index
      %get3A_56 = arith.constant 0 : index
      %get3A_57 = vector.load %arg8[%get3A_55, %get3A_56] : memref<1x1xf32, #tpu.memory_space<vmem>>, vector<1x1xf32>
      %mul3A_58 = arith.constant -4.336410e+01 : f32
      %mul3A_59 = vector.broadcast %mul3A_58 : f32 to vector<1x1xf32>
      %mul3A_60 = arith.mulf %get3A_57, %mul3A_59 : vector<1x1xf32>
      %swap3A_61 = arith.constant 0 : index
      %swap3A_62 = arith.constant 0 : index
      %swap3A_63 = vector.load %arg11[%swap3A_61, %swap3A_62] : memref<1x1xf32, #tpu.memory_space<vmem>>, vector<1x1xf32>
      tpu.vector_store %arg11[%swap3A_61, %swap3A_62], %mul3A_60 {strides = array<i32>} : memref<1x1xf32, #tpu.memory_space<vmem>>, vector<1x1xf32>,
    } else {
    }
    %get3A_38 = arith.constant 0 : index
    %get3A_39 = arith.constant 0 : index
    %get3A_40 = vector.load %arg10[%get3A_38, %get3A_39] : memref<1x1xf32, #tpu.memory_space<vmem>>, vector<1x1xf32>
    %add3A_41 = vector.broadcast %reduce_sum3A_35 : f32 to vector<1x1xf32>
    %add3A_42 = arith.addf %get3A_40, %add3A_41 : vector<1x1xf32>
    %swap3A_43 = arith.constant 0 : index
    %swap3A_44 = arith.constant 0 : index
    %swap3A_45 = vector.load %arg10[%swap3A_43, %swap3A_44] : memref<1x1xf32, #tpu.memory_space<vmem>>, vector<1x1xf32>
    tpu.vector_store %arg10[%swap3A_43, %swap3A_44], %add3A_42 {strides = array<i32>} : memref<1x1xf32, #tpu.memory_space<vmem>>, vector<1x1xf32>,
    return
  }
  func.func @transform_0(%arg0: i32) -> (i32, i32) {
    %c0_i32 = arith.constant 0 : i32
    %c0_i32_0 = arith.constant 0 : i32
    return %arg0, %c0_i32 : i32, i32
  }
  func.func @transform_1(%arg0: i32) -> (i32, i32) {
    %c0_i32 = arith.constant 0 : i32
    %c0_i32_0 = arith.constant 0 : i32
    return %arg0, %c0_i32 : i32, i32
  }
  func.func @transform_2(%arg0: i32) -> (i32, i32) {
    %c0_i32 = arith.constant 0 : i32
    %c0_i32_0 = arith.constant 0 : i32
    return %arg0, %c0_i32 : i32, i32
  }
  func.func @transform_3(%arg0: i32) -> (i32, i32) {
    %c0_i32 = arith.constant 0 : i32
    %c0_i32_0 = arith.constant 0 : i32
    %c0_i32_1 = arith.constant 0 : i32
    return %c0_i32, %c0_i32_0 : i32, i32
  }
  func.func @transform_4(%arg0: i32) -> (i32, i32) {
    %c0_i32 = arith.constant 0 : i32
    %c0_i32_0 = arith.constant 0 : i32
    %c0_i32_1 = arith.constant 0 : i32
    return %c0_i32, %c0_i32_0 : i32, i32
  }
  func.func @transform_5(%arg0: i32) -> (i32, i32) {
    %c0_i32 = arith.constant 0 : i32
    %c0_i32_0 = arith.constant 0 : i32
    %c0_i32_1 = arith.constant 0 : i32
    return %c0_i32, %c0_i32_0 : i32, i32
  }
  func.func @transform_6(%arg0: i32) -> (i32, i32) {
    %c0_i32 = arith.constant 0 : i32
    %c0_i32_0 = arith.constant 0 : i32
    %c0_i32_1 = arith.constant 0 : i32
    return %c0_i32, %c0_i32_0 : i32, i32
  }
  func.func @transform_7(%arg0: i32) -> (i32, i32) {
    %c0_i32 = arith.constant 0 : i32
    %c0_i32_0 = arith.constant 0 : i32
    %c0_i32_1 = arith.constant 0 : i32
    return %c0_i32, %c0_i32_0 : i32, i32
  }
  func.func @transform_8(%arg0: i32) -> (i32, i32) {
    %c0_i32 = arith.constant 0 : i32
    %c0_i32_0 = arith.constant 0 : i32
    return %arg0, %c0_i32 : i32, i32
  }
  func.func @transform_9(%arg0: i32) -> (i32, i32) {
    %c0_i32 = arith.constant 0 : i32
    %c0_i32_0 = arith.constant 0 : i32
    %c0_i32_1 = arith.constant 0 : i32
    return %c0_i32, %c0_i32_0 : i32, i32
  }
  func.func @transform_10(%arg0: i32) -> (i32, i32) {
    %c0_i32 = arith.constant 0 : i32
    %c0_i32_0 = arith.constant 0 : i32
    %c0_i32_1 = arith.constant 0 : i32
    return %c0_i32, %c0_i32_0 : i32, i32
  }
}

</mosaic_0001>

<sc_bundles>
// kernel: kernel.12.cloned.1.call-start
scs
__scs_entry_jumppad:
0x0: {  	(pc) =	sbr.rel $0x88, $3  }
0x1: {  	(tag) =	ssettag $0x0;
	lr =	simm.s32 $0x1  }
0x2: {  	[smem:$0x3F95] =	sst lr;
	_ =	strace $0xD0000000  }
0x3: {  	_ = 	snop  }
0x4: {  	_ = 	snop  }
0x5: {  	_ = 	snop  }
0x6: {  	_ = 	snop  }
0x7: {  	_ = 	snop  }
__scs_overlays_trampoline_lowered:
0x8: {  	[smem:$0x3FA4] =	sst s0  }
0x9: {  	[smem:$0x3FA5] =	sst s1  }
0xa: {  	[smem:$0x3FA6] =	sst s2  }
0xb: {  	[smem:$0x3FA7] =	sst s3  }
0xc: {  	[smem:$0x3FA8] =	sst s4  }
0xd: {  	[smem:$0x3FA9] =	sst s5  }
0xe: {  	[smem:$0x3FAA] =	sst s6  }
0xf: {  	[smem:$0x3FAB] =	sst s7  }
0x10: {  	[smem:$0x3FAC] =	sst s8  }
0x11: {  	[smem:$0x3FAD] =	sst s9;
	s0 =	simm.s32 @!p0 $0x0  }
0x12: {  	s1 =	sld [smem:$0x3F93];
	s0 =	simm.s32 @p0 $0x1  }
0x13: {  	[smem:$0x3FAE] =	sst s0;
	s0 =	simm.s32 @!p1 $0x0  }
0x14: {  	s2 =	sld [smem:$0x3F92];
	s0 =	simm.s32 @p1 $0x1  }
0x15: {  	[smem:$0x3FAF] =	sst s0;
	s0 =	simm.s32 @!p2 $0x0  }
0x16: {  	s3 =	sld [smem:$0x3FDB];
	s0 =	simm.s32 @p2 $0x1  }
0x17: {  	s4 =	simm.s32 $0x1BF5;
	[smem:$0x3FB1] =	sst s0  }
0x18: {  	s0 =	sld [smem:$0x3F94];
	_ =	swait.ge [sflag:s4], $0x0  }
0x19: {  	s7 =	sld [smem:$0x3F95]  }
0x1a: {  	s8 =	sadd.s32 $0xFFFFE003, lr  }
0x1b: {  	s9 =	sadd.s32 $0xFFFFFEF7, lr;
	s5 =	simm.s32 $0xFFFFFFFF;
	p2 =	slt.u32 s8, $0xFFFFF086  }
0x1c: {  	p1 =	slt.u32 s9, $0xF7A;
	s5 =	simm.s32 @!p2 $0x0  }
0x1d: {  	s5 =	simm.s32 @p1 $0x1;
	p0 =	seq.s32 s7, s2  }
0x1e: {  	s7 =	smul.u32 @!p0 $0xF7A, s2;
	p2 =	seq.s32 @!p0 s5, $0x0  }
0x1f: {  	s9 =	smul.u32 $0xF7A, s1;
	s8 =	simm.s32 @!p0 $0x1BF5;
	p2 =	por !p2, p0  }
0x20: {  	[sflag:s8] =	ssyncset.s32 @!p0 $0xFFFFF086;
	s6 =	sadd.s32 @!p0 s3, s7;
	s7 =	simm.s32 @!p0 $0x108  }
0x21: {  	s3 =	sadd.s32 s3, s9;
	s6 =	sadd.s32 @!p0 $0x88, s6;
	s7 =	simm.s32 @p2 $0x1082  }
0x22: {  	[simem:s7], [sflag:s8] =	dma.local @!p0 [hbm:s6], $0xF7A  }
0x23: {  	s9 =	sor.u32 $0xD0000000, s2;
	s6 =	simm.s32 $0x108;
	_ =	swait.ge @!p0 [sflag:s8], $0x0  }
0x24: {  	s3 =	sadd.s32 $0x88, s3;
	s6 =	simm.s32 @!p1 $0x1082;
	[sflag:s4] =	ssyncset.s32 $0xFFFFF086  }
0x25: {  	[simem:s6], [sflag:s4] =	dma.local [hbm:s3], $0xF7A  }
0x26: {  	[smem:$0x3F95] =	sst s1;
	(tag) =	ssettag s2;
	_ =	strace s9  }
0x27: {  	s1 =	sld [smem:$0x3FA5]  }
0x28: {  	s2 =	sld [smem:$0x3FA6]  }
0x29: {  	s4 =	sld [smem:$0x3FA8]  }
0x2a: {  	p0 =	seq.s32 s5, $0x0;
	s5 =	sld [smem:$0x3FA9]  }
0x2b: {  	s6 =	sld [smem:$0x3FAA]  }
0x2c: {  	s7 =	sld [smem:$0x3FAB]  }
0x2d: {  	s3 =	simm.s32 $0x108;
	s8 =	sld [smem:$0x3FAC]  }
0x2e: {  	s3 =	simm.s32 @!p0 $0x1082;
	s9 =	sld [smem:$0x3FAD]  }
0x2f: {  	lr =	sadd.s32 s0, s3;
	s0 =	sld [smem:$0x3FA4]  }
0x30: {  	s3 =	sld [smem:$0x3FA7]  }
0x31: {  	[smem:$0x3FB0] =	sst s10  }
0x32: {  	s10 =	sld [smem:$0x3FAE];
	_ =	sdelay $0x3  }
0x33: {  	p0 =	seq.s32 s10, $0x1;
	s10 =	sld [smem:$0x3FB0];
	_ =	sdelay $0x3  }
0x34: {  	[smem:$0x3FB0] =	sst s10  }
0x35: {  	s10 =	sld [smem:$0x3FAF];
	_ =	sdelay $0x3  }
0x36: {  	p1 =	seq.s32 s10, $0x1;
	s10 =	sld [smem:$0x3FB0];
	_ =	sdelay $0x3  }
0x37: {  	[smem:$0x3FB0] =	sst s10  }
0x38: {  	s10 =	sld [smem:$0x3FB1]  }
0x39: {  	_ = 	snop;
	(pc) =	sbr.ind lr, $3  }
0x3a: {  	_ = 	snop  }
0x3b: {  	_ = 	snop  }
0x3c: {  	p2 =	seq.s32 s10, $0x1;
	s10 =	sld [smem:$0x3FB0]  }
0x3d: {  	_ =	shalt  }
0x3e: {  	_ =	shalt  }
0x3f: {  	_ =	shalt  }
0x40: {  	_ =	shalt  }
0x41: {  	_ =	shalt  }
0x42: {  	_ =	shalt  }
0x43: {  	_ =	shalt  }
0x44: {  	_ =	shalt  }
0x45: {  	_ =	shalt  }
0x46: {  	_ =	shalt  }
0x47: {  	_ =	shalt  }
0x48: {  	_ =	shalt  }
0x49: {  	_ =	shalt  }
0x4a: {  	_ =	shalt  }
0x4b: {  	_ =	shalt  }
0x4c: {  	_ =	shalt  }
0x4d: {  	_ =	shalt  }
0x4e: {  	_ =	shalt  }
0x4f: {  	_ =	shalt  }
0x50: {  	_ =	shalt  }
0x51: {  	_ =	shalt  }
0x52: {  	_ =	shalt  }
0x53: {  	_ =	shalt  }
0x54: {  	_ =	shalt  }
0x55: {  	_ =	shalt  }
0x56: {  	_ =	shalt  }
0x57: {  	_ =	shalt  }
0x58: {  	_ =	shalt  }
0x59: {  	_ =	shalt  }
0x5a: {  	_ =	shalt  }
0x5b: {  	_ =	shalt  }
0x5c: {  	_ =	shalt  }
0x5d: {  	_ =	shalt  }
0x5e: {  	_ =	shalt  }
0x5f: {  	_ =	shalt  }
0x60: {  	_ =	shalt  }
0x61: {  	_ =	shalt  }
0x62: {  	_ =	shalt  }
0x63: {  	_ =	shalt  }
0x64: {  	_ =	shalt  }
0x65: {  	_ =	shalt  }
0x66: {  	_ =	shalt  }
0x67: {  	_ =	shalt  }
0x68: {  	_ =	shalt  }
0x69: {  	_ =	shalt  }
0x6a: {  	_ =	shalt  }
0x6b: {  	_ =	shalt  }
0x6c: {  	_ =	shalt  }
0x6d: {  	_ =	shalt  }
0x6e: {  	_ =	shalt  }
0x6f: {  	_ =	shalt  }
0x70: {  	_ =	shalt  }
0x71: {  	_ =	shalt  }
0x72: {  	_ =	shalt  }
0x73: {  	_ =	shalt  }
0x74: {  	_ =	shalt  }
0x75: {  	_ =	shalt  }
0x76: {  	_ =	shalt  }
0x77: {  	_ =	shalt  }
0x78: {  	_ =	shalt  }
0x79: {  	_ =	shalt  }
0x7a: {  	_ =	shalt  }
0x7b: {  	_ =	shalt  }
0x7c: {  	_ =	shalt  }
0x7d: {  	_ =	shalt  }
0x7e: {  	_ =	shalt  }
0x7f: {  	_ =	shalt  }
0x80: {  	_ =	shalt  }
0x81: {  	_ =	shalt  }
0x82: {  	_ =	shalt  }
0x83: {  	_ =	shalt  }
0x84: {  	_ =	shalt  }
0x85: {  	_ =	shalt  }
0x86: {  	_ =	shalt  }
0x87: {  	_ =	shalt  }
.Lfunc_end0:
.L_simem_size_0:
called_computation.4_lowered:
.L_overlay_start_0:
0x88: {  	s2 =	sld [smem:$0x3FD9]  }
0x89: {  	s3 =	sld [smem:$0x3FFE];
	_ =	sdelay $0x1  }
0x8a: {  	s1 =	srdreg.scid  }
0x8b: {  	s0 =	sand.u32 $0x1, s1  }
0x8c: {  	s17 =	sshll.u32 s0, $0xA;
	s2 =	sadd.s32 s3, s2  }
0x8d: {  	s2 =	sadd.s32 s2, s17  }
0x8e: {  	[smem:$0x3FBC] =	sst s2  }
0x8f: {  	_ = 	snop  }
0x90: {  	(tm) =	ssettm $0x1  }
0x91: {  	s18 =	sld [smem:$0x3FFB];
	_ =	sdelay $0x3  }
0x92: {  	_ =	strace s18  }
0x93: {  	s2 =	sld [smem:$0x3FFC];
	_ =	sdelay $0x3  }
0x94: {  	_ =	strace s2  }
0x95: {  	s2 =	sld [smem:$0x3FFD];
	_ =	sdelay $0x3  }
0x96: {  	_ =	strace s2  }
0x97: {  	_ =	strace $0x8FFFFFFF  }
0x98: {  	s19 =	sld [smem:$0x3FDB];
	_ =	sdelay $0x1  }
0x99: {  	s20 =	simm.s32 $_scs_section_size  }
0x9a: {  	s4 =	simm.s32 $_size__tile_overlayer_lowered;
	s5 =	simm.s32 $_tile_overlayer_lowered  }
0x9b: {  	s6 =	simm.s32 $0x1BFF;
	s21 =	sshll.u32 s5, $0x1;
	s3 =	sadd.s32 s20, s19  }
0x9c: {  	s22 =	simm.s32 $0x0;
	s4 =	sshll.u32 s4, $0x1;
	s5 =	sadd.s32 s21, s3  }
0x9d: {  	[timem:s22], [sflag:s6] =	dma.local [hbm:s5], s4  }
0x9e: {  	_ =	swait.ge [sflag:s6], s4  }
0x9f: {  	s4 =	ssub.s32 $0x0, s4;
	[sflag:s6] =	ssyncset.done $0x0  }
0xa0: {  	[sflag:s6] =	ssyncadd.s32 s4;
	_ =	sdelay $0x1  }
0xa1: {  	s23 =	simm.s32 $0x1B8B  }
0xa2: {  	_ =	swait.ge [sflag:s23], $0x1  }
0xa3: {  	[sflag:s23] =	ssyncset.done $0x0  }
0xa4: {  	[sflag:s23] =	ssyncadd.s32 $0xFFFFFFFF  }
0xa5: {  	s4 =	sld [smem:$0x0]  }
0xa6: {  	s5 =	sand.u32 $0xFFFFFFFE, s1  }
0xa7: {  	p0 =	sne.s32 s1, s5  }
0xa8: {  	s5 =	sshll.u32 @p0 s5, $0xE  }
0xa9: {  	s5 =	sadd.s32 @p0 $0x11B8D, s5;
	s6 =	sshll.u32 @p0 s4, $0x11  }
0xaa: {  	s5 =	sor.u32 @p0 s6, s5  }
0xab: {  	[sflag:s5] =	ssyncadd.remote.s32 @p0 $0x1;
	_ =	sdelay $0x1  }
0xac: {  	s5 =	simm.s32 @p0 $0x1B8D  }
0xad: {  	_ =	swait.eq @p0 [sflag:s5], $0x1  }
0xae: {  	[sflag:s5] =	ssyncadd.s32 @p0 $0xFFFFFFFF  }
0xaf: {  	s6 =	sshll.u32 @!p0 s1, $0xE  }
0xb0: {  	s6 =	sor.u32 @!p0 $0x4000, s6;
	s5 =	simm.s32 @!p0 $0x1B8D  }
0xb1: {  	s4 =	sshll.u32 @!p0 s4, $0x11;
	s6 =	sadd.s32 @!p0 $0x11B8D, s6;
	_ =	swait.eq @!p0 [sflag:s5], $0x1  }
0xb2: {  	s4 =	sor.u32 @!p0 s4, s6;
	[sflag:s5] =	ssyncadd.s32 @!p0 $0xFFFFFFFF  }
0xb3: {  	s25 =	simm.s32 $0x1B8E;
	s24 =	sld [smem:$0x3FFE];
	[sflag:s4] =	ssyncadd.remote.s32 @!p0 $0x1  }
0xb4: {  	s26 =	simm.s32 $execute0_lowered;
	[smem:$0x3FD2] =	sst s25  }
0xb5: {  	s5 =	sshll.u32 s26, $0x1;
	_ =	strace $0x8000004C;
	[dreg:$0x1] =	wrdreg $0xFFFFFFFF  }
0xb6: {  	s28 =	simm.s32 $_size_execute0_lowered;
	s3 =	sadd.s32 s3, s5;
	[dreg:$0x0] =	wrdreg $0x0  }
0xb7: {  	s5 =	sshll.u32 s28, $0x1;
	[dreg:$0x2] =	wrdreg s3  }
0xb8: {  	[dreg:$0x3] =	wrdreg s5  }
0xb9: {  	[dreg:$0x4] =	wrdreg $0xC0  }
0xba: {  	_ =	task [dreg:s22], $0x5FFFF  }
0xbb: {  	[dreg:$0x1] =	wrdreg $0xFFFFFFFF  }
0xbc: {  	[dreg:$0x0] =	wrdreg $0x60  }
0xbd: {  	[dreg:$0x2] =	wrdreg s24  }
0xbe: {  	[dreg:$0x3] =	wrdreg $0x9  }
0xbf: {  	_ =	task.clear_ibuf [dreg:s22], $0x4FFFF;
	_ =	strace $0x9000004C  }
0xc0: {  	s29 =	simm.s32 $0x9;
	_ =	strace $0x8000004E  }
0xc1: {  	_ =	swait.ge [sflag:s29], $0x1  }
0xc2: {  	[sflag:s29] =	ssyncadd.s32 $0xFFFFFFFF  }
0xc3: {  	_ =	strace $0x9000004E  }
0xc4: {  	_ =	sfence  }
0xc5: {  	s30 =	sld [smem:$0x0];
	_ =	sdelay $0x2  }
0xc6: {  	s31 =	sshll.u32 s1, $0xD;
	s1 =	sshrl.u32 s1, $0x2  }
0xc7: {  	s4 =	sand.u32 $0x4000, s31;
	s1 =	sadd.s32 s1, s30  }
0xc8: {  	s0 =	sor.u32 s4, s0;
	s1 =	sshll.u32 s1, $0x11  }
0xc9: {  	s0 =	sor.u32 s1, s0  }
0xca: {  	s0 =	sadd.s32 $0x8F2B, s0  }
0xcb: {  	[sflag:s0] =	ssyncadd.remote.s32 $0x1  }
0xcc: {  	_ =	sfence.sel $0xFFFF  }
0xcd: {  	[dreg:$0x0] =	wrdreg $0xFFFFFFFF;
	(pc) =	sbr.abs _section_cstart, $3  }
0xce: {  	[dreg:$0x1] =	wrdreg $0xFFFFFFFF  }
0xcf: {  	_ =	task.clear_ibuf [dreg:s22], $0x2FFFF;
	_ =	strace $0x9FFFFFFF  }
0xd0: {  	(tm) =	ssettm $0x7FFFFFFF  }
0xd1: {  	_ =	shalt  }
tec
execute0_lowered:
.L_overlay_start_1:
0x0: {  	(tag) =	ssettag $0x1  }
0x1: {  	s1 =	srdreg.scid  }
0x2: {  	s0 =	stileid.u32;
	s5 =	rddreg [dreg:$0x0]  }
0x3: {  	s2 =	simm.s32 $0x0;
	s10 =	simm.s32 $0x1;
	s11 =	simm.s32 $0x2780  }
0x4: {  	s12 =	simm.s32 $0x4F00;
	s13 =	simm.s32 $0x7680;
	s14 =	simm.s32 $0x7780  }
0x5: {  	s15 =	simm.s32 $0x7880;
	s3 =	sand.u32 $0x1, s1;
	s4 =	smul.u32 $0x2800, s0  }
0x6: {  	s16 =	simm.s32 $0x0;
	[smem:$0x7FF] =	sst s2;
	s6 =	smul.u32 $0x1400, s3  }
0x7: {  	s1 =	rddreg [dreg:$0x1];
	_ =	strace $0x8000004D;
	s31 =	ssub.s32 $0x2, s3  }
0x8: {  	s3 =	sadd.s32 $0x9E00, s5;
	s8 =	sshrl.u32 s31, $0x1;
	s4 =	sadd.s32 s6, s4  }
0x9: {  	s6 =	ssub.s32 s31, s8;
	s7 =	sshrl.u32 s4, $0x3;
	s4 =	sadd.s32 $0x9800, s5  }
0xa: {  	s6 =	smax.u32 s6, $0x1;
	s9 =	sadd.s32 s7, s5;
	s5 =	sadd.s32 $0x9200, s5  }
0xb: {  	s7 =	sadd.s32 $0xA400, s9;
	s8 =	sadd.s32 $0x17C00, s9;
	s9 =	sadd.s32 $0x4200, s9  }
.LBB2_1:
0xc: {  	[tilespmem:s2], [sflag:$0x1] =	stream.linear.gather [hbm4b:s3+s2], $0x2780, $0x38;
	[tilespmem:$0x7980] =	vst v63  }
0xd: {  	_ =	swait.ge [sflag:s10], $0x2780  }
0xe: {  	[sflag:s10] =	ssyncset.done $0x0  }
0xf: {  	[sflag:s10] =	ssyncadd.s32 $0xFFFFD880  }
0x10: {  	[tilespmem:s11], [sflag:$0x1] =	stream.linear.gather [hbm4b:s4+s2], $0x2780, $0x38;
	[tilespmem:$0x7980] =	vst v63  }
0x11: {  	_ =	swait.ge [sflag:s10], $0x2780  }
0x12: {  	[sflag:s10] =	ssyncset.done $0x0  }
0x13: {  	[sflag:s10] =	ssyncadd.s32 $0xFFFFD880  }
0x14: {  	[tilespmem:s12], [sflag:$0x1] =	stream.linear.gather [hbm4b:s5+s2], $0x2780, $0x38;
	[tilespmem:$0x7980] =	vst v63  }
0x15: {  	_ =	swait.ge [sflag:s10], $0x2780  }
0x16: {  	[sflag:s10] =	ssyncset.done $0x0  }
0x17: {  	s17 =	simm.s32 $0x0;
	[sflag:s10] =	ssyncadd.s32 $0xFFFFD880  }
.LBB2_2:
0x18: {  	s18 =	sadd.s32 s17, s9  }
0x19: {  	[tilespmem:s13], [sflag:$0x1] =	stream.linear.gather [hbm4b:s18+s2], $0x100, $0x38;
	[tilespmem:$0x7980] =	vst v63  }
0x1a: {  	_ =	swait.ge [sflag:s10], $0x100  }
0x1b: {  	[sflag:s10] =	ssyncset.done $0x0  }
0x1c: {  	s30 =	sadd.s32 s17, s8;
	[sflag:s10] =	ssyncadd.s32 $0xFFFFFF00  }
0x1d: {  	[tilespmem:s14], [sflag:$0x1] =	stream.linear.gather [hbm4b:s30+s2], $0x100, $0x38;
	[tilespmem:$0x7980] =	vst v63  }
0x1e: {  	_ =	swait.ge [sflag:s10], $0x100  }
0x1f: {  	[sflag:s10] =	ssyncset.done $0x0  }
0x20: {  	[sflag:s10] =	ssyncadd.s32 $0xFFFFFF00  }
0x21: {  	v0 =	vld [tilespmem:$0x7680]  }
0x22: {  	v1 =	vld [tilespmem:$0x7780];
	_ =	sdelay $0x6  }
0x23: {  	v2 =	vld.idx.msk [tilespmem:v0+s2+$0x0], $0xffff  }
0x24: {  	v3 =	vld.idx.msk [tilespmem:v1+s2+$0x0], $0xffff  }
0x25: {  	v4 =	vld.idx.msk [tilespmem:v0+s11+$0x0], $0xffff  }
0x26: {  	v5 =	vld.idx.msk [tilespmem:v1+s11+$0x0], $0xffff  }
0x27: {  	v0 =	vld.idx.msk [tilespmem:v0+s12+$0x0], $0xffff  }
0x28: {  	v1 =	vld.idx.msk [tilespmem:v1+s12+$0x0], $0xffff;
	_ =	sdelay $0x2  }
0x29: {  	v2 =	vsub.f32 v2, v3;
	v11 =	vsub.f32 v4, v5  }
0x2a: {  	v12 =	vld [tilespmem:$0x7690]  }
0x2b: {  	v15 =	vld [tilespmem:$0x7790];
	v0 =	vsub.f32 v0, v1;
	v13 =	vmul.f32 v2, v2;
	v14 =	vmul.f32 v11, v11;
	_ =	sdelay $0x1  }
0x2c: {  	v0 =	vmul.f32 v0, v0;
	v1 =	vadd.f32 v14, v13;
	_ =	sdelay $0x1  }
0x2d: {  	v0 =	vadd.f32 v0, v1;
	_ =	sdelay $0x1  }
0x2e: {  	[tilespmem:$0x7880] =	vst v0  }
0x2f: {  	v0 =	vld.idx.msk [tilespmem:v12+s2+$0x0], $0xffff  }
0x30: {  	v16 =	vld.idx.msk [tilespmem:v15+s2+$0x0], $0xffff  }
0x31: {  	v17 =	vld.idx.msk [tilespmem:v12+s11+$0x0], $0xffff  }
0x32: {  	v18 =	vld.idx.msk [tilespmem:v15+s11+$0x0], $0xffff  }
0x33: {  	v4 =	vld.idx.msk [tilespmem:v12+s12+$0x0], $0xffff  }
0x34: {  	v3 =	vld.idx.msk [tilespmem:v15+s12+$0x0], $0xffff;
	_ =	sdelay $0x2  }
0x35: {  	v0 =	vsub.f32 v0, v16;
	v19 =	vsub.f32 v17, v18  }
0x36: {  	v20 =	vld [tilespmem:$0x76A0]  }
0x37: {  	v21 =	vld [tilespmem:$0x77A0];
	v3 =	vsub.f32 v4, v3;
	v0 =	vmul.f32 v0, v0;
	v1 =	vmul.f32 v19, v19;
	_ =	sdelay $0x1  }
0x38: {  	v22 =	vmul.f32 v3, v3;
	v0 =	vadd.f32 v1, v0;
	_ =	sdelay $0x1  }
0x39: {  	v0 =	vadd.f32 v22, v0;
	_ =	sdelay $0x1  }
0x3a: {  	[tilespmem:$0x7890] =	vst v0  }
0x3b: {  	v0 =	vld.idx.msk [tilespmem:v20+s2+$0x0], $0xffff  }
0x3c: {  	v23 =	vld.idx.msk [tilespmem:v21+s2+$0x0], $0xffff  }
0x3d: {  	v24 =	vld.idx.msk [tilespmem:v20+s11+$0x0], $0xffff  }
0x3e: {  	v25 =	vld.idx.msk [tilespmem:v21+s11+$0x0], $0xffff  }
0x3f: {  	v2 =	vld.idx.msk [tilespmem:v20+s12+$0x0], $0xffff  }
0x40: {  	v4 =	vld.idx.msk [tilespmem:v21+s12+$0x0], $0xffff;
	_ =	sdelay $0x2  }
0x41: {  	v0 =	vsub.f32 v0, v23;
	v26 =	vsub.f32 v24, v25  }
0x42: {  	v27 =	vld [tilespmem:$0x76B0]  }
0x43: {  	v28 =	vld [tilespmem:$0x77B0];
	v2 =	vsub.f32 v2, v4;
	v0 =	vmul.f32 v0, v0;
	v1 =	vmul.f32 v26, v26;
	_ =	sdelay $0x1  }
0x44: {  	v29 =	vmul.f32 v2, v2;
	v0 =	vadd.f32 v1, v0;
	_ =	sdelay $0x1  }
0x45: {  	v0 =	vadd.f32 v29, v0;
	_ =	sdelay $0x1  }
0x46: {  	[tilespmem:$0x78A0] =	vst v0  }
0x47: {  	v0 =	vld.idx.msk [tilespmem:v27+s2+$0x0], $0xffff  }
0x48: {  	v30 =	vld.idx.msk [tilespmem:v28+s2+$0x0], $0xffff  }
0x49: {  	v31 =	vld.idx.msk [tilespmem:v27+s11+$0x0], $0xffff  }
0x4a: {  	v32 =	vld.idx.msk [tilespmem:v28+s11+$0x0], $0xffff  }
0x4b: {  	v3 =	vld.idx.msk [tilespmem:v27+s12+$0x0], $0xffff  }
0x4c: {  	v4 =	vld.idx.msk [tilespmem:v28+s12+$0x0], $0xffff;
	_ =	sdelay $0x2  }
0x4d: {  	v0 =	vsub.f32 v0, v30;
	v33 =	vsub.f32 v31, v32  }
0x4e: {  	v34 =	vld [tilespmem:$0x76C0]  }
0x4f: {  	v35 =	vld [tilespmem:$0x77C0];
	v3 =	vsub.f32 v3, v4;
	v0 =	vmul.f32 v0, v0;
	v1 =	vmul.f32 v33, v33;
	_ =	sdelay $0x1  }
0x50: {  	v36 =	vmul.f32 v3, v3;
	v0 =	vadd.f32 v1, v0;
	_ =	sdelay $0x1  }
0x51: {  	v0 =	vadd.f32 v36, v0;
	_ =	sdelay $0x1  }
0x52: {  	[tilespmem:$0x78B0] =	vst v0  }
0x53: {  	v0 =	vld.idx.msk [tilespmem:v34+s2+$0x0], $0xffff  }
0x54: {  	v37 =	vld.idx.msk [tilespmem:v35+s2+$0x0], $0xffff  }
0x55: {  	v38 =	vld.idx.msk [tilespmem:v34+s11+$0x0], $0xffff  }
0x56: {  	v39 =	vld.idx.msk [tilespmem:v35+s11+$0x0], $0xffff  }
0x57: {  	v2 =	vld.idx.msk [tilespmem:v34+s12+$0x0], $0xffff  }
0x58: {  	v4 =	vld.idx.msk [tilespmem:v35+s12+$0x0], $0xffff;
	_ =	sdelay $0x2  }
0x59: {  	v0 =	vsub.f32 v0, v37;
	v40 =	vsub.f32 v38, v39  }
0x5a: {  	v41 =	vld [tilespmem:$0x76D0]  }
0x5b: {  	v42 =	vld [tilespmem:$0x77D0];
	v2 =	vsub.f32 v2, v4;
	v0 =	vmul.f32 v0, v0;
	v1 =	vmul.f32 v40, v40;
	_ =	sdelay $0x1  }
0x5c: {  	v43 =	vmul.f32 v2, v2;
	v0 =	vadd.f32 v1, v0;
	_ =	sdelay $0x1  }
0x5d: {  	v0 =	vadd.f32 v43, v0;
	_ =	sdelay $0x1  }
0x5e: {  	[tilespmem:$0x78C0] =	vst v0  }
0x5f: {  	v0 =	vld.idx.msk [tilespmem:v41+s2+$0x0], $0xffff  }
0x60: {  	v44 =	vld.idx.msk [tilespmem:v42+s2+$0x0], $0xffff  }
0x61: {  	v45 =	vld.idx.msk [tilespmem:v41+s11+$0x0], $0xffff  }
0x62: {  	v46 =	vld.idx.msk [tilespmem:v42+s11+$0x0], $0xffff  }
0x63: {  	v3 =	vld.idx.msk [tilespmem:v41+s12+$0x0], $0xffff  }
0x64: {  	v4 =	vld.idx.msk [tilespmem:v42+s12+$0x0], $0xffff;
	_ =	sdelay $0x2  }
0x65: {  	v0 =	vsub.f32 v0, v44;
	v47 =	vsub.f32 v45, v46  }
0x66: {  	v48 =	vld [tilespmem:$0x76E0]  }
0x67: {  	v49 =	vld [tilespmem:$0x77E0];
	v3 =	vsub.f32 v3, v4;
	v0 =	vmul.f32 v0, v0;
	v1 =	vmul.f32 v47, v47;
	_ =	sdelay $0x1  }
0x68: {  	v50 =	vmul.f32 v3, v3;
	v0 =	vadd.f32 v1, v0;
	_ =	sdelay $0x1  }
0x69: {  	v0 =	vadd.f32 v50, v0;
	_ =	sdelay $0x1  }
0x6a: {  	[tilespmem:$0x78D0] =	vst v0  }
0x6b: {  	v0 =	vld.idx.msk [tilespmem:v48+s2+$0x0], $0xffff  }
0x6c: {  	v51 =	vld.idx.msk [tilespmem:v49+s2+$0x0], $0xffff  }
0x6d: {  	v52 =	vld.idx.msk [tilespmem:v48+s11+$0x0], $0xffff  }
0x6e: {  	v53 =	vld.idx.msk [tilespmem:v49+s11+$0x0], $0xffff  }
0x6f: {  	v2 =	vld.idx.msk [tilespmem:v48+s12+$0x0], $0xffff  }
0x70: {  	v4 =	vld.idx.msk [tilespmem:v49+s12+$0x0], $0xffff;
	_ =	sdelay $0x2  }
0x71: {  	v0 =	vsub.f32 v0, v51;
	v54 =	vsub.f32 v52, v53  }
0x72: {  	v55 =	vld [tilespmem:$0x76F0]  }
0x73: {  	v56 =	vld [tilespmem:$0x77F0];
	v2 =	vsub.f32 v2, v4;
	v0 =	vmul.f32 v0, v0;
	v1 =	vmul.f32 v54, v54;
	_ =	sdelay $0x1  }
0x74: {  	v57 =	vmul.f32 v2, v2;
	v0 =	vadd.f32 v1, v0;
	_ =	sdelay $0x1  }
0x75: {  	v0 =	vadd.f32 v57, v0;
	_ =	sdelay $0x1  }
0x76: {  	[tilespmem:$0x78E0] =	vst v0  }
0x77: {  	v0 =	vld.idx.msk [tilespmem:v55+s2+$0x0], $0xffff  }
0x78: {  	v58 =	vld.idx.msk [tilespmem:v56+s2+$0x0], $0xffff  }
0x79: {  	v59 =	vld.idx.msk [tilespmem:v55+s11+$0x0], $0xffff  }
0x7a: {  	v60 =	vld.idx.msk [tilespmem:v56+s11+$0x0], $0xffff  }
0x7b: {  	v3 =	vld.idx.msk [tilespmem:v55+s12+$0x0], $0xffff  }
0x7c: {  	v4 =	vld.idx.msk [tilespmem:v56+s12+$0x0], $0xffff;
	_ =	sdelay $0x2  }
0x7d: {  	v0 =	vsub.f32 v0, v58;
	v61 =	vsub.f32 v59, v60  }
0x7e: {  	v62 =	vld [tilespmem:$0x7700]  }
0x7f: {  	v63 =	vld [tilespmem:$0x7800];
	v3 =	vsub.f32 v3, v4;
	v0 =	vmul.f32 v0, v0;
	v1 =	vmul.f32 v61, v61;
	_ =	sdelay $0x1  }
0x80: {  	v8 =	vmul.f32 v3, v3;
	v0 =	vadd.f32 v1, v0;
	_ =	sdelay $0x1  }
0x81: {  	v0 =	vadd.f32 v8, v0;
	_ =	sdelay $0x1  }
0x82: {  	[tilespmem:$0x78F0] =	vst v0  }
0x83: {  	v0 =	vld.idx.msk [tilespmem:v62+s2+$0x0], $0xffff  }
0x84: {  	v9 =	vld.idx.msk [tilespmem:v63+s2+$0x0], $0xffff  }
0x85: {  	v10 =	vld.idx.msk [tilespmem:v62+s11+$0x0], $0xffff  }
0x86: {  	v11 =	vld.idx.msk [tilespmem:v63+s11+$0x0], $0xffff  }
0x87: {  	v2 =	vld.idx.msk [tilespmem:v62+s12+$0x0], $0xffff  }
0x88: {  	v4 =	vld.idx.msk [tilespmem:v63+s12+$0x0], $0xffff;
	_ =	sdelay $0x2  }
0x89: {  	v0 =	vsub.f32 v0, v9;
	v12 =	vsub.f32 v10, v11  }
0x8a: {  	v13 =	vld [tilespmem:$0x7710]  }
0x8b: {  	v14 =	vld [tilespmem:$0x7810];
	v2 =	vsub.f32 v2, v4;
	v0 =	vmul.f32 v0, v0;
	v1 =	vmul.f32 v12, v12;
	_ =	sdelay $0x1  }
0x8c: {  	v15 =	vmul.f32 v2, v2;
	v0 =	vadd.f32 v1, v0;
	_ =	sdelay $0x1  }
0x8d: {  	v0 =	vadd.f32 v15, v0;
	_ =	sdelay $0x1  }
0x8e: {  	[tilespmem:$0x7900] =	vst v0  }
0x8f: {  	v0 =	vld.idx.msk [tilespmem:v13+s2+$0x0], $0xffff  }
0x90: {  	v16 =	vld.idx.msk [tilespmem:v14+s2+$0x0], $0xffff  }
0x91: {  	v17 =	vld.idx.msk [tilespmem:v13+s11+$0x0], $0xffff  }
0x92: {  	v18 =	vld.idx.msk [tilespmem:v14+s11+$0x0], $0xffff  }
0x93: {  	v3 =	vld.idx.msk [tilespmem:v13+s12+$0x0], $0xffff  }
0x94: {  	v4 =	vld.idx.msk [tilespmem:v14+s12+$0x0], $0xffff;
	_ =	sdelay $0x2  }
0x95: {  	v0 =	vsub.f32 v0, v16;
	v19 =	vsub.f32 v17, v18  }
0x96: {  	v20 =	vld [tilespmem:$0x7720]  }
0x97: {  	v21 =	vld [tilespmem:$0x7820];
	v3 =	vsub.f32 v3, v4;
	v0 =	vmul.f32 v0, v0;
	v1 =	vmul.f32 v19, v19;
	_ =	sdelay $0x1  }
0x98: {  	v22 =	vmul.f32 v3, v3;
	v0 =	vadd.f32 v1, v0;
	_ =	sdelay $0x1  }
0x99: {  	v0 =	vadd.f32 v22, v0;
	_ =	sdelay $0x1  }
0x9a: {  	[tilespmem:$0x7910] =	vst v0  }
0x9b: {  	v0 =	vld.idx.msk [tilespmem:v20+s2+$0x0], $0xffff  }
0x9c: {  	v23 =	vld.idx.msk [tilespmem:v21+s2+$0x0], $0xffff  }
0x9d: {  	v24 =	vld.idx.msk [tilespmem:v20+s11+$0x0], $0xffff  }
0x9e: {  	v25 =	vld.idx.msk [tilespmem:v21+s11+$0x0], $0xffff  }
0x9f: {  	v2 =	vld.idx.msk [tilespmem:v20+s12+$0x0], $0xffff  }
0xa0: {  	v4 =	vld.idx.msk [tilespmem:v21+s12+$0x0], $0xffff;
	_ =	sdelay $0x2  }
0xa1: {  	v0 =	vsub.f32 v0, v23;
	v26 =	vsub.f32 v24, v25  }
0xa2: {  	v27 =	vld [tilespmem:$0x7730]  }
0xa3: {  	v28 =	vld [tilespmem:$0x7830];
	v2 =	vsub.f32 v2, v4;
	v0 =	vmul.f32 v0, v0;
	v1 =	vmul.f32 v26, v26;
	_ =	sdelay $0x1  }
0xa4: {  	v29 =	vmul.f32 v2, v2;
	v0 =	vadd.f32 v1, v0;
	_ =	sdelay $0x1  }
0xa5: {  	v0 =	vadd.f32 v29, v0;
	_ =	sdelay $0x1  }
0xa6: {  	[tilespmem:$0x7920] =	vst v0  }
0xa7: {  	v0 =	vld.idx.msk [tilespmem:v27+s2+$0x0], $0xffff  }
0xa8: {  	v30 =	vld.idx.msk [tilespmem:v28+s2+$0x0], $0xffff  }
0xa9: {  	v31 =	vld.idx.msk [tilespmem:v27+s11+$0x0], $0xffff  }
0xaa: {  	v32 =	vld.idx.msk [tilespmem:v28+s11+$0x0], $0xffff  }
0xab: {  	v3 =	vld.idx.msk [tilespmem:v27+s12+$0x0], $0xffff  }
0xac: {  	v4 =	vld.idx.msk [tilespmem:v28+s12+$0x0], $0xffff;
	_ =	sdelay $0x2  }
0xad: {  	v0 =	vsub.f32 v0, v30;
	v33 =	vsub.f32 v31, v32  }
0xae: {  	v34 =	vld [tilespmem:$0x7740]  }
0xaf: {  	v35 =	vld [tilespmem:$0x7840];
	v3 =	vsub.f32 v3, v4;
	v0 =	vmul.f32 v0, v0;
	v1 =	vmul.f32 v33, v33;
	_ =	sdelay $0x1  }
0xb0: {  	v36 =	vmul.f32 v3, v3;
	v0 =	vadd.f32 v1, v0;
	_ =	sdelay $0x1  }
0xb1: {  	v0 =	vadd.f32 v36, v0;
	_ =	sdelay $0x1  }
0xb2: {  	[tilespmem:$0x7930] =	vst v0  }
0xb3: {  	v0 =	vld.idx.msk [tilespmem:v34+s2+$0x0], $0xffff  }
0xb4: {  	v37 =	vld.idx.msk [tilespmem:v35+s2+$0x0], $0xffff  }
0xb5: {  	v38 =	vld.idx.msk [tilespmem:v34+s11+$0x0], $0xffff  }
0xb6: {  	v39 =	vld.idx.msk [tilespmem:v35+s11+$0x0], $0xffff  }
0xb7: {  	v2 =	vld.idx.msk [tilespmem:v34+s12+$0x0], $0xffff  }
0xb8: {  	v4 =	vld.idx.msk [tilespmem:v35+s12+$0x0], $0xffff;
	_ =	sdelay $0x2  }
0xb9: {  	v0 =	vsub.f32 v0, v37;
	v40 =	vsub.f32 v38, v39  }
0xba: {  	v41 =	vld [tilespmem:$0x7750]  }
0xbb: {  	v42 =	vld [tilespmem:$0x7850];
	v2 =	vsub.f32 v2, v4;
	v0 =	vmul.f32 v0, v0;
	v1 =	vmul.f32 v40, v40;
	_ =	sdelay $0x1  }
0xbc: {  	v43 =	vmul.f32 v2, v2;
	v0 =	vadd.f32 v1, v0;
	_ =	sdelay $0x1  }
0xbd: {  	v0 =	vadd.f32 v43, v0;
	_ =	sdelay $0x1  }
0xbe: {  	[tilespmem:$0x7940] =	vst v0  }
0xbf: {  	v0 =	vld.idx.msk [tilespmem:v41+s2+$0x0], $0xffff  }
0xc0: {  	v44 =	vld.idx.msk [tilespmem:v42+s2+$0x0], $0xffff  }
0xc1: {  	v45 =	vld.idx.msk [tilespmem:v41+s11+$0x0], $0xffff  }
0xc2: {  	v46 =	vld.idx.msk [tilespmem:v42+s11+$0x0], $0xffff  }
0xc3: {  	v3 =	vld.idx.msk [tilespmem:v41+s12+$0x0], $0xffff  }
0xc4: {  	v4 =	vld.idx.msk [tilespmem:v42+s12+$0x0], $0xffff;
	_ =	sdelay $0x2  }
0xc5: {  	v0 =	vsub.f32 v0, v44;
	v47 =	vsub.f32 v45, v46  }
0xc6: {  	v48 =	vld [tilespmem:$0x7760]  }
0xc7: {  	v49 =	vld [tilespmem:$0x7860];
	v3 =	vsub.f32 v3, v4;
	v0 =	vmul.f32 v0, v0;
	v1 =	vmul.f32 v47, v47;
	_ =	sdelay $0x1  }
0xc8: {  	v50 =	vmul.f32 v3, v3;
	v0 =	vadd.f32 v1, v0;
	_ =	sdelay $0x1  }
0xc9: {  	v0 =	vadd.f32 v50, v0;
	_ =	sdelay $0x1  }
0xca: {  	[tilespmem:$0x7950] =	vst v0  }
0xcb: {  	v0 =	vld.idx.msk [tilespmem:v48+s2+$0x0], $0xffff  }
0xcc: {  	v51 =	vld.idx.msk [tilespmem:v49+s2+$0x0], $0xffff  }
0xcd: {  	v52 =	vld.idx.msk [tilespmem:v48+s11+$0x0], $0xffff  }
0xce: {  	v53 =	vld.idx.msk [tilespmem:v49+s11+$0x0], $0xffff  }
0xcf: {  	v2 =	vld.idx.msk [tilespmem:v48+s12+$0x0], $0xffff  }
0xd0: {  	v4 =	vld.idx.msk [tilespmem:v49+s12+$0x0], $0xffff;
	_ =	sdelay $0x2  }
0xd1: {  	v0 =	vsub.f32 v0, v51;
	v54 =	vsub.f32 v52, v53  }
0xd2: {  	v55 =	vld [tilespmem:$0x7770]  }
0xd3: {  	v56 =	vld [tilespmem:$0x7870];
	v2 =	vsub.f32 v2, v4;
	v0 =	vmul.f32 v0, v0;
	v1 =	vmul.f32 v54, v54;
	_ =	sdelay $0x1  }
0xd4: {  	v57 =	vmul.f32 v2, v2;
	v0 =	vadd.f32 v1, v0;
	_ =	sdelay $0x1  }
0xd5: {  	v0 =	vadd.f32 v57, v0;
	_ =	sdelay $0x1  }
0xd6: {  	[tilespmem:$0x7960] =	vst v0  }
0xd7: {  	v0 =	vld.idx.msk [tilespmem:v55+s2+$0x0], $0xffff  }
0xd8: {  	v58 =	vld.idx.msk [tilespmem:v56+s2+$0x0], $0xffff  }
0xd9: {  	v59 =	vld.idx.msk [tilespmem:v55+s11+$0x0], $0xffff  }
0xda: {  	v60 =	vld.idx.msk [tilespmem:v56+s11+$0x0], $0xffff  }
0xdb: {  	v3 =	vld.idx.msk [tilespmem:v55+s12+$0x0], $0xffff  }
0xdc: {  	v4 =	vld.idx.msk [tilespmem:v56+s12+$0x0], $0xffff;
	_ =	sdelay $0x2  }
0xdd: {  	v0 =	vsub.f32 v0, v58;
	v61 =	vsub.f32 v59, v60;
	_ =	sdelay $0x1  }
0xde: {  	v62 =	vsub.f32 v3, v4;
	v0 =	vmul.f32 v0, v0;
	v1 =	vmul.f32 v61, v61;
	_ =	sdelay $0x1  }
0xdf: {  	v63 =	vmul.f32 v62, v62;
	v0 =	vadd.f32 v1, v0;
	_ =	sdelay $0x1  }
0xe0: {  	v0 =	vadd.f32 v63, v0  }
0xe1: {  	p0 =	sne.s32 s17, $0x260  }
.Ltmp0:
0xe2: {  	s31 =	sadd.s32 s17, s7;
	[tilespmem:$0x7970] =	vst v0;
	(pc) =	sbr.rel @p0 .LBB2_2-.Ltmp0, $4  }
0xe3: {  	[hbm4b:s31+s2] =	stream.linear.scatter [tilespmem:s15], [sflag:$0x1], $0x100, $0x38;
	[tilespmem:$0x7980] =	vst v63  }
0xe4: {  	_ =	swait.ge [sflag:s10], $0x100  }
0xe5: {  	[sflag:s10] =	ssyncset.done $0x0  }
0xe6: {  	s17 =	sadd.s32 $0x20, s17;
	[sflag:s10] =	ssyncadd.s32 $0xFFFFFF00  }
0xe7: {  	s16 =	sadd.s32 $0x1, s16  }
0xe8: {  	p0 =	sne.s32 s16, s6  }
.Ltmp1:
0xe9: {  	_ = 	snop;
	(pc) =	sbr.rel @p0 .LBB2_1-.Ltmp1, $1  }
0xea: {  	_ =	sdelay $0x3  }
0xeb: {  	_ =	sfence.sel $0x180000  }
0xec: {  	[bflag:$0x0] =	sbarrier.arrive $0xFFFF  }
0xed: {  	p0 =	sne.s32 s0, $0x0;
	_ =	strace $0x9000004D  }
0xee: {  	s0 =	sadd.s32 @!p0 $0x100000, s1;
	[bflag:$0x2] =	sbarrier.arrive $0xFFFF  }
0xef: {  	[sflag:s0] =	ssyncadd.tile.s32 @!p0 $0x1;
	_ =	shalt  }
.Lfunc_end2:
_tile_overlayer_lowered:
.L_overlay_start_2:
0xf0: {  	(tag) =	ssettag $0x2  }
0xf1: {  	s0 =	rddreg [dreg:$0x0];
	s2 =	stileid.u32  }
0xf2: {  	s1 =	rddreg [dreg:$0x1];
	p0 =	sne.s32 s2, $0x0  }
0xf3: {  	s3 =	rddreg [dreg:$0x2];
	[bflag:$0x3] =	sbarrier.arrive $0xFFFF;
	s2 =	simm.s32 @!p0 $0x1C01  }
0xf4: {  	[timem:s3], [sflag:s2] =	dma.local @!p0 [hbm:s0], s1  }
0xf5: {  	s0 =	simm.s32 @!p0 $0x1  }
0xf6: {  	_ =	swait.ge @!p0 [sflag:s0], s1  }
0xf7: {  	s1 =	ssub.s32 @!p0 $0x0, s1;
	[sflag:s0] =	ssyncset.done @!p0 $0x0  }
0xf8: {  	[sflag:s0] =	ssyncadd.s32 @!p0 s1  }
0xf9: {  	[bflag:$0x3] =	sbarrier.arrive $0xFFFF  }
0xfa: {  	_ =	shalt  }

// kernel: kernel.15.cloned.1.call-start
scs
__scs_entry_jumppad:
0x0: {  	(pc) =	sbr.rel $0x88, $3  }
0x1: {  	(tag) =	ssettag $0x0;
	lr =	simm.s32 $0x1  }
0x2: {  	[smem:$0x3F95] =	sst lr;
	_ =	strace $0xD0000000  }
0x3: {  	_ = 	snop  }
0x4: {  	_ = 	snop  }
0x5: {  	_ = 	snop  }
0x6: {  	_ = 	snop  }
0x7: {  	_ = 	snop  }
__scs_overlays_trampoline_lowered:
0x8: {  	[smem:$0x3FA4] =	sst s0  }
0x9: {  	[smem:$0x3FA5] =	sst s1  }
0xa: {  	[smem:$0x3FA6] =	sst s2  }
0xb: {  	[smem:$0x3FA7] =	sst s3  }
0xc: {  	[smem:$0x3FA8] =	sst s4  }
0xd: {  	[smem:$0x3FA9] =	sst s5  }
0xe: {  	[smem:$0x3FAA] =	sst s6  }
0xf: {  	[smem:$0x3FAB] =	sst s7  }
0x10: {  	[smem:$0x3FAC] =	sst s8  }
0x11: {  	[smem:$0x3FAD] =	sst s9;
	s0 =	simm.s32 @!p0 $0x0  }
0x12: {  	s1 =	sld [smem:$0x3F93];
	s0 =	simm.s32 @p0 $0x1  }
0x13: {  	[smem:$0x3FAE] =	sst s0;
	s0 =	simm.s32 @!p1 $0x0  }
0x14: {  	s2 =	sld [smem:$0x3F92];
	s0 =	simm.s32 @p1 $0x1  }
0x15: {  	[smem:$0x3FAF] =	sst s0;
	s0 =	simm.s32 @!p2 $0x0  }
0x16: {  	s3 =	sld [smem:$0x3FDB];
	s0 =	simm.s32 @p2 $0x1  }
0x17: {  	s4 =	simm.s32 $0x1BF5;
	[smem:$0x3FB1] =	sst s0  }
0x18: {  	s0 =	sld [smem:$0x3F94];
	_ =	swait.ge [sflag:s4], $0x0  }
0x19: {  	s7 =	sld [smem:$0x3F95]  }
0x1a: {  	s8 =	sadd.s32 $0xFFFFE003, lr  }
0x1b: {  	s9 =	sadd.s32 $0xFFFFFEF7, lr;
	s5 =	simm.s32 $0xFFFFFFFF;
	p2 =	slt.u32 s8, $0xFFFFF086  }
0x1c: {  	p1 =	slt.u32 s9, $0xF7A;
	s5 =	simm.s32 @!p2 $0x0  }
0x1d: {  	s5 =	simm.s32 @p1 $0x1;
	p0 =	seq.s32 s7, s2  }
0x1e: {  	s7 =	smul.u32 @!p0 $0xF7A, s2;
	p2 =	seq.s32 @!p0 s5, $0x0  }
0x1f: {  	s9 =	smul.u32 $0xF7A, s1;
	s8 =	simm.s32 @!p0 $0x1BF5;
	p2 =	por !p2, p0  }
0x20: {  	[sflag:s8] =	ssyncset.s32 @!p0 $0xFFFFF086;
	s6 =	sadd.s32 @!p0 s3, s7;
	s7 =	simm.s32 @!p0 $0x108  }
0x21: {  	s3 =	sadd.s32 s3, s9;
	s6 =	sadd.s32 @!p0 $0x88, s6;
	s7 =	simm.s32 @p2 $0x1082  }
0x22: {  	[simem:s7], [sflag:s8] =	dma.local @!p0 [hbm:s6], $0xF7A  }
0x23: {  	s9 =	sor.u32 $0xD0000000, s2;
	s6 =	simm.s32 $0x108;
	_ =	swait.ge @!p0 [sflag:s8], $0x0  }
0x24: {  	s3 =	sadd.s32 $0x88, s3;
	s6 =	simm.s32 @!p1 $0x1082;
	[sflag:s4] =	ssyncset.s32 $0xFFFFF086  }
0x25: {  	[simem:s6], [sflag:s4] =	dma.local [hbm:s3], $0xF7A  }
0x26: {  	[smem:$0x3F95] =	sst s1;
	(tag) =	ssettag s2;
	_ =	strace s9  }
0x27: {  	s1 =	sld [smem:$0x3FA5]  }
0x28: {  	s2 =	sld [smem:$0x3FA6]  }
0x29: {  	s4 =	sld [smem:$0x3FA8]  }
0x2a: {  	p0 =	seq.s32 s5, $0x0;
	s5 =	sld [smem:$0x3FA9]  }
0x2b: {  	s6 =	sld [smem:$0x3FAA]  }
0x2c: {  	s7 =	sld [smem:$0x3FAB]  }
0x2d: {  	s3 =	simm.s32 $0x108;
	s8 =	sld [smem:$0x3FAC]  }
0x2e: {  	s3 =	simm.s32 @!p0 $0x1082;
	s9 =	sld [smem:$0x3FAD]  }
0x2f: {  	lr =	sadd.s32 s0, s3;
	s0 =	sld [smem:$0x3FA4]  }
0x30: {  	s3 =	sld [smem:$0x3FA7]  }
0x31: {  	[smem:$0x3FB0] =	sst s10  }
0x32: {  	s10 =	sld [smem:$0x3FAE];
	_ =	sdelay $0x3  }
0x33: {  	p0 =	seq.s32 s10, $0x1;
	s10 =	sld [smem:$0x3FB0];
	_ =	sdelay $0x3  }
0x34: {  	[smem:$0x3FB0] =	sst s10  }
0x35: {  	s10 =	sld [smem:$0x3FAF];
	_ =	sdelay $0x3  }
0x36: {  	p1 =	seq.s32 s10, $0x1;
	s10 =	sld [smem:$0x3FB0];
	_ =	sdelay $0x3  }
0x37: {  	[smem:$0x3FB0] =	sst s10  }
0x38: {  	s10 =	sld [smem:$0x3FB1]  }
0x39: {  	_ = 	snop;
	(pc) =	sbr.ind lr, $3  }
0x3a: {  	_ = 	snop  }
0x3b: {  	_ = 	snop  }
0x3c: {  	p2 =	seq.s32 s10, $0x1;
	s10 =	sld [smem:$0x3FB0]  }
0x3d: {  	_ =	shalt  }
0x3e: {  	_ =	shalt  }
0x3f: {  	_ =	shalt  }
0x40: {  	_ =	shalt  }
0x41: {  	_ =	shalt  }
0x42: {  	_ =	shalt  }
0x43: {  	_ =	shalt  }
0x44: {  	_ =	shalt  }
0x45: {  	_ =	shalt  }
0x46: {  	_ =	shalt  }
0x47: {  	_ =	shalt  }
0x48: {  	_ =	shalt  }
0x49: {  	_ =	shalt  }
0x4a: {  	_ =	shalt  }
0x4b: {  	_ =	shalt  }
0x4c: {  	_ =	shalt  }
0x4d: {  	_ =	shalt  }
0x4e: {  	_ =	shalt  }
0x4f: {  	_ =	shalt  }
0x50: {  	_ =	shalt  }
0x51: {  	_ =	shalt  }
0x52: {  	_ =	shalt  }
0x53: {  	_ =	shalt  }
0x54: {  	_ =	shalt  }
0x55: {  	_ =	shalt  }
0x56: {  	_ =	shalt  }
0x57: {  	_ =	shalt  }
0x58: {  	_ =	shalt  }
0x59: {  	_ =	shalt  }
0x5a: {  	_ =	shalt  }
0x5b: {  	_ =	shalt  }
0x5c: {  	_ =	shalt  }
0x5d: {  	_ =	shalt  }
0x5e: {  	_ =	shalt  }
0x5f: {  	_ =	shalt  }
0x60: {  	_ =	shalt  }
0x61: {  	_ =	shalt  }
0x62: {  	_ =	shalt  }
0x63: {  	_ =	shalt  }
0x64: {  	_ =	shalt  }
0x65: {  	_ =	shalt  }
0x66: {  	_ =	shalt  }
0x67: {  	_ =	shalt  }
0x68: {  	_ =	shalt  }
0x69: {  	_ =	shalt  }
0x6a: {  	_ =	shalt  }
0x6b: {  	_ =	shalt  }
0x6c: {  	_ =	shalt  }
0x6d: {  	_ =	shalt  }
0x6e: {  	_ =	shalt  }
0x6f: {  	_ =	shalt  }
0x70: {  	_ =	shalt  }
0x71: {  	_ =	shalt  }
0x72: {  	_ =	shalt  }
0x73: {  	_ =	shalt  }
0x74: {  	_ =	shalt  }
0x75: {  	_ =	shalt  }
0x76: {  	_ =	shalt  }
0x77: {  	_ =	shalt  }
0x78: {  	_ =	shalt  }
0x79: {  	_ =	shalt  }
0x7a: {  	_ =	shalt  }
0x7b: {  	_ =	shalt  }
0x7c: {  	_ =	shalt  }
0x7d: {  	_ =	shalt  }
0x7e: {  	_ =	shalt  }
0x7f: {  	_ =	shalt  }
0x80: {  	_ =	shalt  }
0x81: {  	_ =	shalt  }
0x82: {  	_ =	shalt  }
0x83: {  	_ =	shalt  }
0x84: {  	_ =	shalt  }
0x85: {  	_ =	shalt  }
0x86: {  	_ =	shalt  }
0x87: {  	_ =	shalt  }
.Lfunc_end0:
.L_simem_size_0:
called_computation.5_lowered:
.L_overlay_start_0:
0x88: {  	s2 =	sld [smem:$0x3FD9]  }
0x89: {  	s3 =	sld [smem:$0x3FFE];
	_ =	sdelay $0x1  }
0x8a: {  	s1 =	srdreg.scid  }
0x8b: {  	s0 =	sand.u32 $0x1, s1  }
0x8c: {  	s16 =	sshll.u32 s0, $0xA;
	s2 =	sadd.s32 s3, s2  }
0x8d: {  	s2 =	sadd.s32 s2, s16  }
0x8e: {  	[smem:$0x3FBC] =	sst s2  }
0x8f: {  	_ = 	snop  }
0x90: {  	(tm) =	ssettm $0x1  }
0x91: {  	s17 =	sld [smem:$0x3FFB];
	_ =	sdelay $0x3  }
0x92: {  	_ =	strace s17  }
0x93: {  	s2 =	sld [smem:$0x3FFC];
	_ =	sdelay $0x3  }
0x94: {  	_ =	strace s2  }
0x95: {  	s2 =	sld [smem:$0x3FFD];
	_ =	sdelay $0x3  }
0x96: {  	_ =	strace s2  }
0x97: {  	_ =	strace $0x8FFFFFFF  }
0x98: {  	s18 =	sld [smem:$0x3FDB];
	_ =	sdelay $0x1  }
0x99: {  	s19 =	simm.s32 $_scs_section_size  }
0x9a: {  	s4 =	simm.s32 $_size__tile_overlayer_lowered;
	s5 =	simm.s32 $_tile_overlayer_lowered  }
0x9b: {  	s22 =	simm.s32 $0x1BFF;
	s21 =	sshll.u32 s5, $0x1;
	s2 =	sadd.s32 s19, s18  }
0x9c: {  	s6 =	simm.s32 $0x0;
	s20 =	sshll.u32 s4, $0x1;
	s4 =	sadd.s32 s21, s2  }
0x9d: {  	[timem:s6], [sflag:s22] =	dma.local [hbm:s4], s20  }
0x9e: {  	_ =	swait.ge [sflag:s22], s20  }
0x9f: {  	s3 =	ssub.s32 $0x0, s20;
	[sflag:s22] =	ssyncset.done $0x0  }
0xa0: {  	[sflag:s22] =	ssyncadd.s32 s3;
	_ =	sdelay $0x1  }
0xa1: {  	s23 =	simm.s32 $0x1B8B  }
0xa2: {  	_ =	swait.ge [sflag:s23], $0x1  }
0xa3: {  	[sflag:s23] =	ssyncset.done $0x0  }
0xa4: {  	s25 =	simm.s32 $0x1B8E;
	s24 =	sld [smem:$0x3FFE];
	[sflag:s23] =	ssyncadd.s32 $0xFFFFFFFF  }
0xa5: {  	s26 =	simm.s32 $execute0_lowered;
	[smem:$0x3FD2] =	sst s25  }
0xa6: {  	s4 =	sshll.u32 s26, $0x1;
	_ =	strace $0x80000046;
	[dreg:$0x1] =	wrdreg $0xFFFFFFFF  }
0xa7: {  	s28 =	simm.s32 $_size_execute0_lowered;
	s2 =	sadd.s32 s2, s4;
	[dreg:$0x0] =	wrdreg $0x0  }
0xa8: {  	s4 =	sshll.u32 s28, $0x1;
	[dreg:$0x2] =	wrdreg s2  }
0xa9: {  	[dreg:$0x3] =	wrdreg s4  }
0xaa: {  	[dreg:$0x4] =	wrdreg $0xC0  }
0xab: {  	_ =	task [dreg:s6], $0x5FFFF  }
0xac: {  	[dreg:$0x1] =	wrdreg $0xFFFFFFFF  }
0xad: {  	[dreg:$0x0] =	wrdreg $0x60  }
0xae: {  	[dreg:$0x2] =	wrdreg s24  }
0xaf: {  	[dreg:$0x3] =	wrdreg $0x41000  }
0xb0: {  	[dreg:$0x4] =	wrdreg $0x9  }
0xb1: {  	_ =	task.clear_ibuf [dreg:s6], $0x5FFFF;
	_ =	strace $0x90000046  }
0xb2: {  	s29 =	simm.s32 $0x9;
	_ =	strace $0x80000048  }
0xb3: {  	_ =	swait.ge [sflag:s29], $0x1  }
0xb4: {  	[sflag:s29] =	ssyncadd.s32 $0xFFFFFFFF  }
0xb5: {  	_ =	strace $0x90000048  }
0xb6: {  	_ =	sfence  }
0xb7: {  	s30 =	sld [smem:$0x0];
	_ =	sdelay $0x2  }
0xb8: {  	s31 =	sshll.u32 s1, $0xD;
	s1 =	sshrl.u32 s1, $0x2  }
0xb9: {  	s3 =	sand.u32 $0x4000, s31;
	s1 =	sadd.s32 s1, s30  }
0xba: {  	s0 =	sor.u32 s3, s0;
	s1 =	sshll.u32 s1, $0x11  }
0xbb: {  	s0 =	sor.u32 s1, s0  }
0xbc: {  	s0 =	sadd.s32 $0x8F2B, s0  }
0xbd: {  	[sflag:s0] =	ssyncadd.remote.s32 $0x1  }
0xbe: {  	_ =	sfence.sel $0xFFFF  }
0xbf: {  	[dreg:$0x0] =	wrdreg $0xFFFFFFFF;
	(pc) =	sbr.abs _section_cstart, $3  }
0xc0: {  	[dreg:$0x1] =	wrdreg $0xFFFFFFFF  }
0xc1: {  	_ =	task.clear_ibuf [dreg:s6], $0x2FFFF;
	_ =	strace $0x9FFFFFFF  }
0xc2: {  	(tm) =	ssettm $0x7FFFFFFF  }
0xc3: {  	_ =	shalt  }
tec
execute0_lowered:
.L_overlay_start_1:
0x0: {  	(tag) =	ssettag $0x1  }
0x1: {  	s1 =	srdreg.scid  }
0x2: {  	s0 =	stileid.u32;
	s5 =	rddreg [dreg:$0x0]  }
0x3: {  	s2 =	rddreg [dreg:$0x1];
	s3 =	simm.s32 $0x0;
	s13 =	simm.s32 $0x80  }
0x4: {  	s14 =	simm.s32 $0x100;
	s15 =	simm.s32 $0x2100;
	s16 =	simm.s32 $0x1  }
0x5: {  	s4 =	sand.u32 $0x1, s1;
	s6 =	smul.u32 $0x2800, s0;
	s1 =	rddreg [dreg:$0x2]  }
0x6: {  	s17 =	simm.s32 $0x0;
	[smem:$0x7FF] =	sst s3;
	s29 =	smul.u32 $0xA000, s0  }
0x7: {  	s8 =	smul.u32 $0x14000, s0;
	s12 =	sadd.s32 $0x96000, s2;
	p0 =	seq.s32 s0, $0xF  }
0x8: {  	s7 =	smul.u32 $0x1400, s4;
	_ =	strace $0x80000047;
	s10 =	ssub.s32 $0x2, s4  }
0x9: {  	s31 =	smul.u32 $0xA000, s4;
	s30 =	sshrl.u32 s29, $0x3;
	s11 =	sshrl.u32 s10, $0x1  }
0xa: {  	s8 =	sadd.s32 s8, s5;
	s6 =	sadd.s32 s7, s6;
	s10 =	ssub.s32 s10, s11  }
0xb: {  	s11 =	sadd.s32 s29, s2;
	s7 =	sadd.s32 s31, s8;
	s6 =	sshrl.u32 s6, $0x3  }
0xc: {  	s7 =	sadd.s32 $0x1CC00, s7;
	s9 =	sadd.s32 s6, s5;
	s6 =	sadd.s32 s30, s5  }
0xd: {  	s11 =	sshrl.u32 @!p0 s11, $0x3;
	s5 =	sadd.s32 $0x16E00, s5;
	s4 =	sadd.s32 $0x4200, s6  }
0xe: {  	s6 =	smax.u32 s10, $0x1;
	s8 =	sadd.s32 $0x17C00, s9;
	s10 =	sshll.u32 @!p0 s0, $0x6  }
0xf: {  	s9 =	sshrl.u32 @p0 s12, $0x3;
	s12 =	simm.s32 $0x2;
	s10 =	sor.u32 @!p0 $0x1C02, s10  }
.LBB2_1:
0x10: {  	s18 =	simm.s32 @p0 $0x1FC2  }
0x11: {  	[spmem:s9], [sflag:s18] =	dma.local @p0 [hbm:s5], $0xC80  }
0x12: {  	s18 =	simm.s32 @p0 $0x2  }
0x13: {  	_ =	swait.ge @p0 [sflag:s18], $0xC80  }
0x14: {  	[sflag:s18] =	ssyncset.done @p0 $0x0  }
0x15: {  	[sflag:s18] =	ssyncadd.s32 @p0 $0xFFFFF380;
	s18 =	simm.s32 @!p0 $0x2  }
0x16: {  	[spmem:s11], [sflag:s10] =	dma.local @!p0 [hbm:s4], $0x1400  }
0x17: {  	_ =	swait.ge @!p0 [sflag:s18], $0x1400  }
0x18: {  	[sflag:s18] =	ssyncset.done @!p0 $0x0  }
0x19: {  	[sflag:s18] =	ssyncadd.s32 @!p0 $0xFFFFEC00  }
0x1a: {  	s31 =	sadd.s32 $0x0, s8;
	[bflag:$0x0] =	sbarrier.arrive $0xFFFF  }
0x1b: {  	[tilespmem:s3], [sflag:$0x2] =	stream.linear.gather [hbm4b:s31+s3], $0x100, $0x38;
	[tilespmem:$0xDD40] =	vst v63  }
0x1c: {  	_ =	swait.ge [sflag:s12], $0x100  }
0x1d: {  	[sflag:s12] =	ssyncset.done $0x0  }
0x1e: {  	[sflag:s12] =	ssyncadd.s32 $0xFFFFFF00  }
0x1f: {  	[tilespmem:s14], [sflag:$0x1] =	stream.indirect.gather [spmem:s2], $0x40, s3, s13, $0xb8;
	[tilespmem:$0xDD40] =	vst v63  }
0x20: {  	_ = 	snop  }
0x21: {  	[tilespmem:s15], [sflag:$0x1] =	stream.indirect.gather [spmem:s2], $0x40, s13, s13, $0xb8;
	[tilespmem:$0xDD40] =	vst v63  }
0x22: {  	_ =	swait.ge [sflag:s16], $0x2000  }
0x23: {  	[sflag:s16] =	ssyncset.done $0x0  }
0x24: {  	[sflag:s16] =	ssyncadd.s32 $0xFFFFE000  }
0x25: {  	_ =	swait.ge [sflag:s16], $0x2000  }
0x26: {  	[sflag:s16] =	ssyncset.done $0x0  }
0x27: {  	[sflag:s16] =	ssyncadd.s32 $0xFFFFE000  }
0x28: {  	[hbm4b:s7+s3] =	stream.linear.scatter [tilespmem:s14], [sflag:$0x2], $0x4000, $0x38;
	[tilespmem:$0xDD40] =	vst v63  }
0x29: {  	s19 =	simm.s32 $0x20;
	_ =	swait.ge [sflag:s12], $0x4000  }
0x2a: {  	s20 =	simm.s32 $0x40;
	s18 =	sadd.s32 $0x800, s7;
	[sflag:s12] =	ssyncset.done $0x0  }
.LBB2_2:
0x2b: {  	s21 =	sadd.s32 s19, s8  }
0x2c: {  	[sflag:s12] =	ssyncadd.s32 $0xFFFFC000;
	s19 =	smov.u32 s20;
	s22 =	sadd.s32 $0x20, s20  }
0x2d: {  	[tilespmem:s3], [sflag:$0x2] =	stream.linear.gather [hbm4b:s21+s3], $0x100, $0x38;
	[tilespmem:$0xDD40] =	vst v63  }
0x2e: {  	p1 =	sne.s32 s20, $0x260;
	_ =	swait.ge [sflag:s12], $0x100  }
0x2f: {  	[sflag:s12] =	ssyncset.done $0x0  }
0x30: {  	[sflag:s12] =	ssyncadd.s32 $0xFFFFFF00  }
0x31: {  	[tilespmem:s14], [sflag:$0x1] =	stream.indirect.gather [spmem:s2], $0x40, s3, s13, $0xb8;
	[tilespmem:$0xDD40] =	vst v63  }
0x32: {  	_ = 	snop  }
0x33: {  	[tilespmem:s15], [sflag:$0x1] =	stream.indirect.gather [spmem:s2], $0x40, s13, s13, $0xb8;
	[tilespmem:$0xDD40] =	vst v63  }
0x34: {  	_ =	swait.ge [sflag:s16], $0x2000  }
0x35: {  	[sflag:s16] =	ssyncset.done $0x0  }
0x36: {  	[sflag:s16] =	ssyncadd.s32 $0xFFFFE000  }
0x37: {  	_ =	swait.ge [sflag:s16], $0x2000  }
.Ltmp0:
0x38: {  	[sflag:s16] =	ssyncset.done $0x0;
	(pc) =	sbr.rel @p1 .LBB2_2-.Ltmp0, $4  }
0x39: {  	[sflag:s16] =	ssyncadd.s32 $0xFFFFE000  }
0x3a: {  	[hbm4b:s18+s3] =	stream.linear.scatter [tilespmem:s14], [sflag:$0x2], $0x4000, $0x38;
	[tilespmem:$0xDD40] =	vst v63  }
0x3b: {  	_ =	swait.ge [sflag:s12], $0x4000  }
0x3c: {  	s20 =	smov.u32 s22;
	s18 =	sadd.s32 $0x800, s18;
	[sflag:s12] =	ssyncset.done $0x0  }
0x3d: {  	s19 =	sadd.s32 s19, s8;
	[sflag:s12] =	ssyncadd.s32 $0xFFFFC000  }
0x3e: {  	[tilespmem:s3], [sflag:$0x2] =	stream.linear.gather [hbm4b:s19+s3], $0x100, $0x38;
	[tilespmem:$0xDD40] =	vst v63  }
0x3f: {  	_ =	swait.ge [sflag:s12], $0x100  }
0x40: {  	[sflag:s12] =	ssyncset.done $0x0  }
0x41: {  	[sflag:s12] =	ssyncadd.s32 $0xFFFFFF00  }
0x42: {  	[tilespmem:s14], [sflag:$0x1] =	stream.indirect.gather [spmem:s2], $0x40, s3, s13, $0xb8;
	[tilespmem:$0xDD40] =	vst v63  }
0x43: {  	_ = 	snop  }
0x44: {  	[tilespmem:s15], [sflag:$0x1] =	stream.indirect.gather [spmem:s2], $0x40, s13, s13, $0xb8;
	[tilespmem:$0xDD40] =	vst v63  }
0x45: {  	_ =	swait.ge [sflag:s16], $0x2000  }
0x46: {  	[sflag:s16] =	ssyncset.done $0x0  }
0x47: {  	[sflag:s16] =	ssyncadd.s32 $0xFFFFE000  }
0x48: {  	s17 =	sadd.s32 $0x1, s17;
	_ =	swait.ge [sflag:s16], $0x2000  }
0x49: {  	p1 =	sne.s32 s17, s6;
	[sflag:s16] =	ssyncset.done $0x0  }
.Ltmp1:
0x4a: {  	[sflag:s16] =	ssyncadd.s32 $0xFFFFE000;
	(pc) =	sbr.rel @p1 .LBB2_1-.Ltmp1, $4  }
0x4b: {  	[hbm4b:s18+s3] =	stream.linear.scatter [tilespmem:s14], [sflag:$0x2], $0x4000, $0x38;
	[tilespmem:$0xDD40] =	vst v63  }
0x4c: {  	_ =	swait.ge [sflag:s12], $0x4000  }
0x4d: {  	[sflag:s12] =	ssyncset.done $0x0  }
0x4e: {  	[sflag:s12] =	ssyncadd.s32 $0xFFFFC000  }
0x4f: {  	_ =	sfence.sel $0x180000  }
0x50: {  	[bflag:$0x0] =	sbarrier.arrive $0xFFFF  }
0x51: {  	p0 =	sne.s32 s0, $0x0;
	_ =	strace $0x90000047  }
0x52: {  	s0 =	sadd.s32 @!p0 $0x100000, s1;
	[bflag:$0x2] =	sbarrier.arrive $0xFFFF  }
0x53: {  	[sflag:s0] =	ssyncadd.tile.s32 @!p0 $0x1;
	_ =	shalt  }
.Lfunc_end2:
_tile_overlayer_lowered:
.L_overlay_start_2:
0x54: {  	(tag) =	ssettag $0x2  }
0x55: {  	s0 =	rddreg [dreg:$0x0];
	s2 =	stileid.u32  }
0x56: {  	s1 =	rddreg [dreg:$0x1];
	p0 =	sne.s32 s2, $0x0  }
0x57: {  	s3 =	rddreg [dreg:$0x2];
	[bflag:$0x3] =	sbarrier.arrive $0xFFFF;
	s2 =	simm.s32 @!p0 $0x1C02  }
0x58: {  	[timem:s3], [sflag:s2] =	dma.local @!p0 [hbm:s0], s1  }
0x59: {  	s0 =	simm.s32 @!p0 $0x2  }
0x5a: {  	_ =	swait.ge @!p0 [sflag:s0], s1  }
0x5b: {  	s1 =	ssub.s32 @!p0 $0x0, s1;
	[sflag:s0] =	ssyncset.done @!p0 $0x0  }
0x5c: {  	[sflag:s0] =	ssyncadd.s32 @!p0 s1  }
0x5d: {  	[bflag:$0x3] =	sbarrier.arrive $0xFFFF  }
0x5e: {  	_ =	shalt  }

// kernel: kernel.18.cloned.1.call-start
scs
__scs_entry_jumppad:
0x0: {  	(pc) =	sbr.rel $0x88, $3  }
0x1: {  	(tag) =	ssettag $0x0;
	lr =	simm.s32 $0x1  }
0x2: {  	[smem:$0x3F95] =	sst lr;
	_ =	strace $0xD0000000  }
0x3: {  	_ = 	snop  }
0x4: {  	_ = 	snop  }
0x5: {  	_ = 	snop  }
0x6: {  	_ = 	snop  }
0x7: {  	_ = 	snop  }
__scs_overlays_trampoline_lowered:
0x8: {  	[smem:$0x3FA4] =	sst s0  }
0x9: {  	[smem:$0x3FA5] =	sst s1  }
0xa: {  	[smem:$0x3FA6] =	sst s2  }
0xb: {  	[smem:$0x3FA7] =	sst s3  }
0xc: {  	[smem:$0x3FA8] =	sst s4  }
0xd: {  	[smem:$0x3FA9] =	sst s5  }
0xe: {  	[smem:$0x3FAA] =	sst s6  }
0xf: {  	[smem:$0x3FAB] =	sst s7  }
0x10: {  	[smem:$0x3FAC] =	sst s8  }
0x11: {  	[smem:$0x3FAD] =	sst s9;
	s0 =	simm.s32 @!p0 $0x0  }
0x12: {  	s1 =	sld [smem:$0x3F93];
	s0 =	simm.s32 @p0 $0x1  }
0x13: {  	[smem:$0x3FAE] =	sst s0;
	s0 =	simm.s32 @!p1 $0x0  }
0x14: {  	s2 =	sld [smem:$0x3F92];
	s0 =	simm.s32 @p1 $0x1  }
0x15: {  	[smem:$0x3FAF] =	sst s0;
	s0 =	simm.s32 @!p2 $0x0  }
0x16: {  	s3 =	sld [smem:$0x3FDB];
	s0 =	simm.s32 @p2 $0x1  }
0x17: {  	s4 =	simm.s32 $0x1BF5;
	[smem:$0x3FB1] =	sst s0  }
0x18: {  	s0 =	sld [smem:$0x3F94];
	_ =	swait.ge [sflag:s4], $0x0  }
0x19: {  	s7 =	sld [smem:$0x3F95]  }
0x1a: {  	s8 =	sadd.s32 $0xFFFFE003, lr  }
0x1b: {  	s9 =	sadd.s32 $0xFFFFFEF7, lr;
	s5 =	simm.s32 $0xFFFFFFFF;
	p2 =	slt.u32 s8, $0xFFFFF086  }
0x1c: {  	p1 =	slt.u32 s9, $0xF7A;
	s5 =	simm.s32 @!p2 $0x0  }
0x1d: {  	s5 =	simm.s32 @p1 $0x1;
	p0 =	seq.s32 s7, s2  }
0x1e: {  	s7 =	smul.u32 @!p0 $0xF7A, s2;
	p2 =	seq.s32 @!p0 s5, $0x0  }
0x1f: {  	s9 =	smul.u32 $0xF7A, s1;
	s8 =	simm.s32 @!p0 $0x1BF5;
	p2 =	por !p2, p0  }
0x20: {  	[sflag:s8] =	ssyncset.s32 @!p0 $0xFFFFF086;
	s6 =	sadd.s32 @!p0 s3, s7;
	s7 =	simm.s32 @!p0 $0x108  }
0x21: {  	s3 =	sadd.s32 s3, s9;
	s6 =	sadd.s32 @!p0 $0x88, s6;
	s7 =	simm.s32 @p2 $0x1082  }
0x22: {  	[simem:s7], [sflag:s8] =	dma.local @!p0 [hbm:s6], $0xF7A  }
0x23: {  	s9 =	sor.u32 $0xD0000000, s2;
	s6 =	simm.s32 $0x108;
	_ =	swait.ge @!p0 [sflag:s8], $0x0  }
0x24: {  	s3 =	sadd.s32 $0x88, s3;
	s6 =	simm.s32 @!p1 $0x1082;
	[sflag:s4] =	ssyncset.s32 $0xFFFFF086  }
0x25: {  	[simem:s6], [sflag:s4] =	dma.local [hbm:s3], $0xF7A  }
0x26: {  	[smem:$0x3F95] =	sst s1;
	(tag) =	ssettag s2;
	_ =	strace s9  }
0x27: {  	s1 =	sld [smem:$0x3FA5]  }
0x28: {  	s2 =	sld [smem:$0x3FA6]  }
0x29: {  	s4 =	sld [smem:$0x3FA8]  }
0x2a: {  	p0 =	seq.s32 s5, $0x0;
	s5 =	sld [smem:$0x3FA9]  }
0x2b: {  	s6 =	sld [smem:$0x3FAA]  }
0x2c: {  	s7 =	sld [smem:$0x3FAB]  }
0x2d: {  	s3 =	simm.s32 $0x108;
	s8 =	sld [smem:$0x3FAC]  }
0x2e: {  	s3 =	simm.s32 @!p0 $0x1082;
	s9 =	sld [smem:$0x3FAD]  }
0x2f: {  	lr =	sadd.s32 s0, s3;
	s0 =	sld [smem:$0x3FA4]  }
0x30: {  	s3 =	sld [smem:$0x3FA7]  }
0x31: {  	[smem:$0x3FB0] =	sst s10  }
0x32: {  	s10 =	sld [smem:$0x3FAE];
	_ =	sdelay $0x3  }
0x33: {  	p0 =	seq.s32 s10, $0x1;
	s10 =	sld [smem:$0x3FB0];
	_ =	sdelay $0x3  }
0x34: {  	[smem:$0x3FB0] =	sst s10  }
0x35: {  	s10 =	sld [smem:$0x3FAF];
	_ =	sdelay $0x3  }
0x36: {  	p1 =	seq.s32 s10, $0x1;
	s10 =	sld [smem:$0x3FB0];
	_ =	sdelay $0x3  }
0x37: {  	[smem:$0x3FB0] =	sst s10  }
0x38: {  	s10 =	sld [smem:$0x3FB1]  }
0x39: {  	_ = 	snop;
	(pc) =	sbr.ind lr, $3  }
0x3a: {  	_ = 	snop  }
0x3b: {  	_ = 	snop  }
0x3c: {  	p2 =	seq.s32 s10, $0x1;
	s10 =	sld [smem:$0x3FB0]  }
0x3d: {  	_ =	shalt  }
0x3e: {  	_ =	shalt  }
0x3f: {  	_ =	shalt  }
0x40: {  	_ =	shalt  }
0x41: {  	_ =	shalt  }
0x42: {  	_ =	shalt  }
0x43: {  	_ =	shalt  }
0x44: {  	_ =	shalt  }
0x45: {  	_ =	shalt  }
0x46: {  	_ =	shalt  }
0x47: {  	_ =	shalt  }
0x48: {  	_ =	shalt  }
0x49: {  	_ =	shalt  }
0x4a: {  	_ =	shalt  }
0x4b: {  	_ =	shalt  }
0x4c: {  	_ =	shalt  }
0x4d: {  	_ =	shalt  }
0x4e: {  	_ =	shalt  }
0x4f: {  	_ =	shalt  }
0x50: {  	_ =	shalt  }
0x51: {  	_ =	shalt  }
0x52: {  	_ =	shalt  }
0x53: {  	_ =	shalt  }
0x54: {  	_ =	shalt  }
0x55: {  	_ =	shalt  }
0x56: {  	_ =	shalt  }
0x57: {  	_ =	shalt  }
0x58: {  	_ =	shalt  }
0x59: {  	_ =	shalt  }
0x5a: {  	_ =	shalt  }
0x5b: {  	_ =	shalt  }
0x5c: {  	_ =	shalt  }
0x5d: {  	_ =	shalt  }
0x5e: {  	_ =	shalt  }
0x5f: {  	_ =	shalt  }
0x60: {  	_ =	shalt  }
0x61: {  	_ =	shalt  }
0x62: {  	_ =	shalt  }
0x63: {  	_ =	shalt  }
0x64: {  	_ =	shalt  }
0x65: {  	_ =	shalt  }
0x66: {  	_ =	shalt  }
0x67: {  	_ =	shalt  }
0x68: {  	_ =	shalt  }
0x69: {  	_ =	shalt  }
0x6a: {  	_ =	shalt  }
0x6b: {  	_ =	shalt  }
0x6c: {  	_ =	shalt  }
0x6d: {  	_ =	shalt  }
0x6e: {  	_ =	shalt  }
0x6f: {  	_ =	shalt  }
0x70: {  	_ =	shalt  }
0x71: {  	_ =	shalt  }
0x72: {  	_ =	shalt  }
0x73: {  	_ =	shalt  }
0x74: {  	_ =	shalt  }
0x75: {  	_ =	shalt  }
0x76: {  	_ =	shalt  }
0x77: {  	_ =	shalt  }
0x78: {  	_ =	shalt  }
0x79: {  	_ =	shalt  }
0x7a: {  	_ =	shalt  }
0x7b: {  	_ =	shalt  }
0x7c: {  	_ =	shalt  }
0x7d: {  	_ =	shalt  }
0x7e: {  	_ =	shalt  }
0x7f: {  	_ =	shalt  }
0x80: {  	_ =	shalt  }
0x81: {  	_ =	shalt  }
0x82: {  	_ =	shalt  }
0x83: {  	_ =	shalt  }
0x84: {  	_ =	shalt  }
0x85: {  	_ =	shalt  }
0x86: {  	_ =	shalt  }
0x87: {  	_ =	shalt  }
.Lfunc_end0:
.L_simem_size_0:
called_computation.6_lowered:
.L_overlay_start_0:
0x88: {  	s2 =	sld [smem:$0x3FD9]  }
0x89: {  	s3 =	sld [smem:$0x3FFE];
	_ =	sdelay $0x1  }
0x8a: {  	s1 =	srdreg.scid  }
0x8b: {  	s0 =	sand.u32 $0x1, s1  }
0x8c: {  	s16 =	sshll.u32 s0, $0xA;
	s2 =	sadd.s32 s3, s2  }
0x8d: {  	s2 =	sadd.s32 s2, s16  }
0x8e: {  	[smem:$0x3FBC] =	sst s2  }
0x8f: {  	_ = 	snop  }
0x90: {  	(tm) =	ssettm $0x1  }
0x91: {  	s17 =	sld [smem:$0x3FFB];
	_ =	sdelay $0x3  }
0x92: {  	_ =	strace s17  }
0x93: {  	s2 =	sld [smem:$0x3FFC];
	_ =	sdelay $0x3  }
0x94: {  	_ =	strace s2  }
0x95: {  	s2 =	sld [smem:$0x3FFD];
	_ =	sdelay $0x3  }
0x96: {  	_ =	strace s2  }
0x97: {  	_ =	strace $0x8FFFFFFF  }
0x98: {  	s18 =	sld [smem:$0x3FDB];
	_ =	sdelay $0x1  }
0x99: {  	s19 =	simm.s32 $_scs_section_size  }
0x9a: {  	s4 =	simm.s32 $_size__tile_overlayer_lowered;
	s5 =	simm.s32 $_tile_overlayer_lowered  }
0x9b: {  	s22 =	simm.s32 $0x1BFF;
	s21 =	sshll.u32 s5, $0x1;
	s2 =	sadd.s32 s19, s18  }
0x9c: {  	s6 =	simm.s32 $0x0;
	s20 =	sshll.u32 s4, $0x1;
	s4 =	sadd.s32 s21, s2  }
0x9d: {  	[timem:s6], [sflag:s22] =	dma.local [hbm:s4], s20  }
0x9e: {  	_ =	swait.ge [sflag:s22], s20  }
0x9f: {  	s3 =	ssub.s32 $0x0, s20;
	[sflag:s22] =	ssyncset.done $0x0  }
0xa0: {  	[sflag:s22] =	ssyncadd.s32 s3;
	_ =	sdelay $0x1  }
0xa1: {  	s23 =	simm.s32 $0x1B8B  }
0xa2: {  	_ =	swait.ge [sflag:s23], $0x1  }
0xa3: {  	[sflag:s23] =	ssyncset.done $0x0  }
0xa4: {  	s25 =	simm.s32 $0x1B8E;
	s24 =	sld [smem:$0x3FFE];
	[sflag:s23] =	ssyncadd.s32 $0xFFFFFFFF  }
0xa5: {  	s26 =	simm.s32 $execute0_lowered;
	[smem:$0x3FD2] =	sst s25  }
0xa6: {  	s4 =	sshll.u32 s26, $0x1;
	_ =	strace $0x80000052;
	[dreg:$0x1] =	wrdreg $0xFFFFFFFF  }
0xa7: {  	s28 =	simm.s32 $_size_execute0_lowered;
	s2 =	sadd.s32 s2, s4;
	[dreg:$0x0] =	wrdreg $0x0  }
0xa8: {  	s4 =	sshll.u32 s28, $0x1;
	[dreg:$0x2] =	wrdreg s2  }
0xa9: {  	[dreg:$0x3] =	wrdreg s4  }
0xaa: {  	[dreg:$0x4] =	wrdreg $0xC0  }
0xab: {  	_ =	task [dreg:s6], $0x5FFFF  }
0xac: {  	[dreg:$0x1] =	wrdreg $0xFFFFFFFF  }
0xad: {  	[dreg:$0x0] =	wrdreg $0x60  }
0xae: {  	[dreg:$0x2] =	wrdreg s24  }
0xaf: {  	[dreg:$0x3] =	wrdreg $0x81000  }
0xb0: {  	[dreg:$0x4] =	wrdreg $0x9  }
0xb1: {  	_ =	task.clear_ibuf [dreg:s6], $0x5FFFF;
	_ =	strace $0x90000052  }
0xb2: {  	s29 =	simm.s32 $0x9;
	_ =	strace $0x80000054  }
0xb3: {  	_ =	swait.ge [sflag:s29], $0x1  }
0xb4: {  	[sflag:s29] =	ssyncadd.s32 $0xFFFFFFFF  }
0xb5: {  	_ =	strace $0x90000054  }
0xb6: {  	_ =	sfence  }
0xb7: {  	s30 =	sld [smem:$0x0];
	_ =	sdelay $0x2  }
0xb8: {  	s31 =	sshll.u32 s1, $0xD;
	s1 =	sshrl.u32 s1, $0x2  }
0xb9: {  	s3 =	sand.u32 $0x4000, s31;
	s1 =	sadd.s32 s1, s30  }
0xba: {  	s0 =	sor.u32 s3, s0;
	s1 =	sshll.u32 s1, $0x11  }
0xbb: {  	s0 =	sor.u32 s1, s0  }
0xbc: {  	s0 =	sadd.s32 $0x8F2B, s0  }
0xbd: {  	[sflag:s0] =	ssyncadd.remote.s32 $0x1  }
0xbe: {  	_ =	sfence.sel $0xFFFF  }
0xbf: {  	[dreg:$0x0] =	wrdreg $0xFFFFFFFF;
	(pc) =	sbr.abs _section_cstart, $3  }
0xc0: {  	[dreg:$0x1] =	wrdreg $0xFFFFFFFF  }
0xc1: {  	_ =	task.clear_ibuf [dreg:s6], $0x2FFFF;
	_ =	strace $0x9FFFFFFF  }
0xc2: {  	(tm) =	ssettm $0x7FFFFFFF  }
0xc3: {  	_ =	shalt  }
tec
execute0_lowered:
.L_overlay_start_1:
0x0: {  	(tag) =	ssettag $0x1  }
0x1: {  	s1 =	srdreg.scid;
	s0 =	stileid.u32  }
0x2: {  	s4 =	rddreg [dreg:$0x0];
	s6 =	smul.u32 $0x2800, s0  }
0x3: {  	s2 =	rddreg [dreg:$0x1];
	s8 =	smul.u32 $0x28000, s0  }
0x4: {  	s3 =	simm.s32 $0x0;
	s14 =	simm.s32 $0x4100;
	s25 =	smul.u32 $0x13C00, s0  }
0x5: {  	s15 =	simm.s32 $0x1;
	s5 =	sand.u32 $0x1, s1;
	s12 =	smul.u32 $0x4F000, s0  }
0x6: {  	s16 =	simm.s32 $0x0;
	s1 =	rddreg [dreg:$0x2];
	s7 =	smul.u32 $0x1400, s5  }
0x7: {  	[smem:$0x7FF] =	sst s3;
	s30 =	sshll.u32 s0, $0x6;
	s9 =	smul.u32 $0x13C000, s5  }
0x8: {  	_ =	strace $0x80000053;
	s28 =	ssub.s32 $0x2, s5;
	s31 =	smul.u32 $0x14000, s5  }
0x9: {  	s5 =	sor.u32 $0x1C02, s30;
	s8 =	sadd.s32 s8, s4;
	s26 =	sshrl.u32 s25, $0x3  }
0xa: {  	s11 =	sshrl.u32 s28, $0x1;
	s29 =	sshrl.u32 s12, $0x2;
	s12 =	simm.s32 $0x100  }
0xb: {  	s6 =	sadd.s32 s7, s6;
	s7 =	sadd.s32 s25, s9;
	s9 =	ssub.s32 s28, s11  }
0xc: {  	s13 =	sadd.s32 s29, s2;
	s8 =	sadd.s32 s31, s8;
	s11 =	simm.s32 $0x2  }
0xd: {  	s6 =	sshrl.u32 s6, $0x3;
	s7 =	sshrl.u32 s7, $0x3;
	s8 =	sadd.s32 $0x1CC00, s8  }
0xe: {  	s10 =	sadd.s32 s6, s4;
	s6 =	sadd.s32 s26, s4;
	s7 =	sadd.s32 s7, s4  }
0xf: {  	s4 =	sadd.s32 $0x29CC00, s6;
	s6 =	sadd.s32 $0x2C4400, s7;
	s7 =	smax.u32 s9, $0x1  }
0x10: {  	s9 =	sadd.s32 $0x4200, s10;
	s10 =	sshrl.u32 s13, $0x3;
	s13 =	simm.s32 $0x80  }
.LBB2_1:
0x11: {  	[spmem:s10], [sflag:s5] =	dma.local [hbm:s4], $0x2780  }
0x12: {  	_ =	swait.ge [sflag:s11], $0x2780  }
0x13: {  	[sflag:s11] =	ssyncset.done $0x0  }
0x14: {  	[sflag:s11] =	ssyncadd.s32 $0xFFFFD880  }
0x15: {  	s17 =	sadd.s32 $0x0, s9;
	[bflag:$0x0] =	sbarrier.arrive $0xFFFF  }
0x16: {  	[tilespmem:s3], [sflag:$0x2] =	stream.linear.gather [hbm4b:s17+s3], $0x100, $0x38;
	[tilespmem:$0x1BD00] =	vst v63  }
0x17: {  	_ =	swait.ge [sflag:s11], $0x100  }
0x18: {  	[sflag:s11] =	ssyncset.done $0x0  }
0x19: {  	[sflag:s11] =	ssyncadd.s32 $0xFFFFFF00  }
0x1a: {  	[tilespmem:s12], [sflag:$0x2] =	stream.linear.gather [hbm4b:s8+s3], $0x8000, $0x38;
	[tilespmem:$0x1BD00] =	vst v63  }
0x1b: {  	_ =	swait.ge [sflag:s11], $0x8000  }
0x1c: {  	[sflag:s11] =	ssyncset.done $0x0  }
0x1d: {  	[sflag:s11] =	ssyncadd.s32 $0xFFFF8000  }
0x1e: {  	[spmem:s2] =	stream.indirect.scatter.add.f32 [tilespmem:s12], [sflag:$0x1], $0x80, s3, s13, $0xb8;
	[tilespmem:$0x1BD00] =	vst v63  }
0x1f: {  	_ = 	snop  }
0x20: {  	[spmem:s2] =	stream.indirect.scatter.add.f32 [tilespmem:s14], [sflag:$0x1], $0x80, s13, s13, $0xb8;
	[tilespmem:$0x1BD00] =	vst v63  }
0x21: {  	_ =	swait.ge [sflag:s15], $0x4000  }
0x22: {  	[sflag:s15] =	ssyncset.done $0x0  }
0x23: {  	[sflag:s15] =	ssyncadd.s32 $0xFFFFC000  }
0x24: {  	s18 =	simm.s32 $0x20;
	_ =	swait.ge [sflag:s15], $0x4000  }
0x25: {  	s19 =	simm.s32 $0x40;
	s17 =	sadd.s32 $0x1000, s8;
	[sflag:s15] =	ssyncset.done $0x0  }
.LBB2_2:
0x26: {  	s20 =	sadd.s32 s18, s9  }
0x27: {  	[sflag:s15] =	ssyncadd.s32 $0xFFFFC000;
	s18 =	smov.u32 s19;
	s21 =	sadd.s32 $0x20, s19  }
0x28: {  	[tilespmem:s3], [sflag:$0x2] =	stream.linear.gather [hbm4b:s20+s3], $0x100, $0x38;
	[tilespmem:$0x1BD00] =	vst v63  }
0x29: {  	p0 =	sne.s32 s19, $0x260;
	_ =	swait.ge [sflag:s11], $0x100  }
0x2a: {  	[sflag:s11] =	ssyncset.done $0x0  }
0x2b: {  	[sflag:s11] =	ssyncadd.s32 $0xFFFFFF00  }
0x2c: {  	[tilespmem:s12], [sflag:$0x2] =	stream.linear.gather [hbm4b:s17+s3], $0x8000, $0x38;
	[tilespmem:$0x1BD00] =	vst v63  }
0x2d: {  	_ =	swait.ge [sflag:s11], $0x8000  }
0x2e: {  	[sflag:s11] =	ssyncset.done $0x0  }
0x2f: {  	[sflag:s11] =	ssyncadd.s32 $0xFFFF8000  }
0x30: {  	[spmem:s2] =	stream.indirect.scatter.add.f32 [tilespmem:s12], [sflag:$0x1], $0x80, s3, s13, $0xb8;
	[tilespmem:$0x1BD00] =	vst v63  }
0x31: {  	_ = 	snop  }
0x32: {  	[spmem:s2] =	stream.indirect.scatter.add.f32 [tilespmem:s14], [sflag:$0x1], $0x80, s13, s13, $0xb8;
	[tilespmem:$0x1BD00] =	vst v63  }
.Ltmp0:
0x33: {  	_ =	swait.ge [sflag:s15], $0x4000;
	(pc) =	sbr.rel @p0 .LBB2_2-.Ltmp0, $4  }
0x34: {  	[sflag:s15] =	ssyncset.done $0x0  }
0x35: {  	[sflag:s15] =	ssyncadd.s32 $0xFFFFC000  }
0x36: {  	_ =	swait.ge [sflag:s15], $0x4000  }
0x37: {  	s19 =	smov.u32 s21;
	s17 =	sadd.s32 $0x1000, s17;
	[sflag:s15] =	ssyncset.done $0x0  }
0x38: {  	s18 =	sadd.s32 s18, s9;
	[sflag:s15] =	ssyncadd.s32 $0xFFFFC000  }
0x39: {  	[tilespmem:s3], [sflag:$0x2] =	stream.linear.gather [hbm4b:s18+s3], $0x100, $0x38;
	[tilespmem:$0x1BD00] =	vst v63  }
0x3a: {  	_ =	swait.ge [sflag:s11], $0x100  }
0x3b: {  	[sflag:s11] =	ssyncset.done $0x0  }
0x3c: {  	[sflag:s11] =	ssyncadd.s32 $0xFFFFFF00  }
0x3d: {  	[tilespmem:s12], [sflag:$0x2] =	stream.linear.gather [hbm4b:s17+s3], $0x8000, $0x38;
	[tilespmem:$0x1BD00] =	vst v63  }
0x3e: {  	_ =	swait.ge [sflag:s11], $0x8000  }
0x3f: {  	[sflag:s11] =	ssyncset.done $0x0  }
0x40: {  	[sflag:s11] =	ssyncadd.s32 $0xFFFF8000  }
0x41: {  	[spmem:s2] =	stream.indirect.scatter.add.f32 [tilespmem:s12], [sflag:$0x1], $0x80, s3, s13, $0xb8;
	[tilespmem:$0x1BD00] =	vst v63  }
0x42: {  	_ = 	snop  }
0x43: {  	[spmem:s2] =	stream.indirect.scatter.add.f32 [tilespmem:s14], [sflag:$0x1], $0x80, s13, s13, $0xb8;
	[tilespmem:$0x1BD00] =	vst v63  }
0x44: {  	_ =	swait.ge [sflag:s15], $0x4000  }
0x45: {  	[sflag:s15] =	ssyncset.done $0x0  }
0x46: {  	[sflag:s15] =	ssyncadd.s32 $0xFFFFC000  }
0x47: {  	_ =	swait.ge [sflag:s15], $0x4000  }
0x48: {  	s16 =	sadd.s32 $0x1, s16;
	[sflag:s15] =	ssyncset.done $0x0  }
0x49: {  	p0 =	sne.s32 s16, s7;
	[sflag:s15] =	ssyncadd.s32 $0xFFFFC000  }
.Ltmp1:
0x4a: {  	[bflag:$0x0] =	sbarrier.arrive $0xFFFF;
	(pc) =	sbr.rel @p0 .LBB2_1-.Ltmp1, $4  }
0x4b: {  	[hbm:s6], [sflag:s5] =	dma.local [spmem:s10], $0x2780  }
0x4c: {  	_ =	swait.ge [sflag:s11], $0x2780  }
0x4d: {  	[sflag:s11] =	ssyncset.done $0x0  }
0x4e: {  	[sflag:s11] =	ssyncadd.s32 $0xFFFFD880  }
0x4f: {  	_ =	sfence.sel $0x180000  }
0x50: {  	[bflag:$0x0] =	sbarrier.arrive $0xFFFF  }
0x51: {  	p0 =	sne.s32 s0, $0x0;
	_ =	strace $0x90000053  }
0x52: {  	s0 =	sadd.s32 @!p0 $0x100000, s1;
	[bflag:$0x2] =	sbarrier.arrive $0xFFFF  }
0x53: {  	[sflag:s0] =	ssyncadd.tile.s32 @!p0 $0x1;
	_ =	shalt  }
.Lfunc_end2:
_tile_overlayer_lowered:
.L_overlay_start_2:
0x54: {  	(tag) =	ssettag $0x2  }
0x55: {  	s0 =	rddreg [dreg:$0x0];
	s2 =	stileid.u32  }
0x56: {  	s1 =	rddreg [dreg:$0x1];
	p0 =	sne.s32 s2, $0x0  }
0x57: {  	s3 =	rddreg [dreg:$0x2];
	[bflag:$0x3] =	sbarrier.arrive $0xFFFF;
	s2 =	simm.s32 @!p0 $0x1C02  }
0x58: {  	[timem:s3], [sflag:s2] =	dma.local @!p0 [hbm:s0], s1  }
0x59: {  	s0 =	simm.s32 @!p0 $0x2  }
0x5a: {  	_ =	swait.ge @!p0 [sflag:s0], s1  }
0x5b: {  	s1 =	ssub.s32 @!p0 $0x0, s1;
	[sflag:s0] =	ssyncset.done @!p0 $0x0  }
0x5c: {  	[sflag:s0] =	ssyncadd.s32 @!p0 s1  }
0x5d: {  	[bflag:$0x3] =	sbarrier.arrive $0xFFFF  }
0x5e: {  	_ =	shalt  }

// kernel: kernel.21.cloned.1.call-start
scs
__scs_entry_jumppad:
0x0: {  	(pc) =	sbr.rel $0x88, $3  }
0x1: {  	(tag) =	ssettag $0x0;
	lr =	simm.s32 $0x1  }
0x2: {  	[smem:$0x3F95] =	sst lr;
	_ =	strace $0xD0000000  }
0x3: {  	_ = 	snop  }
0x4: {  	_ = 	snop  }
0x5: {  	_ = 	snop  }
0x6: {  	_ = 	snop  }
0x7: {  	_ = 	snop  }
__scs_overlays_trampoline_lowered:
0x8: {  	[smem:$0x3FA4] =	sst s0  }
0x9: {  	[smem:$0x3FA5] =	sst s1  }
0xa: {  	[smem:$0x3FA6] =	sst s2  }
0xb: {  	[smem:$0x3FA7] =	sst s3  }
0xc: {  	[smem:$0x3FA8] =	sst s4  }
0xd: {  	[smem:$0x3FA9] =	sst s5  }
0xe: {  	[smem:$0x3FAA] =	sst s6  }
0xf: {  	[smem:$0x3FAB] =	sst s7  }
0x10: {  	[smem:$0x3FAC] =	sst s8  }
0x11: {  	[smem:$0x3FAD] =	sst s9;
	s0 =	simm.s32 @!p0 $0x0  }
0x12: {  	s1 =	sld [smem:$0x3F93];
	s0 =	simm.s32 @p0 $0x1  }
0x13: {  	[smem:$0x3FAE] =	sst s0;
	s0 =	simm.s32 @!p1 $0x0  }
0x14: {  	s2 =	sld [smem:$0x3F92];
	s0 =	simm.s32 @p1 $0x1  }
0x15: {  	[smem:$0x3FAF] =	sst s0;
	s0 =	simm.s32 @!p2 $0x0  }
0x16: {  	s3 =	sld [smem:$0x3FDB];
	s0 =	simm.s32 @p2 $0x1  }
0x17: {  	s4 =	simm.s32 $0x1BF5;
	[smem:$0x3FB1] =	sst s0  }
0x18: {  	s0 =	sld [smem:$0x3F94];
	_ =	swait.ge [sflag:s4], $0x0  }
0x19: {  	s7 =	sld [smem:$0x3F95]  }
0x1a: {  	s8 =	sadd.s32 $0xFFFFE003, lr  }
0x1b: {  	s9 =	sadd.s32 $0xFFFFFEF7, lr;
	s5 =	simm.s32 $0xFFFFFFFF;
	p2 =	slt.u32 s8, $0xFFFFF086  }
0x1c: {  	p1 =	slt.u32 s9, $0xF7A;
	s5 =	simm.s32 @!p2 $0x0  }
0x1d: {  	s5 =	simm.s32 @p1 $0x1;
	p0 =	seq.s32 s7, s2  }
0x1e: {  	s7 =	smul.u32 @!p0 $0xF7A, s2;
	p2 =	seq.s32 @!p0 s5, $0x0  }
0x1f: {  	s9 =	smul.u32 $0xF7A, s1;
	s8 =	simm.s32 @!p0 $0x1BF5;
	p2 =	por !p2, p0  }
0x20: {  	[sflag:s8] =	ssyncset.s32 @!p0 $0xFFFFF086;
	s6 =	sadd.s32 @!p0 s3, s7;
	s7 =	simm.s32 @!p0 $0x108  }
0x21: {  	s3 =	sadd.s32 s3, s9;
	s6 =	sadd.s32 @!p0 $0x88, s6;
	s7 =	simm.s32 @p2 $0x1082  }
0x22: {  	[simem:s7], [sflag:s8] =	dma.local @!p0 [hbm:s6], $0xF7A  }
0x23: {  	s9 =	sor.u32 $0xD0000000, s2;
	s6 =	simm.s32 $0x108;
	_ =	swait.ge @!p0 [sflag:s8], $0x0  }
0x24: {  	s3 =	sadd.s32 $0x88, s3;
	s6 =	simm.s32 @!p1 $0x1082;
	[sflag:s4] =	ssyncset.s32 $0xFFFFF086  }
0x25: {  	[simem:s6], [sflag:s4] =	dma.local [hbm:s3], $0xF7A  }
0x26: {  	[smem:$0x3F95] =	sst s1;
	(tag) =	ssettag s2;
	_ =	strace s9  }
0x27: {  	s1 =	sld [smem:$0x3FA5]  }
0x28: {  	s2 =	sld [smem:$0x3FA6]  }
0x29: {  	s4 =	sld [smem:$0x3FA8]  }
0x2a: {  	p0 =	seq.s32 s5, $0x0;
	s5 =	sld [smem:$0x3FA9]  }
0x2b: {  	s6 =	sld [smem:$0x3FAA]  }
0x2c: {  	s7 =	sld [smem:$0x3FAB]  }
0x2d: {  	s3 =	simm.s32 $0x108;
	s8 =	sld [smem:$0x3FAC]  }
0x2e: {  	s3 =	simm.s32 @!p0 $0x1082;
	s9 =	sld [smem:$0x3FAD]  }
0x2f: {  	lr =	sadd.s32 s0, s3;
	s0 =	sld [smem:$0x3FA4]  }
0x30: {  	s3 =	sld [smem:$0x3FA7]  }
0x31: {  	[smem:$0x3FB0] =	sst s10  }
0x32: {  	s10 =	sld [smem:$0x3FAE];
	_ =	sdelay $0x3  }
0x33: {  	p0 =	seq.s32 s10, $0x1;
	s10 =	sld [smem:$0x3FB0];
	_ =	sdelay $0x3  }
0x34: {  	[smem:$0x3FB0] =	sst s10  }
0x35: {  	s10 =	sld [smem:$0x3FAF];
	_ =	sdelay $0x3  }
0x36: {  	p1 =	seq.s32 s10, $0x1;
	s10 =	sld [smem:$0x3FB0];
	_ =	sdelay $0x3  }
0x37: {  	[smem:$0x3FB0] =	sst s10  }
0x38: {  	s10 =	sld [smem:$0x3FB1]  }
0x39: {  	_ = 	snop;
	(pc) =	sbr.ind lr, $3  }
0x3a: {  	_ = 	snop  }
0x3b: {  	_ = 	snop  }
0x3c: {  	p2 =	seq.s32 s10, $0x1;
	s10 =	sld [smem:$0x3FB0]  }
0x3d: {  	_ =	shalt  }
0x3e: {  	_ =	shalt  }
0x3f: {  	_ =	shalt  }
0x40: {  	_ =	shalt  }
0x41: {  	_ =	shalt  }
0x42: {  	_ =	shalt  }
0x43: {  	_ =	shalt  }
0x44: {  	_ =	shalt  }
0x45: {  	_ =	shalt  }
0x46: {  	_ =	shalt  }
0x47: {  	_ =	shalt  }
0x48: {  	_ =	shalt  }
0x49: {  	_ =	shalt  }
0x4a: {  	_ =	shalt  }
0x4b: {  	_ =	shalt  }
0x4c: {  	_ =	shalt  }
0x4d: {  	_ =	shalt  }
0x4e: {  	_ =	shalt  }
0x4f: {  	_ =	shalt  }
0x50: {  	_ =	shalt  }
0x51: {  	_ =	shalt  }
0x52: {  	_ =	shalt  }
0x53: {  	_ =	shalt  }
0x54: {  	_ =	shalt  }
0x55: {  	_ =	shalt  }
0x56: {  	_ =	shalt  }
0x57: {  	_ =	shalt  }
0x58: {  	_ =	shalt  }
0x59: {  	_ =	shalt  }
0x5a: {  	_ =	shalt  }
0x5b: {  	_ =	shalt  }
0x5c: {  	_ =	shalt  }
0x5d: {  	_ =	shalt  }
0x5e: {  	_ =	shalt  }
0x5f: {  	_ =	shalt  }
0x60: {  	_ =	shalt  }
0x61: {  	_ =	shalt  }
0x62: {  	_ =	shalt  }
0x63: {  	_ =	shalt  }
0x64: {  	_ =	shalt  }
0x65: {  	_ =	shalt  }
0x66: {  	_ =	shalt  }
0x67: {  	_ =	shalt  }
0x68: {  	_ =	shalt  }
0x69: {  	_ =	shalt  }
0x6a: {  	_ =	shalt  }
0x6b: {  	_ =	shalt  }
0x6c: {  	_ =	shalt  }
0x6d: {  	_ =	shalt  }
0x6e: {  	_ =	shalt  }
0x6f: {  	_ =	shalt  }
0x70: {  	_ =	shalt  }
0x71: {  	_ =	shalt  }
0x72: {  	_ =	shalt  }
0x73: {  	_ =	shalt  }
0x74: {  	_ =	shalt  }
0x75: {  	_ =	shalt  }
0x76: {  	_ =	shalt  }
0x77: {  	_ =	shalt  }
0x78: {  	_ =	shalt  }
0x79: {  	_ =	shalt  }
0x7a: {  	_ =	shalt  }
0x7b: {  	_ =	shalt  }
0x7c: {  	_ =	shalt  }
0x7d: {  	_ =	shalt  }
0x7e: {  	_ =	shalt  }
0x7f: {  	_ =	shalt  }
0x80: {  	_ =	shalt  }
0x81: {  	_ =	shalt  }
0x82: {  	_ =	shalt  }
0x83: {  	_ =	shalt  }
0x84: {  	_ =	shalt  }
0x85: {  	_ =	shalt  }
0x86: {  	_ =	shalt  }
0x87: {  	_ =	shalt  }
.Lfunc_end0:
.L_simem_size_0:
called_computation.7_lowered:
.L_overlay_start_0:
0x88: {  	s2 =	sld [smem:$0x3FD9]  }
0x89: {  	s3 =	sld [smem:$0x3FFE];
	_ =	sdelay $0x1  }
0x8a: {  	s1 =	srdreg.scid  }
0x8b: {  	s0 =	sand.u32 $0x1, s1  }
0x8c: {  	s16 =	sshll.u32 s0, $0xA;
	s2 =	sadd.s32 s3, s2  }
0x8d: {  	s2 =	sadd.s32 s2, s16  }
0x8e: {  	[smem:$0x3FBC] =	sst s2  }
0x8f: {  	_ = 	snop  }
0x90: {  	(tm) =	ssettm $0x1  }
0x91: {  	s17 =	sld [smem:$0x3FFB];
	_ =	sdelay $0x3  }
0x92: {  	_ =	strace s17  }
0x93: {  	s2 =	sld [smem:$0x3FFC];
	_ =	sdelay $0x3  }
0x94: {  	_ =	strace s2  }
0x95: {  	s2 =	sld [smem:$0x3FFD];
	_ =	sdelay $0x3  }
0x96: {  	_ =	strace s2  }
0x97: {  	_ =	strace $0x8FFFFFFF  }
0x98: {  	s18 =	sld [smem:$0x3FDB];
	_ =	sdelay $0x1  }
0x99: {  	s19 =	simm.s32 $_scs_section_size  }
0x9a: {  	s4 =	simm.s32 $_size__tile_overlayer_lowered;
	s5 =	simm.s32 $_tile_overlayer_lowered  }
0x9b: {  	s22 =	simm.s32 $0x1BFF;
	s21 =	sshll.u32 s5, $0x1;
	s2 =	sadd.s32 s19, s18  }
0x9c: {  	s6 =	simm.s32 $0x0;
	s20 =	sshll.u32 s4, $0x1;
	s4 =	sadd.s32 s21, s2  }
0x9d: {  	[timem:s6], [sflag:s22] =	dma.local [hbm:s4], s20  }
0x9e: {  	_ =	swait.ge [sflag:s22], s20  }
0x9f: {  	s3 =	ssub.s32 $0x0, s20;
	[sflag:s22] =	ssyncset.done $0x0  }
0xa0: {  	[sflag:s22] =	ssyncadd.s32 s3;
	_ =	sdelay $0x1  }
0xa1: {  	s23 =	simm.s32 $0x1B8B  }
0xa2: {  	_ =	swait.ge [sflag:s23], $0x1  }
0xa3: {  	[sflag:s23] =	ssyncset.done $0x0  }
0xa4: {  	s25 =	simm.s32 $0x1B8E;
	s24 =	sld [smem:$0x3FFE];
	[sflag:s23] =	ssyncadd.s32 $0xFFFFFFFF  }
0xa5: {  	s26 =	simm.s32 $execute0_lowered;
	[smem:$0x3FD2] =	sst s25  }
0xa6: {  	s4 =	sshll.u32 s26, $0x1;
	_ =	strace $0x80000055;
	[dreg:$0x1] =	wrdreg $0xFFFFFFFF  }
0xa7: {  	s28 =	simm.s32 $_size_execute0_lowered;
	s2 =	sadd.s32 s2, s4;
	[dreg:$0x0] =	wrdreg $0x0  }
0xa8: {  	s4 =	sshll.u32 s28, $0x1;
	[dreg:$0x2] =	wrdreg s2  }
0xa9: {  	[dreg:$0x3] =	wrdreg s4  }
0xaa: {  	[dreg:$0x4] =	wrdreg $0xC0  }
0xab: {  	_ =	task [dreg:s6], $0x5FFFF  }
0xac: {  	[dreg:$0x1] =	wrdreg $0xFFFFFFFF  }
0xad: {  	[dreg:$0x0] =	wrdreg $0x60  }
0xae: {  	[dreg:$0x2] =	wrdreg s24  }
0xaf: {  	[dreg:$0x3] =	wrdreg $0x41000  }
0xb0: {  	[dreg:$0x4] =	wrdreg $0x9  }
0xb1: {  	_ =	task.clear_ibuf [dreg:s6], $0x5FFFF;
	_ =	strace $0x90000055  }
0xb2: {  	s29 =	simm.s32 $0x9;
	_ =	strace $0x80000057  }
0xb3: {  	_ =	swait.ge [sflag:s29], $0x1  }
0xb4: {  	[sflag:s29] =	ssyncadd.s32 $0xFFFFFFFF  }
0xb5: {  	_ =	strace $0x90000057  }
0xb6: {  	_ =	sfence  }
0xb7: {  	s30 =	sld [smem:$0x0];
	_ =	sdelay $0x2  }
0xb8: {  	s31 =	sshll.u32 s1, $0xD;
	s1 =	sshrl.u32 s1, $0x2  }
0xb9: {  	s3 =	sand.u32 $0x4000, s31;
	s1 =	sadd.s32 s1, s30  }
0xba: {  	s0 =	sor.u32 s3, s0;
	s1 =	sshll.u32 s1, $0x11  }
0xbb: {  	s0 =	sor.u32 s1, s0  }
0xbc: {  	s0 =	sadd.s32 $0x8F2B, s0  }
0xbd: {  	[sflag:s0] =	ssyncadd.remote.s32 $0x1  }
0xbe: {  	_ =	sfence.sel $0xFFFF  }
0xbf: {  	[dreg:$0x0] =	wrdreg $0xFFFFFFFF;
	(pc) =	sbr.abs _section_cstart, $3  }
0xc0: {  	[dreg:$0x1] =	wrdreg $0xFFFFFFFF  }
0xc1: {  	_ =	task.clear_ibuf [dreg:s6], $0x2FFFF;
	_ =	strace $0x9FFFFFFF  }
0xc2: {  	(tm) =	ssettm $0x7FFFFFFF  }
0xc3: {  	_ =	shalt  }
tec
execute0_lowered:
.L_overlay_start_1:
0x0: {  	(tag) =	ssettag $0x1  }
0x1: {  	s1 =	srdreg.scid  }
0x2: {  	s0 =	stileid.u32;
	s5 =	rddreg [dreg:$0x0]  }
0x3: {  	s2 =	rddreg [dreg:$0x1];
	s3 =	simm.s32 $0x0;
	s13 =	simm.s32 $0x80  }
0x4: {  	s14 =	simm.s32 $0x100;
	s15 =	simm.s32 $0x2100;
	s16 =	simm.s32 $0x1  }
0x5: {  	s4 =	sand.u32 $0x1, s1;
	s6 =	smul.u32 $0x2800, s0;
	s1 =	rddreg [dreg:$0x2]  }
0x6: {  	s17 =	simm.s32 $0x0;
	[smem:$0x7FF] =	sst s3;
	s29 =	smul.u32 $0xA000, s0  }
0x7: {  	s8 =	smul.u32 $0x14000, s0;
	s12 =	sadd.s32 $0x96000, s2;
	p0 =	seq.s32 s0, $0xF  }
0x8: {  	s7 =	smul.u32 $0x1400, s4;
	_ =	strace $0x80000056;
	s10 =	ssub.s32 $0x2, s4  }
0x9: {  	s31 =	smul.u32 $0xA000, s4;
	s30 =	sshrl.u32 s29, $0x3;
	s11 =	sshrl.u32 s10, $0x1  }
0xa: {  	s8 =	sadd.s32 s8, s5;
	s6 =	sadd.s32 s7, s6;
	s10 =	ssub.s32 s10, s11  }
0xb: {  	s11 =	sadd.s32 s29, s2;
	s7 =	sadd.s32 s31, s8;
	s6 =	sshrl.u32 s6, $0x3  }
0xc: {  	s7 =	sadd.s32 $0x30600, s7;
	s9 =	sadd.s32 s6, s5;
	s6 =	sadd.s32 s30, s5  }
0xd: {  	s11 =	sshrl.u32 @!p0 s11, $0x3;
	s5 =	sadd.s32 $0x2F800, s5;
	s4 =	sadd.s32 $0x1CC00, s6  }
0xe: {  	s6 =	smax.u32 s10, $0x1;
	s8 =	sadd.s32 $0x17C00, s9;
	s10 =	sshll.u32 @!p0 s0, $0x6  }
0xf: {  	s9 =	sshrl.u32 @p0 s12, $0x3;
	s12 =	simm.s32 $0x2;
	s10 =	sor.u32 @!p0 $0x1C02, s10  }
.LBB2_1:
0x10: {  	s18 =	simm.s32 @p0 $0x1FC2  }
0x11: {  	[spmem:s9], [sflag:s18] =	dma.local @p0 [hbm:s5], $0xC80  }
0x12: {  	s18 =	simm.s32 @p0 $0x2  }
0x13: {  	_ =	swait.ge @p0 [sflag:s18], $0xC80  }
0x14: {  	[sflag:s18] =	ssyncset.done @p0 $0x0  }
0x15: {  	[sflag:s18] =	ssyncadd.s32 @p0 $0xFFFFF380;
	s18 =	simm.s32 @!p0 $0x2  }
0x16: {  	[spmem:s11], [sflag:s10] =	dma.local @!p0 [hbm:s4], $0x1400  }
0x17: {  	_ =	swait.ge @!p0 [sflag:s18], $0x1400  }
0x18: {  	[sflag:s18] =	ssyncset.done @!p0 $0x0  }
0x19: {  	[sflag:s18] =	ssyncadd.s32 @!p0 $0xFFFFEC00  }
0x1a: {  	s31 =	sadd.s32 $0x0, s8;
	[bflag:$0x0] =	sbarrier.arrive $0xFFFF  }
0x1b: {  	[tilespmem:s3], [sflag:$0x2] =	stream.linear.gather [hbm4b:s31+s3], $0x100, $0x38;
	[tilespmem:$0xDD40] =	vst v63  }
0x1c: {  	_ =	swait.ge [sflag:s12], $0x100  }
0x1d: {  	[sflag:s12] =	ssyncset.done $0x0  }
0x1e: {  	[sflag:s12] =	ssyncadd.s32 $0xFFFFFF00  }
0x1f: {  	[tilespmem:s14], [sflag:$0x1] =	stream.indirect.gather [spmem:s2], $0x40, s3, s13, $0xb8;
	[tilespmem:$0xDD40] =	vst v63  }
0x20: {  	_ = 	snop  }
0x21: {  	[tilespmem:s15], [sflag:$0x1] =	stream.indirect.gather [spmem:s2], $0x40, s13, s13, $0xb8;
	[tilespmem:$0xDD40] =	vst v63  }
0x22: {  	_ =	swait.ge [sflag:s16], $0x2000  }
0x23: {  	[sflag:s16] =	ssyncset.done $0x0  }
0x24: {  	[sflag:s16] =	ssyncadd.s32 $0xFFFFE000  }
0x25: {  	_ =	swait.ge [sflag:s16], $0x2000  }
0x26: {  	[sflag:s16] =	ssyncset.done $0x0  }
0x27: {  	[sflag:s16] =	ssyncadd.s32 $0xFFFFE000  }
0x28: {  	[hbm4b:s7+s3] =	stream.linear.scatter [tilespmem:s14], [sflag:$0x2], $0x4000, $0x38;
	[tilespmem:$0xDD40] =	vst v63  }
0x29: {  	s19 =	simm.s32 $0x20;
	_ =	swait.ge [sflag:s12], $0x4000  }
0x2a: {  	s20 =	simm.s32 $0x40;
	s18 =	sadd.s32 $0x800, s7;
	[sflag:s12] =	ssyncset.done $0x0  }
.LBB2_2:
0x2b: {  	s21 =	sadd.s32 s19, s8  }
0x2c: {  	[sflag:s12] =	ssyncadd.s32 $0xFFFFC000;
	s19 =	smov.u32 s20;
	s22 =	sadd.s32 $0x20, s20  }
0x2d: {  	[tilespmem:s3], [sflag:$0x2] =	stream.linear.gather [hbm4b:s21+s3], $0x100, $0x38;
	[tilespmem:$0xDD40] =	vst v63  }
0x2e: {  	p1 =	sne.s32 s20, $0x260;
	_ =	swait.ge [sflag:s12], $0x100  }
0x2f: {  	[sflag:s12] =	ssyncset.done $0x0  }
0x30: {  	[sflag:s12] =	ssyncadd.s32 $0xFFFFFF00  }
0x31: {  	[tilespmem:s14], [sflag:$0x1] =	stream.indirect.gather [spmem:s2], $0x40, s3, s13, $0xb8;
	[tilespmem:$0xDD40] =	vst v63  }
0x32: {  	_ = 	snop  }
0x33: {  	[tilespmem:s15], [sflag:$0x1] =	stream.indirect.gather [spmem:s2], $0x40, s13, s13, $0xb8;
	[tilespmem:$0xDD40] =	vst v63  }
0x34: {  	_ =	swait.ge [sflag:s16], $0x2000  }
0x35: {  	[sflag:s16] =	ssyncset.done $0x0  }
0x36: {  	[sflag:s16] =	ssyncadd.s32 $0xFFFFE000  }
0x37: {  	_ =	swait.ge [sflag:s16], $0x2000  }
.Ltmp0:
0x38: {  	[sflag:s16] =	ssyncset.done $0x0;
	(pc) =	sbr.rel @p1 .LBB2_2-.Ltmp0, $4  }
0x39: {  	[sflag:s16] =	ssyncadd.s32 $0xFFFFE000  }
0x3a: {  	[hbm4b:s18+s3] =	stream.linear.scatter [tilespmem:s14], [sflag:$0x2], $0x4000, $0x38;
	[tilespmem:$0xDD40] =	vst v63  }
0x3b: {  	_ =	swait.ge [sflag:s12], $0x4000  }
0x3c: {  	s20 =	smov.u32 s22;
	s18 =	sadd.s32 $0x800, s18;
	[sflag:s12] =	ssyncset.done $0x0  }
0x3d: {  	s19 =	sadd.s32 s19, s8;
	[sflag:s12] =	ssyncadd.s32 $0xFFFFC000  }
0x3e: {  	[tilespmem:s3], [sflag:$0x2] =	stream.linear.gather [hbm4b:s19+s3], $0x100, $0x38;
	[tilespmem:$0xDD40] =	vst v63  }
0x3f: {  	_ =	swait.ge [sflag:s12], $0x100  }
0x40: {  	[sflag:s12] =	ssyncset.done $0x0  }
0x41: {  	[sflag:s12] =	ssyncadd.s32 $0xFFFFFF00  }
0x42: {  	[tilespmem:s14], [sflag:$0x1] =	stream.indirect.gather [spmem:s2], $0x40, s3, s13, $0xb8;
	[tilespmem:$0xDD40] =	vst v63  }
0x43: {  	_ = 	snop  }
0x44: {  	[tilespmem:s15], [sflag:$0x1] =	stream.indirect.gather [spmem:s2], $0x40, s13, s13, $0xb8;
	[tilespmem:$0xDD40] =	vst v63  }
0x45: {  	_ =	swait.ge [sflag:s16], $0x2000  }
0x46: {  	[sflag:s16] =	ssyncset.done $0x0  }
0x47: {  	[sflag:s16] =	ssyncadd.s32 $0xFFFFE000  }
0x48: {  	s17 =	sadd.s32 $0x1, s17;
	_ =	swait.ge [sflag:s16], $0x2000  }
0x49: {  	p1 =	sne.s32 s17, s6;
	[sflag:s16] =	ssyncset.done $0x0  }
.Ltmp1:
0x4a: {  	[sflag:s16] =	ssyncadd.s32 $0xFFFFE000;
	(pc) =	sbr.rel @p1 .LBB2_1-.Ltmp1, $4  }
0x4b: {  	[hbm4b:s18+s3] =	stream.linear.scatter [tilespmem:s14], [sflag:$0x2], $0x4000, $0x38;
	[tilespmem:$0xDD40] =	vst v63  }
0x4c: {  	_ =	swait.ge [sflag:s12], $0x4000  }
0x4d: {  	[sflag:s12] =	ssyncset.done $0x0  }
0x4e: {  	[sflag:s12] =	ssyncadd.s32 $0xFFFFC000  }
0x4f: {  	_ =	sfence.sel $0x180000  }
0x50: {  	[bflag:$0x0] =	sbarrier.arrive $0xFFFF  }
0x51: {  	p0 =	sne.s32 s0, $0x0;
	_ =	strace $0x90000056  }
0x52: {  	s0 =	sadd.s32 @!p0 $0x100000, s1;
	[bflag:$0x2] =	sbarrier.arrive $0xFFFF  }
0x53: {  	[sflag:s0] =	ssyncadd.tile.s32 @!p0 $0x1;
	_ =	shalt  }
.Lfunc_end2:
_tile_overlayer_lowered:
.L_overlay_start_2:
0x54: {  	(tag) =	ssettag $0x2  }
0x55: {  	s0 =	rddreg [dreg:$0x0];
	s2 =	stileid.u32  }
0x56: {  	s1 =	rddreg [dreg:$0x1];
	p0 =	sne.s32 s2, $0x0  }
0x57: {  	s3 =	rddreg [dreg:$0x2];
	[bflag:$0x3] =	sbarrier.arrive $0xFFFF;
	s2 =	simm.s32 @!p0 $0x1C02  }
0x58: {  	[timem:s3], [sflag:s2] =	dma.local @!p0 [hbm:s0], s1  }
0x59: {  	s0 =	simm.s32 @!p0 $0x2  }
0x5a: {  	_ =	swait.ge @!p0 [sflag:s0], s1  }
0x5b: {  	s1 =	ssub.s32 @!p0 $0x0, s1;
	[sflag:s0] =	ssyncset.done @!p0 $0x0  }
0x5c: {  	[sflag:s0] =	ssyncadd.s32 @!p0 s1  }
0x5d: {  	[bflag:$0x3] =	sbarrier.arrive $0xFFFF  }
0x5e: {  	_ =	shalt  }

// kernel: kernel.24.cloned.1.call-start
scs
__scs_entry_jumppad:
0x0: {  	(pc) =	sbr.rel $0x88, $3  }
0x1: {  	(tag) =	ssettag $0x0;
	lr =	simm.s32 $0x1  }
0x2: {  	[smem:$0x3F95] =	sst lr;
	_ =	strace $0xD0000000  }
0x3: {  	_ = 	snop  }
0x4: {  	_ = 	snop  }
0x5: {  	_ = 	snop  }
0x6: {  	_ = 	snop  }
0x7: {  	_ = 	snop  }
__scs_overlays_trampoline_lowered:
0x8: {  	[smem:$0x3FA4] =	sst s0  }
0x9: {  	[smem:$0x3FA5] =	sst s1  }
0xa: {  	[smem:$0x3FA6] =	sst s2  }
0xb: {  	[smem:$0x3FA7] =	sst s3  }
0xc: {  	[smem:$0x3FA8] =	sst s4  }
0xd: {  	[smem:$0x3FA9] =	sst s5  }
0xe: {  	[smem:$0x3FAA] =	sst s6  }
0xf: {  	[smem:$0x3FAB] =	sst s7  }
0x10: {  	[smem:$0x3FAC] =	sst s8  }
0x11: {  	[smem:$0x3FAD] =	sst s9;
	s0 =	simm.s32 @!p0 $0x0  }
0x12: {  	s1 =	sld [smem:$0x3F93];
	s0 =	simm.s32 @p0 $0x1  }
0x13: {  	[smem:$0x3FAE] =	sst s0;
	s0 =	simm.s32 @!p1 $0x0  }
0x14: {  	s2 =	sld [smem:$0x3F92];
	s0 =	simm.s32 @p1 $0x1  }
0x15: {  	[smem:$0x3FAF] =	sst s0;
	s0 =	simm.s32 @!p2 $0x0  }
0x16: {  	s3 =	sld [smem:$0x3FDB];
	s0 =	simm.s32 @p2 $0x1  }
0x17: {  	s4 =	simm.s32 $0x1BF5;
	[smem:$0x3FB1] =	sst s0  }
0x18: {  	s0 =	sld [smem:$0x3F94];
	_ =	swait.ge [sflag:s4], $0x0  }
0x19: {  	s7 =	sld [smem:$0x3F95]  }
0x1a: {  	s8 =	sadd.s32 $0xFFFFE003, lr  }
0x1b: {  	s9 =	sadd.s32 $0xFFFFFEF7, lr;
	s5 =	simm.s32 $0xFFFFFFFF;
	p2 =	slt.u32 s8, $0xFFFFF086  }
0x1c: {  	p1 =	slt.u32 s9, $0xF7A;
	s5 =	simm.s32 @!p2 $0x0  }
0x1d: {  	s5 =	simm.s32 @p1 $0x1;
	p0 =	seq.s32 s7, s2  }
0x1e: {  	s7 =	smul.u32 @!p0 $0xF7A, s2;
	p2 =	seq.s32 @!p0 s5, $0x0  }
0x1f: {  	s9 =	smul.u32 $0xF7A, s1;
	s8 =	simm.s32 @!p0 $0x1BF5;
	p2 =	por !p2, p0  }
0x20: {  	[sflag:s8] =	ssyncset.s32 @!p0 $0xFFFFF086;
	s6 =	sadd.s32 @!p0 s3, s7;
	s7 =	simm.s32 @!p0 $0x108  }
0x21: {  	s3 =	sadd.s32 s3, s9;
	s6 =	sadd.s32 @!p0 $0x88, s6;
	s7 =	simm.s32 @p2 $0x1082  }
0x22: {  	[simem:s7], [sflag:s8] =	dma.local @!p0 [hbm:s6], $0xF7A  }
0x23: {  	s9 =	sor.u32 $0xD0000000, s2;
	s6 =	simm.s32 $0x108;
	_ =	swait.ge @!p0 [sflag:s8], $0x0  }
0x24: {  	s3 =	sadd.s32 $0x88, s3;
	s6 =	simm.s32 @!p1 $0x1082;
	[sflag:s4] =	ssyncset.s32 $0xFFFFF086  }
0x25: {  	[simem:s6], [sflag:s4] =	dma.local [hbm:s3], $0xF7A  }
0x26: {  	[smem:$0x3F95] =	sst s1;
	(tag) =	ssettag s2;
	_ =	strace s9  }
0x27: {  	s1 =	sld [smem:$0x3FA5]  }
0x28: {  	s2 =	sld [smem:$0x3FA6]  }
0x29: {  	s4 =	sld [smem:$0x3FA8]  }
0x2a: {  	p0 =	seq.s32 s5, $0x0;
	s5 =	sld [smem:$0x3FA9]  }
0x2b: {  	s6 =	sld [smem:$0x3FAA]  }
0x2c: {  	s7 =	sld [smem:$0x3FAB]  }
0x2d: {  	s3 =	simm.s32 $0x108;
	s8 =	sld [smem:$0x3FAC]  }
0x2e: {  	s3 =	simm.s32 @!p0 $0x1082;
	s9 =	sld [smem:$0x3FAD]  }
0x2f: {  	lr =	sadd.s32 s0, s3;
	s0 =	sld [smem:$0x3FA4]  }
0x30: {  	s3 =	sld [smem:$0x3FA7]  }
0x31: {  	[smem:$0x3FB0] =	sst s10  }
0x32: {  	s10 =	sld [smem:$0x3FAE];
	_ =	sdelay $0x3  }
0x33: {  	p0 =	seq.s32 s10, $0x1;
	s10 =	sld [smem:$0x3FB0];
	_ =	sdelay $0x3  }
0x34: {  	[smem:$0x3FB0] =	sst s10  }
0x35: {  	s10 =	sld [smem:$0x3FAF];
	_ =	sdelay $0x3  }
0x36: {  	p1 =	seq.s32 s10, $0x1;
	s10 =	sld [smem:$0x3FB0];
	_ =	sdelay $0x3  }
0x37: {  	[smem:$0x3FB0] =	sst s10  }
0x38: {  	s10 =	sld [smem:$0x3FB1]  }
0x39: {  	_ = 	snop;
	(pc) =	sbr.ind lr, $3  }
0x3a: {  	_ = 	snop  }
0x3b: {  	_ = 	snop  }
0x3c: {  	p2 =	seq.s32 s10, $0x1;
	s10 =	sld [smem:$0x3FB0]  }
0x3d: {  	_ =	shalt  }
0x3e: {  	_ =	shalt  }
0x3f: {  	_ =	shalt  }
0x40: {  	_ =	shalt  }
0x41: {  	_ =	shalt  }
0x42: {  	_ =	shalt  }
0x43: {  	_ =	shalt  }
0x44: {  	_ =	shalt  }
0x45: {  	_ =	shalt  }
0x46: {  	_ =	shalt  }
0x47: {  	_ =	shalt  }
0x48: {  	_ =	shalt  }
0x49: {  	_ =	shalt  }
0x4a: {  	_ =	shalt  }
0x4b: {  	_ =	shalt  }
0x4c: {  	_ =	shalt  }
0x4d: {  	_ =	shalt  }
0x4e: {  	_ =	shalt  }
0x4f: {  	_ =	shalt  }
0x50: {  	_ =	shalt  }
0x51: {  	_ =	shalt  }
0x52: {  	_ =	shalt  }
0x53: {  	_ =	shalt  }
0x54: {  	_ =	shalt  }
0x55: {  	_ =	shalt  }
0x56: {  	_ =	shalt  }
0x57: {  	_ =	shalt  }
0x58: {  	_ =	shalt  }
0x59: {  	_ =	shalt  }
0x5a: {  	_ =	shalt  }
0x5b: {  	_ =	shalt  }
0x5c: {  	_ =	shalt  }
0x5d: {  	_ =	shalt  }
0x5e: {  	_ =	shalt  }
0x5f: {  	_ =	shalt  }
0x60: {  	_ =	shalt  }
0x61: {  	_ =	shalt  }
0x62: {  	_ =	shalt  }
0x63: {  	_ =	shalt  }
0x64: {  	_ =	shalt  }
0x65: {  	_ =	shalt  }
0x66: {  	_ =	shalt  }
0x67: {  	_ =	shalt  }
0x68: {  	_ =	shalt  }
0x69: {  	_ =	shalt  }
0x6a: {  	_ =	shalt  }
0x6b: {  	_ =	shalt  }
0x6c: {  	_ =	shalt  }
0x6d: {  	_ =	shalt  }
0x6e: {  	_ =	shalt  }
0x6f: {  	_ =	shalt  }
0x70: {  	_ =	shalt  }
0x71: {  	_ =	shalt  }
0x72: {  	_ =	shalt  }
0x73: {  	_ =	shalt  }
0x74: {  	_ =	shalt  }
0x75: {  	_ =	shalt  }
0x76: {  	_ =	shalt  }
0x77: {  	_ =	shalt  }
0x78: {  	_ =	shalt  }
0x79: {  	_ =	shalt  }
0x7a: {  	_ =	shalt  }
0x7b: {  	_ =	shalt  }
0x7c: {  	_ =	shalt  }
0x7d: {  	_ =	shalt  }
0x7e: {  	_ =	shalt  }
0x7f: {  	_ =	shalt  }
0x80: {  	_ =	shalt  }
0x81: {  	_ =	shalt  }
0x82: {  	_ =	shalt  }
0x83: {  	_ =	shalt  }
0x84: {  	_ =	shalt  }
0x85: {  	_ =	shalt  }
0x86: {  	_ =	shalt  }
0x87: {  	_ =	shalt  }
.Lfunc_end0:
.L_simem_size_0:
called_computation.8_lowered:
.L_overlay_start_0:
0x88: {  	s2 =	sld [smem:$0x3FD9]  }
0x89: {  	s3 =	sld [smem:$0x3FFE];
	_ =	sdelay $0x1  }
0x8a: {  	s1 =	srdreg.scid  }
0x8b: {  	s0 =	sand.u32 $0x1, s1  }
0x8c: {  	s16 =	sshll.u32 s0, $0xA;
	s2 =	sadd.s32 s3, s2  }
0x8d: {  	s2 =	sadd.s32 s2, s16  }
0x8e: {  	[smem:$0x3FBC] =	sst s2  }
0x8f: {  	_ = 	snop  }
0x90: {  	(tm) =	ssettm $0x1  }
0x91: {  	s17 =	sld [smem:$0x3FFB];
	_ =	sdelay $0x3  }
0x92: {  	_ =	strace s17  }
0x93: {  	s2 =	sld [smem:$0x3FFC];
	_ =	sdelay $0x3  }
0x94: {  	_ =	strace s2  }
0x95: {  	s2 =	sld [smem:$0x3FFD];
	_ =	sdelay $0x3  }
0x96: {  	_ =	strace s2  }
0x97: {  	_ =	strace $0x8FFFFFFF  }
0x98: {  	s18 =	sld [smem:$0x3FDB];
	_ =	sdelay $0x1  }
0x99: {  	s19 =	simm.s32 $_scs_section_size  }
0x9a: {  	s4 =	simm.s32 $_size__tile_overlayer_lowered;
	s5 =	simm.s32 $_tile_overlayer_lowered  }
0x9b: {  	s22 =	simm.s32 $0x1BFF;
	s21 =	sshll.u32 s5, $0x1;
	s2 =	sadd.s32 s19, s18  }
0x9c: {  	s6 =	simm.s32 $0x0;
	s20 =	sshll.u32 s4, $0x1;
	s4 =	sadd.s32 s21, s2  }
0x9d: {  	[timem:s6], [sflag:s22] =	dma.local [hbm:s4], s20  }
0x9e: {  	_ =	swait.ge [sflag:s22], s20  }
0x9f: {  	s3 =	ssub.s32 $0x0, s20;
	[sflag:s22] =	ssyncset.done $0x0  }
0xa0: {  	[sflag:s22] =	ssyncadd.s32 s3;
	_ =	sdelay $0x1  }
0xa1: {  	s23 =	simm.s32 $0x1B8B  }
0xa2: {  	_ =	swait.ge [sflag:s23], $0x1  }
0xa3: {  	[sflag:s23] =	ssyncset.done $0x0  }
0xa4: {  	s25 =	simm.s32 $0x1B8E;
	s24 =	sld [smem:$0x3FFE];
	[sflag:s23] =	ssyncadd.s32 $0xFFFFFFFF  }
0xa5: {  	s26 =	simm.s32 $execute0_lowered;
	[smem:$0x3FD2] =	sst s25  }
0xa6: {  	s4 =	sshll.u32 s26, $0x1;
	_ =	strace $0x8000005E;
	[dreg:$0x1] =	wrdreg $0xFFFFFFFF  }
0xa7: {  	s28 =	simm.s32 $_size_execute0_lowered;
	s2 =	sadd.s32 s2, s4;
	[dreg:$0x0] =	wrdreg $0x0  }
0xa8: {  	s4 =	sshll.u32 s28, $0x1;
	[dreg:$0x2] =	wrdreg s2  }
0xa9: {  	[dreg:$0x3] =	wrdreg s4  }
0xaa: {  	[dreg:$0x4] =	wrdreg $0xC0  }
0xab: {  	_ =	task [dreg:s6], $0x5FFFF  }
0xac: {  	[dreg:$0x1] =	wrdreg $0xFFFFFFFF  }
0xad: {  	[dreg:$0x0] =	wrdreg $0x60  }
0xae: {  	[dreg:$0x2] =	wrdreg s24  }
0xaf: {  	[dreg:$0x3] =	wrdreg $0x81000  }
0xb0: {  	[dreg:$0x4] =	wrdreg $0x9  }
0xb1: {  	_ =	task.clear_ibuf [dreg:s6], $0x5FFFF;
	_ =	strace $0x9000005E  }
0xb2: {  	s29 =	simm.s32 $0x9;
	_ =	strace $0x80000060  }
0xb3: {  	_ =	swait.ge [sflag:s29], $0x1  }
0xb4: {  	[sflag:s29] =	ssyncadd.s32 $0xFFFFFFFF  }
0xb5: {  	_ =	strace $0x90000060  }
0xb6: {  	_ =	sfence  }
0xb7: {  	s30 =	sld [smem:$0x0];
	_ =	sdelay $0x2  }
0xb8: {  	s31 =	sshll.u32 s1, $0xD;
	s1 =	sshrl.u32 s1, $0x2  }
0xb9: {  	s3 =	sand.u32 $0x4000, s31;
	s1 =	sadd.s32 s1, s30  }
0xba: {  	s0 =	sor.u32 s3, s0;
	s1 =	sshll.u32 s1, $0x11  }
0xbb: {  	s0 =	sor.u32 s1, s0  }
0xbc: {  	s0 =	sadd.s32 $0x8F2B, s0  }
0xbd: {  	[sflag:s0] =	ssyncadd.remote.s32 $0x1  }
0xbe: {  	_ =	sfence.sel $0xFFFF  }
0xbf: {  	[dreg:$0x0] =	wrdreg $0xFFFFFFFF;
	(pc) =	sbr.abs _section_cstart, $3  }
0xc0: {  	[dreg:$0x1] =	wrdreg $0xFFFFFFFF  }
0xc1: {  	_ =	task.clear_ibuf [dreg:s6], $0x2FFFF;
	_ =	strace $0x9FFFFFFF  }
0xc2: {  	(tm) =	ssettm $0x7FFFFFFF  }
0xc3: {  	_ =	shalt  }
tec
execute0_lowered:
.L_overlay_start_1:
0x0: {  	(tag) =	ssettag $0x1  }
0x1: {  	s1 =	srdreg.scid;
	s0 =	stileid.u32  }
0x2: {  	s4 =	rddreg [dreg:$0x0];
	s6 =	smul.u32 $0x2800, s0  }
0x3: {  	s2 =	rddreg [dreg:$0x1];
	s8 =	smul.u32 $0x28000, s0  }
0x4: {  	s3 =	simm.s32 $0x0;
	s14 =	simm.s32 $0x4100;
	s25 =	smul.u32 $0x13C00, s0  }
0x5: {  	s15 =	simm.s32 $0x1;
	s5 =	sand.u32 $0x1, s1;
	s12 =	smul.u32 $0x4F000, s0  }
0x6: {  	s16 =	simm.s32 $0x0;
	s1 =	rddreg [dreg:$0x2];
	s7 =	smul.u32 $0x1400, s5  }
0x7: {  	[smem:$0x7FF] =	sst s3;
	s30 =	sshll.u32 s0, $0x6;
	s9 =	smul.u32 $0x13C000, s5  }
0x8: {  	_ =	strace $0x8000005F;
	s28 =	ssub.s32 $0x2, s5;
	s31 =	smul.u32 $0x14000, s5  }
0x9: {  	s5 =	sor.u32 $0x1C02, s30;
	s8 =	sadd.s32 s8, s4;
	s26 =	sshrl.u32 s25, $0x3  }
0xa: {  	s11 =	sshrl.u32 s28, $0x1;
	s29 =	sshrl.u32 s12, $0x2;
	s12 =	simm.s32 $0x100  }
0xb: {  	s6 =	sadd.s32 s7, s6;
	s7 =	sadd.s32 s25, s9;
	s9 =	ssub.s32 s28, s11  }
0xc: {  	s13 =	sadd.s32 s29, s2;
	s8 =	sadd.s32 s31, s8;
	s11 =	simm.s32 $0x2  }
0xd: {  	s6 =	sshrl.u32 s6, $0x3;
	s7 =	sshrl.u32 s7, $0x3;
	s8 =	sadd.s32 $0x9200, s8  }
0xe: {  	s10 =	sadd.s32 s6, s4;
	s6 =	sadd.s32 s26, s4;
	s7 =	sadd.s32 s7, s4  }
0xf: {  	s4 =	sadd.s32 $0x29CC00, s6;
	s6 =	sadd.s32 $0x2C4400, s7;
	s7 =	smax.u32 s9, $0x1  }
0x10: {  	s9 =	sadd.s32 $0x4200, s10;
	s10 =	sshrl.u32 s13, $0x3;
	s13 =	simm.s32 $0x80  }
.LBB2_1:
0x11: {  	[spmem:s10], [sflag:s5] =	dma.local [hbm:s4], $0x2780  }
0x12: {  	_ =	swait.ge [sflag:s11], $0x2780  }
0x13: {  	[sflag:s11] =	ssyncset.done $0x0  }
0x14: {  	[sflag:s11] =	ssyncadd.s32 $0xFFFFD880  }
0x15: {  	s17 =	sadd.s32 $0x0, s9;
	[bflag:$0x0] =	sbarrier.arrive $0xFFFF  }
0x16: {  	[tilespmem:s3], [sflag:$0x2] =	stream.linear.gather [hbm4b:s17+s3], $0x100, $0x38;
	[tilespmem:$0x1BD00] =	vst v63  }
0x17: {  	_ =	swait.ge [sflag:s11], $0x100  }
0x18: {  	[sflag:s11] =	ssyncset.done $0x0  }
0x19: {  	[sflag:s11] =	ssyncadd.s32 $0xFFFFFF00  }
0x1a: {  	[tilespmem:s12], [sflag:$0x2] =	stream.linear.gather [hbm4b:s8+s3], $0x8000, $0x38;
	[tilespmem:$0x1BD00] =	vst v63  }
0x1b: {  	_ =	swait.ge [sflag:s11], $0x8000  }
0x1c: {  	[sflag:s11] =	ssyncset.done $0x0  }
0x1d: {  	[sflag:s11] =	ssyncadd.s32 $0xFFFF8000  }
0x1e: {  	[spmem:s2] =	stream.indirect.scatter.add.f32 [tilespmem:s12], [sflag:$0x1], $0x80, s3, s13, $0xb8;
	[tilespmem:$0x1BD00] =	vst v63  }
0x1f: {  	_ = 	snop  }
0x20: {  	[spmem:s2] =	stream.indirect.scatter.add.f32 [tilespmem:s14], [sflag:$0x1], $0x80, s13, s13, $0xb8;
	[tilespmem:$0x1BD00] =	vst v63  }
0x21: {  	_ =	swait.ge [sflag:s15], $0x4000  }
0x22: {  	[sflag:s15] =	ssyncset.done $0x0  }
0x23: {  	[sflag:s15] =	ssyncadd.s32 $0xFFFFC000  }
0x24: {  	s18 =	simm.s32 $0x20;
	_ =	swait.ge [sflag:s15], $0x4000  }
0x25: {  	s19 =	simm.s32 $0x40;
	s17 =	sadd.s32 $0x1000, s8;
	[sflag:s15] =	ssyncset.done $0x0  }
.LBB2_2:
0x26: {  	s20 =	sadd.s32 s18, s9  }
0x27: {  	[sflag:s15] =	ssyncadd.s32 $0xFFFFC000;
	s18 =	smov.u32 s19;
	s21 =	sadd.s32 $0x20, s19  }
0x28: {  	[tilespmem:s3], [sflag:$0x2] =	stream.linear.gather [hbm4b:s20+s3], $0x100, $0x38;
	[tilespmem:$0x1BD00] =	vst v63  }
0x29: {  	p0 =	sne.s32 s19, $0x260;
	_ =	swait.ge [sflag:s11], $0x100  }
0x2a: {  	[sflag:s11] =	ssyncset.done $0x0  }
0x2b: {  	[sflag:s11] =	ssyncadd.s32 $0xFFFFFF00  }
0x2c: {  	[tilespmem:s12], [sflag:$0x2] =	stream.linear.gather [hbm4b:s17+s3], $0x8000, $0x38;
	[tilespmem:$0x1BD00] =	vst v63  }
0x2d: {  	_ =	swait.ge [sflag:s11], $0x8000  }
0x2e: {  	[sflag:s11] =	ssyncset.done $0x0  }
0x2f: {  	[sflag:s11] =	ssyncadd.s32 $0xFFFF8000  }
0x30: {  	[spmem:s2] =	stream.indirect.scatter.add.f32 [tilespmem:s12], [sflag:$0x1], $0x80, s3, s13, $0xb8;
	[tilespmem:$0x1BD00] =	vst v63  }
0x31: {  	_ = 	snop  }
0x32: {  	[spmem:s2] =	stream.indirect.scatter.add.f32 [tilespmem:s14], [sflag:$0x1], $0x80, s13, s13, $0xb8;
	[tilespmem:$0x1BD00] =	vst v63  }
.Ltmp0:
0x33: {  	_ =	swait.ge [sflag:s15], $0x4000;
	(pc) =	sbr.rel @p0 .LBB2_2-.Ltmp0, $4  }
0x34: {  	[sflag:s15] =	ssyncset.done $0x0  }
0x35: {  	[sflag:s15] =	ssyncadd.s32 $0xFFFFC000  }
0x36: {  	_ =	swait.ge [sflag:s15], $0x4000  }
0x37: {  	s19 =	smov.u32 s21;
	s17 =	sadd.s32 $0x1000, s17;
	[sflag:s15] =	ssyncset.done $0x0  }
0x38: {  	s18 =	sadd.s32 s18, s9;
	[sflag:s15] =	ssyncadd.s32 $0xFFFFC000  }
0x39: {  	[tilespmem:s3], [sflag:$0x2] =	stream.linear.gather [hbm4b:s18+s3], $0x100, $0x38;
	[tilespmem:$0x1BD00] =	vst v63  }
0x3a: {  	_ =	swait.ge [sflag:s11], $0x100  }
0x3b: {  	[sflag:s11] =	ssyncset.done $0x0  }
0x3c: {  	[sflag:s11] =	ssyncadd.s32 $0xFFFFFF00  }
0x3d: {  	[tilespmem:s12], [sflag:$0x2] =	stream.linear.gather [hbm4b:s17+s3], $0x8000, $0x38;
	[tilespmem:$0x1BD00] =	vst v63  }
0x3e: {  	_ =	swait.ge [sflag:s11], $0x8000  }
0x3f: {  	[sflag:s11] =	ssyncset.done $0x0  }
0x40: {  	[sflag:s11] =	ssyncadd.s32 $0xFFFF8000  }
0x41: {  	[spmem:s2] =	stream.indirect.scatter.add.f32 [tilespmem:s12], [sflag:$0x1], $0x80, s3, s13, $0xb8;
	[tilespmem:$0x1BD00] =	vst v63  }
0x42: {  	_ = 	snop  }
0x43: {  	[spmem:s2] =	stream.indirect.scatter.add.f32 [tilespmem:s14], [sflag:$0x1], $0x80, s13, s13, $0xb8;
	[tilespmem:$0x1BD00] =	vst v63  }
0x44: {  	_ =	swait.ge [sflag:s15], $0x4000  }
0x45: {  	[sflag:s15] =	ssyncset.done $0x0  }
0x46: {  	[sflag:s15] =	ssyncadd.s32 $0xFFFFC000  }
0x47: {  	_ =	swait.ge [sflag:s15], $0x4000  }
0x48: {  	s16 =	sadd.s32 $0x1, s16;
	[sflag:s15] =	ssyncset.done $0x0  }
0x49: {  	p0 =	sne.s32 s16, s7;
	[sflag:s15] =	ssyncadd.s32 $0xFFFFC000  }
.Ltmp1:
0x4a: {  	[bflag:$0x0] =	sbarrier.arrive $0xFFFF;
	(pc) =	sbr.rel @p0 .LBB2_1-.Ltmp1, $4  }
0x4b: {  	[hbm:s6], [sflag:s5] =	dma.local [spmem:s10], $0x2780  }
0x4c: {  	_ =	swait.ge [sflag:s11], $0x2780  }
0x4d: {  	[sflag:s11] =	ssyncset.done $0x0  }
0x4e: {  	[sflag:s11] =	ssyncadd.s32 $0xFFFFD880  }
0x4f: {  	_ =	sfence.sel $0x180000  }
0x50: {  	[bflag:$0x0] =	sbarrier.arrive $0xFFFF  }
0x51: {  	p0 =	sne.s32 s0, $0x0;
	_ =	strace $0x9000005F  }
0x52: {  	s0 =	sadd.s32 @!p0 $0x100000, s1;
	[bflag:$0x2] =	sbarrier.arrive $0xFFFF  }
0x53: {  	[sflag:s0] =	ssyncadd.tile.s32 @!p0 $0x1;
	_ =	shalt  }
.Lfunc_end2:
_tile_overlayer_lowered:
.L_overlay_start_2:
0x54: {  	(tag) =	ssettag $0x2  }
0x55: {  	s0 =	rddreg [dreg:$0x0];
	s2 =	stileid.u32  }
0x56: {  	s1 =	rddreg [dreg:$0x1];
	p0 =	sne.s32 s2, $0x0  }
0x57: {  	s3 =	rddreg [dreg:$0x2];
	[bflag:$0x3] =	sbarrier.arrive $0xFFFF;
	s2 =	simm.s32 @!p0 $0x1C02  }
0x58: {  	[timem:s3], [sflag:s2] =	dma.local @!p0 [hbm:s0], s1  }
0x59: {  	s0 =	simm.s32 @!p0 $0x2  }
0x5a: {  	_ =	swait.ge @!p0 [sflag:s0], s1  }
0x5b: {  	s1 =	ssub.s32 @!p0 $0x0, s1;
	[sflag:s0] =	ssyncset.done @!p0 $0x0  }
0x5c: {  	[sflag:s0] =	ssyncadd.s32 @!p0 s1  }
0x5d: {  	[bflag:$0x3] =	sbarrier.arrive $0xFFFF  }
0x5e: {  	_ =	shalt  }

// kernel: sparse-core-data-format-call.1.cloned.1.call-start
scs
called_computation.1_lowered:
.L_overlay_start_0:
0x0: {  	s1 =	sld [smem:$0x3FD9]  }
0x1: {  	s2 =	sld [smem:$0x3FFE];
	_ =	sdelay $0x1  }
0x2: {  	s3 =	srdreg.scid  }
0x3: {  	s0 =	sand.u32 $0x1, s3  }
0x4: {  	s17 =	sshll.u32 s0, $0xA;
	s1 =	sadd.s32 s2, s1  }
0x5: {  	s1 =	sadd.s32 s1, s17  }
0x6: {  	[smem:$0x3FBC] =	sst s1  }
0x7: {  	_ = 	snop  }
0x8: {  	(tm) =	ssettm $0x1  }
0x9: {  	s18 =	sld [smem:$0x3FFB];
	_ =	sdelay $0x3  }
0xa: {  	_ =	strace s18  }
0xb: {  	s1 =	sld [smem:$0x3FFC];
	_ =	sdelay $0x3  }
0xc: {  	_ =	strace s1  }
0xd: {  	s1 =	sld [smem:$0x3FFD];
	_ =	sdelay $0x3  }
0xe: {  	_ =	strace s1  }
0xf: {  	_ =	strace $0x8FFFFFFF  }
0x10: {  	s19 =	sld [smem:$0x3FDB];
	_ =	sdelay $0x1  }
0x11: {  	s20 =	simm.s32 $_scs_section_size  }
0x12: {  	s4 =	simm.s32 $_size__tile_overlayer_lowered;
	s5 =	simm.s32 $_tile_overlayer_lowered  }
0x13: {  	s23 =	simm.s32 $0x1BFF;
	s22 =	sshll.u32 s5, $0x1;
	s1 =	sadd.s32 s20, s19  }
0x14: {  	s6 =	simm.s32 $0x0;
	s21 =	sshll.u32 s4, $0x1;
	s4 =	sadd.s32 s22, s1  }
0x15: {  	[timem:s6], [sflag:s23] =	dma.local [hbm:s4], s21  }
0x16: {  	_ =	swait.ge [sflag:s23], s21  }
0x17: {  	s2 =	ssub.s32 $0x0, s21;
	[sflag:s23] =	ssyncset.done $0x0  }
0x18: {  	[sflag:s23] =	ssyncadd.s32 s2;
	_ =	sdelay $0x1  }
0x19: {  	s24 =	simm.s32 $0x1B8B  }
0x1a: {  	_ =	swait.ge [sflag:s24], $0x1  }
0x1b: {  	[sflag:s24] =	ssyncset.done $0x0  }
0x1c: {  	s26 =	simm.s32 $0x1B8E;
	s25 =	sld [smem:$0x3FFE];
	[sflag:s24] =	ssyncadd.s32 $0xFFFFFFFF  }
0x1d: {  	s27 =	simm.s32 $execute0_lowered;
	[smem:$0x3FD2] =	sst s26  }
0x1e: {  	s4 =	sshll.u32 s27, $0x1;
	_ =	strace $0x80000058;
	[dreg:$0x1] =	wrdreg $0xFFFFFFFF  }
0x1f: {  	s28 =	simm.s32 $_size_execute0_lowered;
	s1 =	sadd.s32 s1, s4;
	[dreg:$0x0] =	wrdreg $0x0  }
0x20: {  	s4 =	sshll.u32 s28, $0x1;
	[dreg:$0x2] =	wrdreg s1  }
0x21: {  	[dreg:$0x3] =	wrdreg s4  }
0x22: {  	[dreg:$0x4] =	wrdreg $0xC0  }
0x23: {  	_ =	task [dreg:s6], $0x5FFFF  }
0x24: {  	[dreg:$0x1] =	wrdreg $0xFFFFFFFF  }
0x25: {  	[dreg:$0x0] =	wrdreg $0x60  }
0x26: {  	[dreg:$0x2] =	wrdreg s25  }
0x27: {  	[dreg:$0x3] =	wrdreg $0x9  }
0x28: {  	_ =	task.clear_ibuf [dreg:s6], $0x4FFFF;
	_ =	strace $0x90000058  }
0x29: {  	s29 =	simm.s32 $0x9;
	_ =	strace $0x8000005A  }
0x2a: {  	_ =	swait.ge [sflag:s29], $0x1  }
0x2b: {  	[sflag:s29] =	ssyncadd.s32 $0xFFFFFFFF  }
0x2c: {  	_ =	strace $0x9000005A  }
0x2d: {  	_ =	sfence  }
0x2e: {  	s30 =	sld [smem:$0x0];
	_ =	sdelay $0x2  }
0x2f: {  	s31 =	sshll.u32 s3, $0xD;
	s3 =	sshrl.u32 s3, $0x2  }
0x30: {  	s2 =	sand.u32 $0x4000, s31;
	s1 =	sadd.s32 s3, s30  }
0x31: {  	s0 =	sor.u32 s2, s0;
	s1 =	sshll.u32 s1, $0x11  }
0x32: {  	s0 =	sor.u32 s1, s0  }
0x33: {  	s0 =	sadd.s32 $0x8F2B, s0  }
0x34: {  	[sflag:s0] =	ssyncadd.remote.s32 $0x1  }
0x35: {  	_ =	sfence.sel $0xFFFF  }
0x36: {  	[dreg:$0x0] =	wrdreg $0xFFFFFFFF;
	(pc) =	sbr.abs _section_cstart, $3  }
0x37: {  	[dreg:$0x1] =	wrdreg $0xFFFFFFFF  }
0x38: {  	_ =	task.clear_ibuf [dreg:s6], $0x2FFFF;
	_ =	strace $0x9FFFFFFF  }
0x39: {  	(tm) =	ssettm $0x7FFFFFFF  }
tec
execute0_lowered:
.L_overlay_start_1:
0x0: {  	(tag) =	ssettag $0x1  }
0x1: {  	s0 =	srdreg.scid  }
0x2: {  	s1 =	sshll.u32 s0, $0x4  }
0x3: {  	s4 =	rddreg [dreg:$0x0];
	s0 =	stileid.u32;
	s1 =	sand.u32 $0x10, s1  }
0x4: {  	s7 =	simm.s32 $0x1;
	s8 =	simm.s32 $0x2;
	s1 =	sor.u32 s0, s1  }
0x5: {  	s11 =	simm.s32 $0x0;
	s10 =	simm.s32 $0x0;
	s2 =	sshll.u32 s1, $0x7  }
0x6: {  	s3 =	sadd.s32 $0x12C00, s4;
	s4 =	sadd.s32 $0x2C4400, s4;
	s6 =	ssub.s32 $0x28000, s2  }
.Ltmp0:
0x7: {  	s1 =	rddreg [dreg:$0x1];
	s5 =	sand.u32 $0xF80, s6;
	(pc) =	sbr.rel .LBB1_1-.Ltmp0, $4  }
0x8: {  	_ =	strace $0x80000059;
	s9 =	smov.u32 s2;
	p0 =	sne.s32 s5, $0x0  }
0x9: {  	s6 =	sshrl.u32 s6, $0xC;
	s5 =	simm.s32 $0x1;
	s7 =	simm.s32 @!p0 $0x0  }
0xa: {  	[sflag:s5] =	ssyncpa.u1 $0x0;
	p0 =	por $0x0, $0x0;
	s6 =	sadd.s32 s7, s6  }
0xb: {  	[sflag:s8] =	ssyncpa.u1 $0x0;
	s8 =	simm.s32 $0x140000;
	s7 =	sadd.s32 $0x1, s6  }
.LBB1_4:
0xc: {  	s14 =	sshll.u32 s11, $0x3  }
0xd: {  	s30 =	sand.u32 $0x7F, s11;
	s15 =	sand.u32 $0xFFFFFC00, s14  }
0xe: {  	s11 =	sor.u32 s30, s15  }
0xf: {  	s15 =	smulhi.u32 $0xCCCCCCCD, s11  }
0x10: {  	s14 =	smulhi.u32 $0xCCCCCCCD, s14  }
0x11: {  	s15 =	sshrl.u32 s15, $0x11  }
0x12: {  	s14 =	sshrl.u32 s14, $0x11;
	s15 =	smul.u32 $0x28000, s15  }
0x13: {  	s14 =	sand.u32 $0x3F, s14  }
0x14: {  	s14 =	smul.u32 $0x5000, s14;
	s11 =	ssub.s32 s11, s15  }
0x15: {  	[tilespmem:s13+$0x810 ss:$0x81] =	vst.msk $0xffff, v2;
	s15 =	sand.u32 $0x7, s11  }
0x16: {  	[tilespmem:s13+$0x1020 ss:$0x81] =	vst.msk $0xffff, v0;
	s14 =	sadd.s32 s4, s14;
	s11 =	sshrl.u32 s11, $0x3;
	s15 =	sshll.u32 s15, $0x12  }
0x17: {  	[tilespmem:s13+$0x0 ss:$0x81] =	vst.msk $0xffff, v1;
	s11 =	sadd.s32 s11, s14;
	s31 =	sor.u32 $0x400, s15  }
0x18: {  	[hbm4b:s11+s31] =	stream.strided.scatter [tilespmem:s12], [sflag:$0x2], $0x2000, s8, s31, $0x20;
	[tilespmem:$0x8080] =	vst v63  }
.LBB1_5:
0x19: {  	s13 =	sadd.s32 $0x1000, s9  }
0x1a: {  	p2 =	sgt.s32 s13, $0x27FFF  }
0x1b: {  	s13 =	smov.u32 @p2 s2;
	p2 =	sne.s32 s10, s7  }
.Ltmp1:
0x1c: {  	p1 =	slt.u32 s10, $0x2;
	(pc) =	sbr.rel @!p2 .LBB1_6-.Ltmp1, $4  }
0x1d: {  	s12 =	simm.s32 @!p1 $0x2  }
0x1e: {  	s14 =	sadd.s32 $0x1, s10;
	_ =	swait.ge @!p1 [sflag:s12], $0x2000  }
0x1f: {  	s11 =	smov.u32 s9;
	p0 =	por !p0, !p0;
	[sflag:s12] =	ssyncset.done @!p1 $0x0  }
0x20: {  	s10 =	smov.u32 s14;
	s9 =	smov.u32 s13;
	[sflag:s12] =	ssyncadd.s32 @!p1 $0xFFFFE000  }
.LBB1_1:
0x21: {  	p1 =	sge.u32 s10, s6  }
0x22: {  	s12 =	sand.u32 @!p1 $0x1FFFFFF, s9  }
0x23: {  	s13 =	smulhi.u32 @!p1 $0xCCCCCD, s12;
	_ =	sdelay $0x1  }
0x24: {  	s13 =	sshrl.u32 @!p1 s13, $0x9  }
0x25: {  	s13 =	smul.u32 @!p1 $0x28000, s13;
	_ =	sdelay $0x1  }
0x26: {  	s31 =	sadd.s32 $0xFFFFFFFF, s10;
	s14 =	sxor.u32 @!p1 $0xFFFFFFFF, s10;
	s12 =	ssub.s32 @!p1 s12, s13  }
0x27: {  	s15 =	simm.s32 @!p1 $0x80;
	s14 =	sshll.u32 @!p1 s14, $0xD;
	s12 =	sshll.u32 @!p1 s12, $0x4  }
0x28: {  	s13 =	sand.u32 @!p1 $0x2000, s14;
	s14 =	simm.s32 @!p1 $0x40;
	s12 =	sadd.s32 @!p1 s3, s12  }
0x29: {  	[tilespmem:s13], [sflag:$0x1] =	stream.strided.gather @!p1 [hbm4b:s12+s14], $0x2000, s15, s14, $0x38;
	[tilespmem:$0x8080] =	vst v63  }
0x2a: {  	p1 =	sge.u32 s31, s6  }
.Ltmp2:
0x2b: {  	_ = 	snop;
	(pc) =	sbr.rel @p1 .LBB1_5-.Ltmp2, $1  }
0x2c: {  	_ =	sdelay $0x3  }
0x2d: {  	s12 =	simm.s32 $0x1  }
0x2e: {  	_ =	swait.ge [sflag:s5], $0x2000;
	s12 =	simm.s32 @!p0 $0x0  }
0x2f: {  	[sflag:s5] =	ssyncset.done $0x0;
	s13 =	sshll.u32 s12, $0xD  }
0x30: {  	[sflag:s5] =	ssyncadd.s32 $0xFFFFE000;
	s16 =	sor.u32 $0x20, s13  }
0x31: {  	s12 =	smul.u32 $0x8100, s12;
	v3 =	vld [tilespmem:s16+$0x10]  }
0x32: {  	s30 =	sand.u32 $0x1, s10;
	v2 =	vld [tilespmem:s16+$0xFFFFFFF0]  }
0x33: {  	s13 =	smul.u32 $0x8100, s30;
	s12 =	sshrl.u32 s12, $0x2;
	v0 =	vld [tilespmem:s16+$0x0]  }
0x34: {  	v1 =	vld [tilespmem:s16+$0xFFFFFFE0];
	s14 =	sor.u32 $0x4000, s12  }
0x35: {  	s31 =	sshrl.u32 s13, $0x2;
	s13 =	sadd.s32 $0x0, s14  }
0x36: {  	s15 =	simm.s32 $0x4;
	s16 =	sadd.s32 $0x40, s16;
	s12 =	sor.u32 $0x4000, s31;
	[tilespmem:s13+$0x1830 ss:$0x81] =	vst.msk $0xffff, v3  }
.LBB1_3:
0x37: {  	v3 =	vld [tilespmem:s16+$0x10];
	p1 =	sne.s32 s15, $0x1FC;
	[tilespmem:s13+$0x810 ss:$0x81] =	vst.msk $0xffff, v2;
	s17 =	smov.u32 s15;
	s15 =	sadd.s32 $0x4, s15  }
.Ltmp3:
0x38: {  	v2 =	vld [tilespmem:s16+$0xFFFFFFF0];
	[tilespmem:s13+$0x1020 ss:$0x81] =	vst.msk $0xffff, v0;
	(pc) =	sbr.rel @p1 .LBB1_3-.Ltmp3, $4  }
0x39: {  	v0 =	vld [tilespmem:s16+$0x0];
	[tilespmem:s13+$0x0 ss:$0x81] =	vst.msk $0xffff, v1  }
0x3a: {  	s13 =	sshra.s32 s17, $0x2;
	v1 =	vld [tilespmem:s16+$0xFFFFFFE0]  }
0x3b: {  	s13 =	sadd.s32 s13, s14  }
0x3c: {  	s16 =	sadd.s32 $0x40, s16;
	[tilespmem:s13+$0x1830 ss:$0x81] =	vst.msk $0xffff, v3  }
.Ltmp4:
0x3d: {  	_ = 	snop;
	(pc) =	sbr.rel .LBB1_4-.Ltmp4, $1  }
0x3e: {  	_ =	sdelay $0x3  }
.LBB1_6:
0x3f: {  	_ =	sfence.sel $0x180000  }
0x40: {  	s2 =	simm.s32 $0x1;
	[bflag:$0x0] =	sbarrier.arrive $0xFFFF  }
0x41: {  	s31 =	simm.s32 $0x2;
	[sflag:s2] =	ssyncpa.u1 $0x1  }
0x42: {  	[sflag:s31] =	ssyncpa.u1 $0x1  }
0x43: {  	p0 =	sne.s32 s0, $0x0;
	_ =	strace $0x90000059  }
0x44: {  	s0 =	sadd.s32 @!p0 $0x100000, s1;
	[bflag:$0x2] =	sbarrier.arrive $0xFFFF  }
0x45: {  	[sflag:s0] =	ssyncadd.tile.s32 @!p0 $0x1;
	_ =	shalt  }
.Lfunc_end1:
_tile_overlayer_lowered:
.L_overlay_start_2:
0x46: {  	(tag) =	ssettag $0x2  }
0x47: {  	s0 =	rddreg [dreg:$0x0];
	s2 =	stileid.u32  }
0x48: {  	s1 =	rddreg [dreg:$0x1];
	p0 =	sne.s32 s2, $0x0  }
0x49: {  	s3 =	rddreg [dreg:$0x2];
	[bflag:$0x3] =	sbarrier.arrive $0xFFFF;
	s2 =	simm.s32 @!p0 $0x1C01  }
0x4a: {  	[timem:s3], [sflag:s2] =	dma.local @!p0 [hbm:s0], s1  }
0x4b: {  	s0 =	simm.s32 @!p0 $0x1  }
0x4c: {  	_ =	swait.ge @!p0 [sflag:s0], s1  }
0x4d: {  	s1 =	ssub.s32 @!p0 $0x0, s1;
	[sflag:s0] =	ssyncset.done @!p0 $0x0  }
0x4e: {  	[sflag:s0] =	ssyncadd.s32 @!p0 s1  }
0x4f: {  	[bflag:$0x3] =	sbarrier.arrive $0xFFFF  }
0x50: {  	_ =	shalt  }

// kernel: sparse-core-data-format-call.2.cloned.1.call-start
scs
called_computation.2_lowered:
.L_overlay_start_0:
0x0: {  	s2 =	sld [smem:$0x3FD9]  }
0x1: {  	s3 =	sld [smem:$0x3FFE];
	_ =	sdelay $0x1  }
0x2: {  	s1 =	srdreg.scid  }
0x3: {  	s0 =	sand.u32 $0x1, s1  }
0x4: {  	s18 =	sshll.u32 s0, $0xA;
	s2 =	sadd.s32 s3, s2  }
0x5: {  	s2 =	sadd.s32 s2, s18  }
0x6: {  	[smem:$0x3FBC] =	sst s2  }
0x7: {  	_ = 	snop  }
0x8: {  	(tm) =	ssettm $0x1  }
0x9: {  	s19 =	sld [smem:$0x3FFB];
	_ =	sdelay $0x3  }
0xa: {  	_ =	strace s19  }
0xb: {  	s2 =	sld [smem:$0x3FFC];
	_ =	sdelay $0x3  }
0xc: {  	_ =	strace s2  }
0xd: {  	s2 =	sld [smem:$0x3FFD];
	_ =	sdelay $0x3  }
0xe: {  	_ =	strace s2  }
0xf: {  	_ =	strace $0x8FFFFFFF  }
0x10: {  	s20 =	sld [smem:$0x3FDB];
	_ =	sdelay $0x1  }
0x11: {  	s21 =	simm.s32 $_scs_section_size  }
0x12: {  	s4 =	simm.s32 $_size__tile_overlayer_lowered;
	s5 =	simm.s32 $_tile_overlayer_lowered  }
0x13: {  	s6 =	simm.s32 $0x1BFF;
	s22 =	sshll.u32 s5, $0x1;
	s3 =	sadd.s32 s21, s20  }
0x14: {  	s23 =	simm.s32 $0x0;
	s4 =	sshll.u32 s4, $0x1;
	s5 =	sadd.s32 s22, s3  }
0x15: {  	[timem:s23], [sflag:s6] =	dma.local [hbm:s5], s4  }
0x16: {  	_ =	swait.ge [sflag:s6], s4  }
0x17: {  	s4 =	ssub.s32 $0x0, s4;
	[sflag:s6] =	ssyncset.done $0x0  }
0x18: {  	[sflag:s6] =	ssyncadd.s32 s4;
	_ =	sdelay $0x1  }
0x19: {  	s24 =	simm.s32 $0x1B8B  }
0x1a: {  	_ =	swait.ge [sflag:s24], $0x1  }
0x1b: {  	[sflag:s24] =	ssyncset.done $0x0  }
0x1c: {  	[sflag:s24] =	ssyncadd.s32 $0xFFFFFFFF  }
0x1d: {  	s4 =	sld [smem:$0x0]  }
0x1e: {  	s5 =	sand.u32 $0xFFFFFFFE, s1  }
0x1f: {  	p0 =	sne.s32 s1, s5  }
0x20: {  	s5 =	sshll.u32 @p0 s5, $0xE  }
0x21: {  	s5 =	sadd.s32 @p0 $0x11B8D, s5;
	s6 =	sshll.u32 @p0 s4, $0x11  }
0x22: {  	s5 =	sor.u32 @p0 s6, s5  }
0x23: {  	[sflag:s5] =	ssyncadd.remote.s32 @p0 $0x1;
	_ =	sdelay $0x1  }
0x24: {  	s5 =	simm.s32 @p0 $0x1B8D  }
0x25: {  	_ =	swait.eq @p0 [sflag:s5], $0x1  }
0x26: {  	[sflag:s5] =	ssyncadd.s32 @p0 $0xFFFFFFFF  }
0x27: {  	s6 =	sshll.u32 @!p0 s1, $0xE  }
0x28: {  	s6 =	sor.u32 @!p0 $0x4000, s6;
	s5 =	simm.s32 @!p0 $0x1B8D  }
0x29: {  	s4 =	sshll.u32 @!p0 s4, $0x11;
	s6 =	sadd.s32 @!p0 $0x11B8D, s6;
	_ =	swait.eq @!p0 [sflag:s5], $0x1  }
0x2a: {  	s4 =	sor.u32 @!p0 s4, s6;
	[sflag:s5] =	ssyncadd.s32 @!p0 $0xFFFFFFFF  }
0x2b: {  	s26 =	simm.s32 $0x1B8E;
	s25 =	sld [smem:$0x3FFE];
	[sflag:s4] =	ssyncadd.remote.s32 @!p0 $0x1  }
0x2c: {  	s27 =	simm.s32 $execute0_lowered;
	[smem:$0x3FD2] =	sst s26  }
0x2d: {  	s5 =	sshll.u32 s27, $0x1;
	_ =	strace $0x8000004F;
	[dreg:$0x1] =	wrdreg $0xFFFFFFFF  }
0x2e: {  	s28 =	simm.s32 $_size_execute0_lowered;
	s3 =	sadd.s32 s3, s5;
	[dreg:$0x0] =	wrdreg $0x0  }
0x2f: {  	s5 =	sshll.u32 s28, $0x1;
	[dreg:$0x2] =	wrdreg s3  }
0x30: {  	[dreg:$0x3] =	wrdreg s5  }
0x31: {  	[dreg:$0x4] =	wrdreg $0xC0  }
0x32: {  	_ =	task [dreg:s23], $0x5FFFF  }
0x33: {  	[dreg:$0x1] =	wrdreg $0xFFFFFFFF  }
0x34: {  	[dreg:$0x0] =	wrdreg $0x60  }
0x35: {  	[dreg:$0x2] =	wrdreg s25  }
0x36: {  	[dreg:$0x3] =	wrdreg $0xA  }
0x37: {  	_ =	task.clear_ibuf [dreg:s23], $0x4FFFF;
	_ =	strace $0x9000004F  }
0x38: {  	s29 =	simm.s32 $0xA;
	_ =	strace $0x80000051  }
0x39: {  	_ =	swait.ge [sflag:s29], $0x1  }
0x3a: {  	[sflag:s29] =	ssyncadd.s32 $0xFFFFFFFF  }
0x3b: {  	_ =	strace $0x90000051  }
0x3c: {  	_ =	sfence  }
0x3d: {  	s30 =	sld [smem:$0x0];
	_ =	sdelay $0x2  }
0x3e: {  	s31 =	sshll.u32 s1, $0xD;
	s1 =	sshrl.u32 s1, $0x2  }
0x3f: {  	s4 =	sand.u32 $0x4000, s31;
	s1 =	sadd.s32 s1, s30  }
0x40: {  	s0 =	sor.u32 s4, s0;
	s1 =	sshll.u32 s1, $0x11  }
0x41: {  	s0 =	sor.u32 s1, s0  }
0x42: {  	s0 =	sadd.s32 $0x8F2B, s0  }
0x43: {  	[sflag:s0] =	ssyncadd.remote.s32 $0x1  }
0x44: {  	_ =	sfence.sel $0xFFFF  }
0x45: {  	[dreg:$0x0] =	wrdreg $0xFFFFFFFF;
	(pc) =	sbr.abs _section_cstart, $3  }
0x46: {  	[dreg:$0x1] =	wrdreg $0xFFFFFFFF  }
0x47: {  	_ =	task.clear_ibuf [dreg:s23], $0x2FFFF;
	_ =	strace $0x9FFFFFFF  }
0x48: {  	(tm) =	ssettm $0x7FFFFFFF  }
0x49: {  	_ =	shalt  }
tec
execute0_lowered:
.L_overlay_start_1:
0x0: {  	(tag) =	ssettag $0x1  }
0x1: {  	s0 =	srdreg.scid  }
0x2: {  	s5 =	rddreg [dreg:$0x0];
	s1 =	sshll.u32 s0, $0x4  }
0x3: {  	s4 =	simm.s32 $0x1;
	s0 =	stileid.u32;
	s1 =	sand.u32 $0x10, s1  }
0x4: {  	s8 =	simm.s32 $0x2;
	s12 =	simm.s32 $0x0;
	s2 =	sor.u32 s0, s1  }
0x5: {  	s11 =	simm.s32 $0x0;
	s9 =	simm.s32 $0x0;
	s2 =	sshll.u32 s2, $0x7  }
0x6: {  	s10 =	simm.s32 $0x0;
	s3 =	sadd.s32 $0x3DCC00, s5;
	s6 =	ssub.s32 $0x28000, s2  }
.Ltmp0:
0x7: {  	s1 =	rddreg [dreg:$0x1];
	s7 =	sand.u32 $0xF80, s6;
	(pc) =	sbr.rel .LBB1_1-.Ltmp0, $4  }
0x8: {  	_ =	strace $0x80000050;
	p0 =	sne.s32 s7, $0x0;
	s7 =	simm.s32 $0x1  }
0x9: {  	[sflag:s4] =	ssyncpa.u1 $0x0;
	s6 =	sshrl.u32 s6, $0xC;
	s7 =	simm.s32 @!p0 $0x0  }
0xa: {  	s5 =	sadd.s32 $0x1CC00, s5;
	[sflag:s8] =	ssyncpa.u1 $0x0;
	s6 =	sadd.s32 s7, s6  }
0xb: {  	s8 =	smov.u32 s2;
	p0 =	por $0x0, $0x0;
	s7 =	sadd.s32 $0x1, s6  }
.LBB1_4:
0xc: {  	s12 =	sshll.u32 s12, $0x7;
	s18 =	sshll.u32 s11, $0x3  }
0xd: {  	v5 =	vld [tilespmem:s16+$0xFFFFFFD0];
	[tilespmem:s15+$0x2040 ss:$0x81] =	vst.msk $0xffff, v4;
	s19 =	sand.u32 $0xFFFFFC00, s12;
	s18 =	sand.u32 $0xFFFFFC00, s18  }
0xe: {  	v58 =	vld [tilespmem:s16+$0xFFFFFFE0];
	[tilespmem:s15+$0x2850 ss:$0x81] =	vst.msk $0xffff, v3;
	s12 =	sand.u32 $0x380, s12;
	s18 =	sadd.s32 s18, s19  }
0xf: {  	s17 =	sshra.s32 s17, $0x2;
	v59 =	vld [tilespmem:s16+$0xFFFFFFF0];
	[tilespmem:s15+$0x3060 ss:$0x81] =	vst.msk $0xffff, v2;
	s12 =	sor.u32 s12, s18  }
0x10: {  	v60 =	vld [tilespmem:s16+$0x0];
	[tilespmem:s15+$0x0 ss:$0x81] =	vst.msk $0xffff, v0;
	s14 =	sadd.s32 s17, s14;
	s12 =	sshrl.u32 s12, $0x7  }
0x11: {  	v61 =	vld [tilespmem:s16+$0x10];
	[tilespmem:s14+$0x3870 ss:$0x81] =	vst.msk $0xffff, v1;
	s28 =	smulhi.u32 $0xCCCCCD, s12  }
0x12: {  	v62 =	vld [tilespmem:s16+$0x20];
	[tilespmem:s14+$0x810 ss:$0x81] =	vst.msk $0xffff, v5  }
0x13: {  	v63 =	vld [tilespmem:s16+$0xFFFFFFC0];
	[tilespmem:s14+$0x1020 ss:$0x81] =	vst.msk $0xffff, v58;
	s15 =	sshrl.u32 s28, $0x9  }
0x14: {  	[tilespmem:s14+$0x1830 ss:$0x81] =	vst.msk $0xffff, v59;
	s15 =	smul.u32 $0x28000, s15  }
0x15: {  	s29 =	sshrl.u32 s11, $0x3;
	[tilespmem:s14+$0x2040 ss:$0x81] =	vst.msk $0xffff, v60  }
0x16: {  	s30 =	sand.u32 $0xF, s29;
	[tilespmem:s14+$0x2850 ss:$0x81] =	vst.msk $0xffff, v61;
	s12 =	ssub.s32 s12, s15  }
0x17: {  	[tilespmem:s14+$0x3060 ss:$0x81] =	vst.msk $0xffff, v62;
	s15 =	sadd.s32 s5, s30;
	s12 =	sshll.u32 s12, $0x4  }
0x18: {  	s31 =	sand.u32 $0x7, s11;
	[tilespmem:s14+$0x0 ss:$0x81] =	vst.msk $0xffff, v63;
	s12 =	sadd.s32 s12, s15  }
0x19: {  	[hbm4b:s12+s31] =	stream.linear.scatter [tilespmem:s13], [sflag:$0x2], $0x4000, $0x20;
	[tilespmem:$0x10100] =	vst v63  }
.LBB1_5:
0x1a: {  	s13 =	sadd.s32 $0x1000, s8  }
0x1b: {  	s11 =	sadd.s32 $0x80, s9;
	s15 =	smov.u32 s9;
	p2 =	sgt.s32 s13, $0x27FFF  }
0x1c: {  	s15 =	smov.u32 @p2 s11  }
0x1d: {  	s13 =	smov.u32 @p2 s2;
	p2 =	sgt.s32 s15, $0x7F  }
0x1e: {  	s15 =	simm.s32 @p2 $0x0;
	p2 =	sne.s32 s10, s7  }
.Ltmp1:
0x1f: {  	p1 =	slt.u32 s10, $0x2;
	(pc) =	sbr.rel @!p2 .LBB1_6-.Ltmp1, $4  }
0x20: {  	s14 =	simm.s32 @!p1 $0x2  }
0x21: {  	s12 =	smov.u32 s8;
	p0 =	por !p0, !p0;
	_ =	swait.ge @!p1 [sflag:s14], $0x4000  }
0x22: {  	s11 =	smov.u32 s9;
	[sflag:s14] =	ssyncset.done @!p1 $0x0;
	s8 =	smov.u32 s13  }
0x23: {  	s10 =	sadd.s32 $0x1, s10;
	[sflag:s14] =	ssyncadd.s32 @!p1 $0xFFFFC000;
	s9 =	smov.u32 s15  }
.LBB1_1:
0x24: {  	p1 =	sge.u32 s10, s6  }
0x25: {  	s13 =	sshrl.u32 @!p1 s9, $0x3  }
0x26: {  	s14 =	sshll.u32 @!p1 s8, $0x3;
	s15 =	sshll.u32 @!p1 s9, $0x7;
	s13 =	smul.u32 @!p1 $0x140000, s13  }
0x27: {  	s16 =	sand.u32 @!p1 $0x7F, s8;
	s14 =	sand.u32 @!p1 $0xFFFFFC00, s14;
	s15 =	sand.u32 @!p1 $0x380, s15  }
0x28: {  	s13 =	sadd.s32 @!p1 s13, s14;
	s14 =	sor.u32 @!p1 s16, s15  }
0x29: {  	s14 =	sor.u32 @!p1 s13, s14  }
0x2a: {  	s15 =	smulhi.u32 @!p1 $0xCCCCCCCD, s14;
	_ =	sdelay $0x1  }
0x2b: {  	s13 =	smulhi.u32 @!p1 $0xCCCCCCCD, s13;
	s15 =	sshrl.u32 @!p1 s15, $0x11  }
0x2c: {  	s15 =	smul.u32 @!p1 $0x28000, s15  }
0x2d: {  	s31 =	sadd.s32 $0xFFFFFFFF, s10;
	s16 =	sxor.u32 @!p1 $0xFFFFFFFF, s10;
	s13 =	sshrl.u32 @!p1 s13, $0x11  }
0x2e: {  	s16 =	sshll.u32 @!p1 s16, $0xE;
	s13 =	sand.u32 @!p1 $0x7F, s13;
	s14 =	ssub.s32 @!p1 s14, s15  }
0x2f: {  	s13 =	smul.u32 @!p1 $0x5000, s13;
	s15 =	sshrl.u32 @!p1 s14, $0x3;
	s14 =	sand.u32 @!p1 $0x7, s14  }
0x30: {  	s16 =	sand.u32 @!p1 $0x4000, s16;
	s15 =	sadd.s32 @!p1 s3, s15;
	s14 =	sshll.u32 @!p1 s14, $0x12  }
0x31: {  	s13 =	sadd.s32 @!p1 s13, s15;
	s14 =	sor.u32 @!p1 $0x400, s14;
	s15 =	simm.s32 @!p1 $0x140000  }
0x32: {  	[tilespmem:s16], [sflag:$0x1] =	stream.strided.gather @!p1 [hbm4b:s13+s14], $0x4000, s15, s14, $0x38;
	[tilespmem:$0x10100] =	vst v63  }
0x33: {  	p1 =	sge.u32 s31, s6  }
.Ltmp2:
0x34: {  	_ = 	snop;
	(pc) =	sbr.rel @p1 .LBB1_5-.Ltmp2, $1  }
0x35: {  	_ =	sdelay $0x3  }
0x36: {  	s13 =	simm.s32 $0x1  }
0x37: {  	_ =	swait.ge [sflag:s4], $0x4000;
	s13 =	simm.s32 @!p0 $0x0  }
0x38: {  	[sflag:s4] =	ssyncset.done $0x0;
	s14 =	sshll.u32 s13, $0xE  }
0x39: {  	[sflag:s4] =	ssyncadd.s32 $0xFFFFC000;
	s16 =	sor.u32 $0x40, s14  }
0x3a: {  	s13 =	smul.u32 $0x10200, s13;
	v0 =	vld [tilespmem:s16+$0x30]  }
0x3b: {  	v1 =	vld [tilespmem:s16+$0xFFFFFFD0]  }
0x3c: {  	s13 =	sshrl.u32 s13, $0x2;
	v5 =	vld [tilespmem:s16+$0xFFFFFFE0]  }
0x3d: {  	v6 =	vld [tilespmem:s16+$0xFFFFFFF0];
	s14 =	sor.u32 $0x8000, s13  }
0x3e: {  	s31 =	sand.u32 $0x1, s10;
	v4 =	vld [tilespmem:s16+$0x0];
	s15 =	sadd.s32 $0x0, s14  }
0x3f: {  	v3 =	vld [tilespmem:s16+$0x10];
	s13 =	smul.u32 $0x10200, s31;
	[tilespmem:s15+$0x3870 ss:$0x81] =	vst.msk $0xffff, v0  }
0x40: {  	v2 =	vld [tilespmem:s16+$0x20];
	[tilespmem:s15+$0x810 ss:$0x81] =	vst.msk $0xffff, v1  }
0x41: {  	s13 =	sshrl.u32 s13, $0x2;
	v0 =	vld [tilespmem:s16+$0xFFFFFFC0];
	[tilespmem:s15+$0x1020 ss:$0x81] =	vst.msk $0xffff, v5;
	s16 =	sadd.s32 $0x80, s16  }
0x42: {  	s17 =	simm.s32 $0x4;
	s18 =	simm.s32 $0x8;
	s13 =	sor.u32 $0x8000, s13;
	[tilespmem:s15+$0x1830 ss:$0x81] =	vst.msk $0xffff, v6;
	v1 =	vld [tilespmem:s16+$0x30]  }
.LBB1_3:
0x43: {  	p1 =	sne.s32 s18, $0x1FC;
	v5 =	vld [tilespmem:s16+$0xFFFFFFD0];
	[tilespmem:s15+$0x2040 ss:$0x81] =	vst.msk $0xffff, v4  }
0x44: {  	v6 =	vld [tilespmem:s16+$0xFFFFFFE0];
	[tilespmem:s15+$0x2850 ss:$0x81] =	vst.msk $0xffff, v3  }
0x45: {  	s19 =	sshra.s32 s17, $0x2;
	s17 =	smov.u32 s18;
	v7 =	vld [tilespmem:s16+$0xFFFFFFF0];
	[tilespmem:s15+$0x3060 ss:$0x81] =	vst.msk $0xffff, v2  }
.Ltmp3:
0x46: {  	v4 =	vld [tilespmem:s16+$0x0];
	[tilespmem:s15+$0x0 ss:$0x81] =	vst.msk $0xffff, v0;
	s15 =	sadd.s32 s19, s14;
	(pc) =	sbr.rel @p1 .LBB1_3-.Ltmp3, $4  }
0x47: {  	v3 =	vld [tilespmem:s16+$0x10];
	[tilespmem:s15+$0x3870 ss:$0x81] =	vst.msk $0xffff, v1  }
0x48: {  	[tilespmem:s15+$0x810 ss:$0x81] =	vst.msk $0xffff, v5;
	v2 =	vld [tilespmem:s16+$0x20]  }
0x49: {  	v0 =	vld [tilespmem:s16+$0xFFFFFFC0];
	[tilespmem:s15+$0x1020 ss:$0x81] =	vst.msk $0xffff, v6;
	s16 =	sadd.s32 $0x80, s16  }
0x4a: {  	s18 =	sadd.s32 $0x4, s18;
	v1 =	vld [tilespmem:s16+$0x30];
	[tilespmem:s15+$0x1830 ss:$0x81] =	vst.msk $0xffff, v7  }
.Ltmp4:
0x4b: {  	_ = 	snop;
	(pc) =	sbr.rel .LBB1_4-.Ltmp4, $1  }
0x4c: {  	_ =	sdelay $0x3  }
.LBB1_6:
0x4d: {  	_ =	sfence.sel $0x180000  }
0x4e: {  	s2 =	simm.s32 $0x1;
	[bflag:$0x0] =	sbarrier.arrive $0xFFFF  }
0x4f: {  	s31 =	simm.s32 $0x2;
	[sflag:s2] =	ssyncpa.u1 $0x1  }
0x50: {  	[sflag:s31] =	ssyncpa.u1 $0x1  }
0x51: {  	p0 =	sne.s32 s0, $0x0;
	_ =	strace $0x90000050  }
0x52: {  	s0 =	sadd.s32 @!p0 $0x100000, s1;
	[bflag:$0x2] =	sbarrier.arrive $0xFFFF  }
0x53: {  	[sflag:s0] =	ssyncadd.tile.s32 @!p0 $0x1;
	_ =	shalt  }
.Lfunc_end1:
_tile_overlayer_lowered:
.L_overlay_start_2:
0x54: {  	(tag) =	ssettag $0x2  }
0x55: {  	s0 =	rddreg [dreg:$0x0];
	s2 =	stileid.u32  }
0x56: {  	s1 =	rddreg [dreg:$0x1];
	p0 =	sne.s32 s2, $0x0  }
0x57: {  	s3 =	rddreg [dreg:$0x2];
	[bflag:$0x3] =	sbarrier.arrive $0xFFFF;
	s2 =	simm.s32 @!p0 $0x1C01  }
0x58: {  	[timem:s3], [sflag:s2] =	dma.local @!p0 [hbm:s0], s1  }
0x59: {  	s0 =	simm.s32 @!p0 $0x1  }
0x5a: {  	_ =	swait.ge @!p0 [sflag:s0], s1  }
0x5b: {  	s1 =	ssub.s32 @!p0 $0x0, s1;
	[sflag:s0] =	ssyncset.done @!p0 $0x0  }
0x5c: {  	[sflag:s0] =	ssyncadd.s32 @!p0 s1  }
0x5d: {  	[bflag:$0x3] =	sbarrier.arrive $0xFFFF  }
0x5e: {  	_ =	shalt  }

// kernel: sparse-core-data-format-call.3.cloned.1.call-start
scs
called_computation.3_lowered:
.L_overlay_start_0:
0x0: {  	s1 =	sld [smem:$0x3FD9]  }
0x1: {  	s2 =	sld [smem:$0x3FFE];
	_ =	sdelay $0x1  }
0x2: {  	s3 =	srdreg.scid  }
0x3: {  	s0 =	sand.u32 $0x1, s3  }
0x4: {  	s17 =	sshll.u32 s0, $0xA;
	s1 =	sadd.s32 s2, s1  }
0x5: {  	s1 =	sadd.s32 s1, s17  }
0x6: {  	[smem:$0x3FBC] =	sst s1  }
0x7: {  	_ = 	snop  }
0x8: {  	(tm) =	ssettm $0x1  }
0x9: {  	s18 =	sld [smem:$0x3FFB];
	_ =	sdelay $0x3  }
0xa: {  	_ =	strace s18  }
0xb: {  	s1 =	sld [smem:$0x3FFC];
	_ =	sdelay $0x3  }
0xc: {  	_ =	strace s1  }
0xd: {  	s1 =	sld [smem:$0x3FFD];
	_ =	sdelay $0x3  }
0xe: {  	_ =	strace s1  }
0xf: {  	_ =	strace $0x8FFFFFFF  }
0x10: {  	s19 =	sld [smem:$0x3FDB];
	_ =	sdelay $0x1  }
0x11: {  	s20 =	simm.s32 $_scs_section_size  }
0x12: {  	s4 =	simm.s32 $_size__tile_overlayer_lowered;
	s5 =	simm.s32 $_tile_overlayer_lowered  }
0x13: {  	s23 =	simm.s32 $0x1BFF;
	s22 =	sshll.u32 s5, $0x1;
	s1 =	sadd.s32 s20, s19  }
0x14: {  	s6 =	simm.s32 $0x0;
	s21 =	sshll.u32 s4, $0x1;
	s4 =	sadd.s32 s22, s1  }
0x15: {  	[timem:s6], [sflag:s23] =	dma.local [hbm:s4], s21  }
0x16: {  	_ =	swait.ge [sflag:s23], s21  }
0x17: {  	s2 =	ssub.s32 $0x0, s21;
	[sflag:s23] =	ssyncset.done $0x0  }
0x18: {  	[sflag:s23] =	ssyncadd.s32 s2;
	_ =	sdelay $0x1  }
0x19: {  	s24 =	simm.s32 $0x1B8B  }
0x1a: {  	_ =	swait.ge [sflag:s24], $0x1  }
0x1b: {  	[sflag:s24] =	ssyncset.done $0x0  }
0x1c: {  	s26 =	simm.s32 $0x1B8E;
	s25 =	sld [smem:$0x3FFE];
	[sflag:s24] =	ssyncadd.s32 $0xFFFFFFFF  }
0x1d: {  	s27 =	simm.s32 $execute0_lowered;
	[smem:$0x3FD2] =	sst s26  }
0x1e: {  	s4 =	sshll.u32 s27, $0x1;
	_ =	strace $0x80000049;
	[dreg:$0x1] =	wrdreg $0xFFFFFFFF  }
0x1f: {  	s28 =	simm.s32 $_size_execute0_lowered;
	s1 =	sadd.s32 s1, s4;
	[dreg:$0x0] =	wrdreg $0x0  }
0x20: {  	s4 =	sshll.u32 s28, $0x1;
	[dreg:$0x2] =	wrdreg s1  }
0x21: {  	[dreg:$0x3] =	wrdreg s4  }
0x22: {  	[dreg:$0x4] =	wrdreg $0xC0  }
0x23: {  	_ =	task [dreg:s6], $0x5FFFF  }
0x24: {  	[dreg:$0x1] =	wrdreg $0xFFFFFFFF  }
0x25: {  	[dreg:$0x0] =	wrdreg $0x60  }
0x26: {  	[dreg:$0x2] =	wrdreg s25  }
0x27: {  	[dreg:$0x3] =	wrdreg $0xA  }
0x28: {  	_ =	task.clear_ibuf [dreg:s6], $0x4FFFF;
	_ =	strace $0x90000049  }
0x29: {  	s29 =	simm.s32 $0xA;
	_ =	strace $0x8000004B  }
0x2a: {  	_ =	swait.ge [sflag:s29], $0x1  }
0x2b: {  	[sflag:s29] =	ssyncadd.s32 $0xFFFFFFFF  }
0x2c: {  	_ =	strace $0x9000004B  }
0x2d: {  	_ =	sfence  }
0x2e: {  	s30 =	sld [smem:$0x0];
	_ =	sdelay $0x2  }
0x2f: {  	s31 =	sshll.u32 s3, $0xD;
	s3 =	sshrl.u32 s3, $0x2  }
0x30: {  	s2 =	sand.u32 $0x4000, s31;
	s1 =	sadd.s32 s3, s30  }
0x31: {  	s0 =	sor.u32 s2, s0;
	s1 =	sshll.u32 s1, $0x11  }
0x32: {  	s0 =	sor.u32 s1, s0  }
0x33: {  	s0 =	sadd.s32 $0x8F2B, s0  }
0x34: {  	[sflag:s0] =	ssyncadd.remote.s32 $0x1  }
0x35: {  	_ =	sfence.sel $0xFFFF  }
0x36: {  	[dreg:$0x0] =	wrdreg $0xFFFFFFFF;
	(pc) =	sbr.abs _section_cstart, $3  }
0x37: {  	[dreg:$0x1] =	wrdreg $0xFFFFFFFF  }
0x38: {  	_ =	task.clear_ibuf [dreg:s6], $0x2FFFF;
	_ =	strace $0x9FFFFFFF  }
0x39: {  	(tm) =	ssettm $0x7FFFFFFF  }
tec
execute0_lowered:
.L_overlay_start_1:
0x0: {  	(tag) =	ssettag $0x1  }
0x1: {  	s0 =	srdreg.scid  }
0x2: {  	s1 =	sshll.u32 s0, $0x4  }
0x3: {  	s4 =	rddreg [dreg:$0x0];
	s0 =	stileid.u32;
	s1 =	sand.u32 $0x10, s1  }
0x4: {  	s7 =	simm.s32 $0x1;
	s8 =	simm.s32 $0x2;
	s2 =	sor.u32 s0, s1  }
0x5: {  	s11 =	simm.s32 $0x0;
	s10 =	simm.s32 $0x0;
	s2 =	sshll.u32 s2, $0x7  }
0x6: {  	s3 =	sadd.s32 $0x3DCC00, s4;
	s4 =	sadd.s32 $0x1CC00, s4;
	s6 =	ssub.s32 $0x28000, s2  }
.Ltmp0:
0x7: {  	s1 =	rddreg [dreg:$0x1];
	s5 =	sand.u32 $0xF80, s6;
	(pc) =	sbr.rel .LBB1_1-.Ltmp0, $4  }
0x8: {  	_ =	strace $0x8000004A;
	s9 =	smov.u32 s2;
	p0 =	sne.s32 s5, $0x0  }
0x9: {  	s6 =	sshrl.u32 s6, $0xC;
	s5 =	simm.s32 $0x1;
	s7 =	simm.s32 @!p0 $0x0  }
0xa: {  	[sflag:s5] =	ssyncpa.u1 $0x0;
	p0 =	por $0x0, $0x0;
	s6 =	sadd.s32 s7, s6  }
0xb: {  	[sflag:s8] =	ssyncpa.u1 $0x0;
	s8 =	simm.s32 $0x140000;
	s7 =	sadd.s32 $0x1, s6  }
.LBB1_4:
0xc: {  	s14 =	sshll.u32 s11, $0x3  }
0xd: {  	s30 =	sand.u32 $0x7F, s11;
	s15 =	sand.u32 $0xFFFFFC00, s14  }
0xe: {  	s11 =	sor.u32 s30, s15  }
0xf: {  	s15 =	smulhi.u32 $0xCCCCCCCD, s11  }
0x10: {  	s14 =	smulhi.u32 $0xCCCCCCCD, s14  }
0x11: {  	s15 =	sshrl.u32 s15, $0x11  }
0x12: {  	s14 =	sshrl.u32 s14, $0x11;
	s15 =	smul.u32 $0x28000, s15  }
0x13: {  	s14 =	sand.u32 $0x3F, s14  }
0x14: {  	s14 =	smul.u32 $0x5000, s14;
	s11 =	ssub.s32 s11, s15  }
0x15: {  	[tilespmem:s13+$0x810 ss:$0x81] =	vst.msk $0xffff, v2;
	s15 =	sand.u32 $0x7, s11  }
0x16: {  	[tilespmem:s13+$0x1020 ss:$0x81] =	vst.msk $0xffff, v0;
	s14 =	sadd.s32 s4, s14;
	s11 =	sshrl.u32 s11, $0x3;
	s15 =	sshll.u32 s15, $0x12  }
0x17: {  	[tilespmem:s13+$0x0 ss:$0x81] =	vst.msk $0xffff, v1;
	s11 =	sadd.s32 s11, s14;
	s31 =	sor.u32 $0x400, s15  }
0x18: {  	[hbm4b:s11+s31] =	stream.strided.scatter [tilespmem:s12], [sflag:$0x2], $0x2000, s8, s31, $0x20;
	[tilespmem:$0x8080] =	vst v63  }
.LBB1_5:
0x19: {  	s13 =	sadd.s32 $0x1000, s9  }
0x1a: {  	p2 =	sgt.s32 s13, $0x27FFF  }
0x1b: {  	s13 =	smov.u32 @p2 s2;
	p2 =	sne.s32 s10, s7  }
.Ltmp1:
0x1c: {  	p1 =	slt.u32 s10, $0x2;
	(pc) =	sbr.rel @!p2 .LBB1_6-.Ltmp1, $4  }
0x1d: {  	s12 =	simm.s32 @!p1 $0x2  }
0x1e: {  	s14 =	sadd.s32 $0x1, s10;
	_ =	swait.ge @!p1 [sflag:s12], $0x2000  }
0x1f: {  	s11 =	smov.u32 s9;
	p0 =	por !p0, !p0;
	[sflag:s12] =	ssyncset.done @!p1 $0x0  }
0x20: {  	s10 =	smov.u32 s14;
	s9 =	smov.u32 s13;
	[sflag:s12] =	ssyncadd.s32 @!p1 $0xFFFFE000  }
.LBB1_1:
0x21: {  	p1 =	sge.u32 s10, s6  }
0x22: {  	s12 =	sand.u32 @!p1 $0x1FFFFFF, s9  }
0x23: {  	s13 =	smulhi.u32 @!p1 $0xCCCCCD, s12;
	_ =	sdelay $0x1  }
0x24: {  	s13 =	sshrl.u32 @!p1 s13, $0x9  }
0x25: {  	s13 =	smul.u32 @!p1 $0x28000, s13;
	_ =	sdelay $0x1  }
0x26: {  	s31 =	sadd.s32 $0xFFFFFFFF, s10;
	s14 =	sxor.u32 @!p1 $0xFFFFFFFF, s10;
	s12 =	ssub.s32 @!p1 s12, s13  }
0x27: {  	s15 =	simm.s32 @!p1 $0x80;
	s14 =	sshll.u32 @!p1 s14, $0xD;
	s12 =	sshll.u32 @!p1 s12, $0x4  }
0x28: {  	s13 =	sand.u32 @!p1 $0x2000, s14;
	s14 =	simm.s32 @!p1 $0x40;
	s12 =	sadd.s32 @!p1 s3, s12  }
0x29: {  	[tilespmem:s13], [sflag:$0x1] =	stream.strided.gather @!p1 [hbm4b:s12+s14], $0x2000, s15, s14, $0x38;
	[tilespmem:$0x8080] =	vst v63  }
0x2a: {  	p1 =	sge.u32 s31, s6  }
.Ltmp2:
0x2b: {  	_ = 	snop;
	(pc) =	sbr.rel @p1 .LBB1_5-.Ltmp2, $1  }
0x2c: {  	_ =	sdelay $0x3  }
0x2d: {  	s12 =	simm.s32 $0x1  }
0x2e: {  	_ =	swait.ge [sflag:s5], $0x2000;
	s12 =	simm.s32 @!p0 $0x0  }
0x2f: {  	[sflag:s5] =	ssyncset.done $0x0;
	s13 =	sshll.u32 s12, $0xD  }
0x30: {  	[sflag:s5] =	ssyncadd.s32 $0xFFFFE000;
	s16 =	sor.u32 $0x20, s13  }
0x31: {  	s12 =	smul.u32 $0x8100, s12;
	v3 =	vld [tilespmem:s16+$0x10]  }
0x32: {  	s30 =	sand.u32 $0x1, s10;
	v2 =	vld [tilespmem:s16+$0xFFFFFFF0]  }
0x33: {  	s13 =	smul.u32 $0x8100, s30;
	s12 =	sshrl.u32 s12, $0x2;
	v0 =	vld [tilespmem:s16+$0x0]  }
0x34: {  	v1 =	vld [tilespmem:s16+$0xFFFFFFE0];
	s14 =	sor.u32 $0x4000, s12  }
0x35: {  	s31 =	sshrl.u32 s13, $0x2;
	s13 =	sadd.s32 $0x0, s14  }
0x36: {  	s15 =	simm.s32 $0x4;
	s16 =	sadd.s32 $0x40, s16;
	s12 =	sor.u32 $0x4000, s31;
	[tilespmem:s13+$0x1830 ss:$0x81] =	vst.msk $0xffff, v3  }
.LBB1_3:
0x37: {  	v3 =	vld [tilespmem:s16+$0x10];
	p1 =	sne.s32 s15, $0x1FC;
	[tilespmem:s13+$0x810 ss:$0x81] =	vst.msk $0xffff, v2;
	s17 =	smov.u32 s15;
	s15 =	sadd.s32 $0x4, s15  }
.Ltmp3:
0x38: {  	v2 =	vld [tilespmem:s16+$0xFFFFFFF0];
	[tilespmem:s13+$0x1020 ss:$0x81] =	vst.msk $0xffff, v0;
	(pc) =	sbr.rel @p1 .LBB1_3-.Ltmp3, $4  }
0x39: {  	v0 =	vld [tilespmem:s16+$0x0];
	[tilespmem:s13+$0x0 ss:$0x81] =	vst.msk $0xffff, v1  }
0x3a: {  	s13 =	sshra.s32 s17, $0x2;
	v1 =	vld [tilespmem:s16+$0xFFFFFFE0]  }
0x3b: {  	s13 =	sadd.s32 s13, s14  }
0x3c: {  	s16 =	sadd.s32 $0x40, s16;
	[tilespmem:s13+$0x1830 ss:$0x81] =	vst.msk $0xffff, v3  }
.Ltmp4:
0x3d: {  	_ = 	snop;
	(pc) =	sbr.rel .LBB1_4-.Ltmp4, $1  }
0x3e: {  	_ =	sdelay $0x3  }
.LBB1_6:
0x3f: {  	_ =	sfence.sel $0x180000  }
0x40: {  	s2 =	simm.s32 $0x1;
	[bflag:$0x0] =	sbarrier.arrive $0xFFFF  }
0x41: {  	s31 =	simm.s32 $0x2;
	[sflag:s2] =	ssyncpa.u1 $0x1  }
0x42: {  	[sflag:s31] =	ssyncpa.u1 $0x1  }
0x43: {  	p0 =	sne.s32 s0, $0x0;
	_ =	strace $0x9000004A  }
0x44: {  	s0 =	sadd.s32 @!p0 $0x100000, s1;
	[bflag:$0x2] =	sbarrier.arrive $0xFFFF  }
0x45: {  	[sflag:s0] =	ssyncadd.tile.s32 @!p0 $0x1;
	_ =	shalt  }
.Lfunc_end1:
_tile_overlayer_lowered:
.L_overlay_start_2:
0x46: {  	(tag) =	ssettag $0x2  }
0x47: {  	s0 =	rddreg [dreg:$0x0];
	s2 =	stileid.u32  }
0x48: {  	s1 =	rddreg [dreg:$0x1];
	p0 =	sne.s32 s2, $0x0  }
0x49: {  	s3 =	rddreg [dreg:$0x2];
	[bflag:$0x3] =	sbarrier.arrive $0xFFFF;
	s2 =	simm.s32 @!p0 $0x1C01  }
0x4a: {  	[timem:s3], [sflag:s2] =	dma.local @!p0 [hbm:s0], s1  }
0x4b: {  	s0 =	simm.s32 @!p0 $0x1  }
0x4c: {  	_ =	swait.ge @!p0 [sflag:s0], s1  }
0x4d: {  	s1 =	ssub.s32 @!p0 $0x0, s1;
	[sflag:s0] =	ssyncset.done @!p0 $0x0  }
0x4e: {  	[sflag:s0] =	ssyncadd.s32 @!p0 s1  }
0x4f: {  	[bflag:$0x3] =	sbarrier.arrive $0xFFFF  }
0x50: {  	_ =	shalt  }

// kernel: sparse-core-data-format-call.cloned.1.call-start
scs
called_computation_lowered:
.L_overlay_start_0:
0x0: {  	s1 =	sld [smem:$0x3FD9]  }
0x1: {  	s2 =	sld [smem:$0x3FFE];
	_ =	sdelay $0x1  }
0x2: {  	s3 =	srdreg.scid  }
0x3: {  	s0 =	sand.u32 $0x1, s3  }
0x4: {  	s17 =	sshll.u32 s0, $0xA;
	s1 =	sadd.s32 s2, s1  }
0x5: {  	s1 =	sadd.s32 s1, s17  }
0x6: {  	[smem:$0x3FBC] =	sst s1  }
0x7: {  	_ = 	snop  }
0x8: {  	(tm) =	ssettm $0x1  }
0x9: {  	s18 =	sld [smem:$0x3FFB];
	_ =	sdelay $0x3  }
0xa: {  	_ =	strace s18  }
0xb: {  	s1 =	sld [smem:$0x3FFC];
	_ =	sdelay $0x3  }
0xc: {  	_ =	strace s1  }
0xd: {  	s1 =	sld [smem:$0x3FFD];
	_ =	sdelay $0x3  }
0xe: {  	_ =	strace s1  }
0xf: {  	_ =	strace $0x8FFFFFFF  }
0x10: {  	s19 =	sld [smem:$0x3FDB];
	_ =	sdelay $0x1  }
0x11: {  	s20 =	simm.s32 $_scs_section_size  }
0x12: {  	s4 =	simm.s32 $_size__tile_overlayer_lowered;
	s5 =	simm.s32 $_tile_overlayer_lowered  }
0x13: {  	s23 =	simm.s32 $0x1BFF;
	s22 =	sshll.u32 s5, $0x1;
	s1 =	sadd.s32 s20, s19  }
0x14: {  	s6 =	simm.s32 $0x0;
	s21 =	sshll.u32 s4, $0x1;
	s4 =	sadd.s32 s22, s1  }
0x15: {  	[timem:s6], [sflag:s23] =	dma.local [hbm:s4], s21  }
0x16: {  	_ =	swait.ge [sflag:s23], s21  }
0x17: {  	s2 =	ssub.s32 $0x0, s21;
	[sflag:s23] =	ssyncset.done $0x0  }
0x18: {  	[sflag:s23] =	ssyncadd.s32 s2;
	_ =	sdelay $0x1  }
0x19: {  	s24 =	simm.s32 $0x1B8B  }
0x1a: {  	_ =	swait.ge [sflag:s24], $0x1  }
0x1b: {  	[sflag:s24] =	ssyncset.done $0x0  }
0x1c: {  	s26 =	simm.s32 $0x1B8E;
	s25 =	sld [smem:$0x3FFE];
	[sflag:s24] =	ssyncadd.s32 $0xFFFFFFFF  }
0x1d: {  	s27 =	simm.s32 $execute0_lowered;
	[smem:$0x3FD2] =	sst s26  }
0x1e: {  	s4 =	sshll.u32 s27, $0x1;
	_ =	strace $0x8000005B;
	[dreg:$0x1] =	wrdreg $0xFFFFFFFF  }
0x1f: {  	s28 =	simm.s32 $_size_execute0_lowered;
	s1 =	sadd.s32 s1, s4;
	[dreg:$0x0] =	wrdreg $0x0  }
0x20: {  	s4 =	sshll.u32 s28, $0x1;
	[dreg:$0x2] =	wrdreg s1  }
0x21: {  	[dreg:$0x3] =	wrdreg s4  }
0x22: {  	[dreg:$0x4] =	wrdreg $0xC0  }
0x23: {  	_ =	task [dreg:s6], $0x5FFFF  }
0x24: {  	[dreg:$0x1] =	wrdreg $0xFFFFFFFF  }
0x25: {  	[dreg:$0x0] =	wrdreg $0x60  }
0x26: {  	[dreg:$0x2] =	wrdreg s25  }
0x27: {  	[dreg:$0x3] =	wrdreg $0x9  }
0x28: {  	_ =	task.clear_ibuf [dreg:s6], $0x4FFFF;
	_ =	strace $0x9000005B  }
0x29: {  	s29 =	simm.s32 $0x9;
	_ =	strace $0x8000005D  }
0x2a: {  	_ =	swait.ge [sflag:s29], $0x1  }
0x2b: {  	[sflag:s29] =	ssyncadd.s32 $0xFFFFFFFF  }
0x2c: {  	_ =	strace $0x9000005D  }
0x2d: {  	_ =	sfence  }
0x2e: {  	s30 =	sld [smem:$0x0];
	_ =	sdelay $0x2  }
0x2f: {  	s31 =	sshll.u32 s3, $0xD;
	s3 =	sshrl.u32 s3, $0x2  }
0x30: {  	s2 =	sand.u32 $0x4000, s31;
	s1 =	sadd.s32 s3, s30  }
0x31: {  	s0 =	sor.u32 s2, s0;
	s1 =	sshll.u32 s1, $0x11  }
0x32: {  	s0 =	sor.u32 s1, s0  }
0x33: {  	s0 =	sadd.s32 $0x8F2B, s0  }
0x34: {  	[sflag:s0] =	ssyncadd.remote.s32 $0x1  }
0x35: {  	_ =	sfence.sel $0xFFFF  }
0x36: {  	[dreg:$0x0] =	wrdreg $0xFFFFFFFF;
	(pc) =	sbr.abs _section_cstart, $3  }
0x37: {  	[dreg:$0x1] =	wrdreg $0xFFFFFFFF  }
0x38: {  	_ =	task.clear_ibuf [dreg:s6], $0x2FFFF;
	_ =	strace $0x9FFFFFFF  }
0x39: {  	(tm) =	ssettm $0x7FFFFFFF  }
tec
execute0_lowered:
.L_overlay_start_1:
0x0: {  	(tag) =	ssettag $0x1  }
0x1: {  	s0 =	srdreg.scid  }
0x2: {  	s5 =	rddreg [dreg:$0x0];
	s1 =	sshll.u32 s0, $0x4  }
0x3: {  	s4 =	simm.s32 $0x1;
	s0 =	stileid.u32;
	s1 =	sand.u32 $0x10, s1  }
0x4: {  	s8 =	simm.s32 $0x2;
	s12 =	simm.s32 $0x0;
	s2 =	sor.u32 s0, s1  }
0x5: {  	s11 =	simm.s32 $0x0;
	s9 =	simm.s32 $0x0;
	s2 =	sshll.u32 s2, $0x7  }
0x6: {  	s10 =	simm.s32 $0x0;
	s3 =	sadd.s32 $0x2C4400, s5;
	s6 =	ssub.s32 $0x28000, s2  }
.Ltmp0:
0x7: {  	s1 =	rddreg [dreg:$0x1];
	s7 =	sand.u32 $0xF80, s6;
	(pc) =	sbr.rel .LBB1_1-.Ltmp0, $4  }
0x8: {  	_ =	strace $0x8000005C;
	p0 =	sne.s32 s7, $0x0;
	s7 =	simm.s32 $0x1  }
0x9: {  	[sflag:s4] =	ssyncpa.u1 $0x0;
	s6 =	sshrl.u32 s6, $0xC;
	s7 =	simm.s32 @!p0 $0x0  }
0xa: {  	s5 =	sadd.s32 $0x12C00, s5;
	[sflag:s8] =	ssyncpa.u1 $0x0;
	s6 =	sadd.s32 s7, s6  }
0xb: {  	s8 =	smov.u32 s2;
	p0 =	por $0x0, $0x0;
	s7 =	sadd.s32 $0x1, s6  }
.LBB1_4:
0xc: {  	s12 =	sshll.u32 s12, $0x7;
	s18 =	sshll.u32 s11, $0x3  }
0xd: {  	v5 =	vld [tilespmem:s16+$0xFFFFFFD0];
	[tilespmem:s15+$0x2040 ss:$0x81] =	vst.msk $0xffff, v4;
	s19 =	sand.u32 $0xFFFFFC00, s12;
	s18 =	sand.u32 $0xFFFFFC00, s18  }
0xe: {  	v58 =	vld [tilespmem:s16+$0xFFFFFFE0];
	[tilespmem:s15+$0x2850 ss:$0x81] =	vst.msk $0xffff, v3;
	s12 =	sand.u32 $0x380, s12;
	s18 =	sadd.s32 s18, s19  }
0xf: {  	s17 =	sshra.s32 s17, $0x2;
	v59 =	vld [tilespmem:s16+$0xFFFFFFF0];
	[tilespmem:s15+$0x3060 ss:$0x81] =	vst.msk $0xffff, v2;
	s12 =	sor.u32 s12, s18  }
0x10: {  	v60 =	vld [tilespmem:s16+$0x0];
	[tilespmem:s15+$0x0 ss:$0x81] =	vst.msk $0xffff, v0;
	s14 =	sadd.s32 s17, s14;
	s12 =	sshrl.u32 s12, $0x7  }
0x11: {  	v61 =	vld [tilespmem:s16+$0x10];
	[tilespmem:s14+$0x3870 ss:$0x81] =	vst.msk $0xffff, v1;
	s28 =	smulhi.u32 $0xCCCCCD, s12  }
0x12: {  	v62 =	vld [tilespmem:s16+$0x20];
	[tilespmem:s14+$0x810 ss:$0x81] =	vst.msk $0xffff, v5  }
0x13: {  	v63 =	vld [tilespmem:s16+$0xFFFFFFC0];
	[tilespmem:s14+$0x1020 ss:$0x81] =	vst.msk $0xffff, v58;
	s15 =	sshrl.u32 s28, $0x9  }
0x14: {  	[tilespmem:s14+$0x1830 ss:$0x81] =	vst.msk $0xffff, v59;
	s15 =	smul.u32 $0x28000, s15  }
0x15: {  	s29 =	sshrl.u32 s11, $0x3;
	[tilespmem:s14+$0x2040 ss:$0x81] =	vst.msk $0xffff, v60  }
0x16: {  	s30 =	sand.u32 $0xF, s29;
	[tilespmem:s14+$0x2850 ss:$0x81] =	vst.msk $0xffff, v61;
	s12 =	ssub.s32 s12, s15  }
0x17: {  	[tilespmem:s14+$0x3060 ss:$0x81] =	vst.msk $0xffff, v62;
	s15 =	sadd.s32 s5, s30;
	s12 =	sshll.u32 s12, $0x4  }
0x18: {  	s31 =	sand.u32 $0x7, s11;
	[tilespmem:s14+$0x0 ss:$0x81] =	vst.msk $0xffff, v63;
	s12 =	sadd.s32 s12, s15  }
0x19: {  	[hbm4b:s12+s31] =	stream.linear.scatter [tilespmem:s13], [sflag:$0x2], $0x4000, $0x20;
	[tilespmem:$0x10100] =	vst v63  }
.LBB1_5:
0x1a: {  	s13 =	sadd.s32 $0x1000, s8  }
0x1b: {  	s11 =	sadd.s32 $0x80, s9;
	s15 =	smov.u32 s9;
	p2 =	sgt.s32 s13, $0x27FFF  }
0x1c: {  	s15 =	smov.u32 @p2 s11  }
0x1d: {  	s13 =	smov.u32 @p2 s2;
	p2 =	sgt.s32 s15, $0x7F  }
0x1e: {  	s15 =	simm.s32 @p2 $0x0;
	p2 =	sne.s32 s10, s7  }
.Ltmp1:
0x1f: {  	p1 =	slt.u32 s10, $0x2;
	(pc) =	sbr.rel @!p2 .LBB1_6-.Ltmp1, $4  }
0x20: {  	s14 =	simm.s32 @!p1 $0x2  }
0x21: {  	s12 =	smov.u32 s8;
	p0 =	por !p0, !p0;
	_ =	swait.ge @!p1 [sflag:s14], $0x4000  }
0x22: {  	s11 =	smov.u32 s9;
	[sflag:s14] =	ssyncset.done @!p1 $0x0;
	s8 =	smov.u32 s13  }
0x23: {  	s10 =	sadd.s32 $0x1, s10;
	[sflag:s14] =	ssyncadd.s32 @!p1 $0xFFFFC000;
	s9 =	smov.u32 s15  }
.LBB1_1:
0x24: {  	p1 =	sge.u32 s10, s6  }
0x25: {  	s13 =	sshrl.u32 @!p1 s9, $0x3  }
0x26: {  	s14 =	sshll.u32 @!p1 s8, $0x3;
	s15 =	sshll.u32 @!p1 s9, $0x7;
	s13 =	smul.u32 @!p1 $0x140000, s13  }
0x27: {  	s16 =	sand.u32 @!p1 $0x7F, s8;
	s14 =	sand.u32 @!p1 $0xFFFFFC00, s14;
	s15 =	sand.u32 @!p1 $0x380, s15  }
0x28: {  	s13 =	sadd.s32 @!p1 s13, s14;
	s14 =	sor.u32 @!p1 s16, s15  }
0x29: {  	s14 =	sor.u32 @!p1 s13, s14  }
0x2a: {  	s15 =	smulhi.u32 @!p1 $0xCCCCCCCD, s14;
	_ =	sdelay $0x1  }
0x2b: {  	s13 =	smulhi.u32 @!p1 $0xCCCCCCCD, s13;
	s15 =	sshrl.u32 @!p1 s15, $0x11  }
0x2c: {  	s15 =	smul.u32 @!p1 $0x28000, s15  }
0x2d: {  	s31 =	sadd.s32 $0xFFFFFFFF, s10;
	s16 =	sxor.u32 @!p1 $0xFFFFFFFF, s10;
	s13 =	sshrl.u32 @!p1 s13, $0x11  }
0x2e: {  	s16 =	sshll.u32 @!p1 s16, $0xE;
	s13 =	sand.u32 @!p1 $0x7F, s13;
	s14 =	ssub.s32 @!p1 s14, s15  }
0x2f: {  	s13 =	smul.u32 @!p1 $0x5000, s13;
	s15 =	sshrl.u32 @!p1 s14, $0x3;
	s14 =	sand.u32 @!p1 $0x7, s14  }
0x30: {  	s16 =	sand.u32 @!p1 $0x4000, s16;
	s15 =	sadd.s32 @!p1 s3, s15;
	s14 =	sshll.u32 @!p1 s14, $0x12  }
0x31: {  	s13 =	sadd.s32 @!p1 s13, s15;
	s14 =	sor.u32 @!p1 $0x400, s14;
	s15 =	simm.s32 @!p1 $0x140000  }
0x32: {  	[tilespmem:s16], [sflag:$0x1] =	stream.strided.gather @!p1 [hbm4b:s13+s14], $0x4000, s15, s14, $0x38;
	[tilespmem:$0x10100] =	vst v63  }
0x33: {  	p1 =	sge.u32 s31, s6  }
.Ltmp2:
0x34: {  	_ = 	snop;
	(pc) =	sbr.rel @p1 .LBB1_5-.Ltmp2, $1  }
0x35: {  	_ =	sdelay $0x3  }
0x36: {  	s13 =	simm.s32 $0x1  }
0x37: {  	_ =	swait.ge [sflag:s4], $0x4000;
	s13 =	simm.s32 @!p0 $0x0  }
0x38: {  	[sflag:s4] =	ssyncset.done $0x0;
	s14 =	sshll.u32 s13, $0xE  }
0x39: {  	[sflag:s4] =	ssyncadd.s32 $0xFFFFC000;
	s16 =	sor.u32 $0x40, s14  }
0x3a: {  	s13 =	smul.u32 $0x10200, s13;
	v0 =	vld [tilespmem:s16+$0x30]  }
0x3b: {  	v1 =	vld [tilespmem:s16+$0xFFFFFFD0]  }
0x3c: {  	s13 =	sshrl.u32 s13, $0x2;
	v5 =	vld [tilespmem:s16+$0xFFFFFFE0]  }
0x3d: {  	v6 =	vld [tilespmem:s16+$0xFFFFFFF0];
	s14 =	sor.u32 $0x8000, s13  }
0x3e: {  	s31 =	sand.u32 $0x1, s10;
	v4 =	vld [tilespmem:s16+$0x0];
	s15 =	sadd.s32 $0x0, s14  }
0x3f: {  	v3 =	vld [tilespmem:s16+$0x10];
	s13 =	smul.u32 $0x10200, s31;
	[tilespmem:s15+$0x3870 ss:$0x81] =	vst.msk $0xffff, v0  }
0x40: {  	v2 =	vld [tilespmem:s16+$0x20];
	[tilespmem:s15+$0x810 ss:$0x81] =	vst.msk $0xffff, v1  }
0x41: {  	s13 =	sshrl.u32 s13, $0x2;
	v0 =	vld [tilespmem:s16+$0xFFFFFFC0];
	[tilespmem:s15+$0x1020 ss:$0x81] =	vst.msk $0xffff, v5;
	s16 =	sadd.s32 $0x80, s16  }
0x42: {  	s17 =	simm.s32 $0x4;
	s18 =	simm.s32 $0x8;
	s13 =	sor.u32 $0x8000, s13;
	[tilespmem:s15+$0x1830 ss:$0x81] =	vst.msk $0xffff, v6;
	v1 =	vld [tilespmem:s16+$0x30]  }
.LBB1_3:
0x43: {  	p1 =	sne.s32 s18, $0x1FC;
	v5 =	vld [tilespmem:s16+$0xFFFFFFD0];
	[tilespmem:s15+$0x2040 ss:$0x81] =	vst.msk $0xffff, v4  }
0x44: {  	v6 =	vld [tilespmem:s16+$0xFFFFFFE0];
	[tilespmem:s15+$0x2850 ss:$0x81] =	vst.msk $0xffff, v3  }
0x45: {  	s19 =	sshra.s32 s17, $0x2;
	s17 =	smov.u32 s18;
	v7 =	vld [tilespmem:s16+$0xFFFFFFF0];
	[tilespmem:s15+$0x3060 ss:$0x81] =	vst.msk $0xffff, v2  }
.Ltmp3:
0x46: {  	v4 =	vld [tilespmem:s16+$0x0];
	[tilespmem:s15+$0x0 ss:$0x81] =	vst.msk $0xffff, v0;
	s15 =	sadd.s32 s19, s14;
	(pc) =	sbr.rel @p1 .LBB1_3-.Ltmp3, $4  }
0x47: {  	v3 =	vld [tilespmem:s16+$0x10];
	[tilespmem:s15+$0x3870 ss:$0x81] =	vst.msk $0xffff, v1  }
0x48: {  	[tilespmem:s15+$0x810 ss:$0x81] =	vst.msk $0xffff, v5;
	v2 =	vld [tilespmem:s16+$0x20]  }
0x49: {  	v0 =	vld [tilespmem:s16+$0xFFFFFFC0];
	[tilespmem:s15+$0x1020 ss:$0x81] =	vst.msk $0xffff, v6;
	s16 =	sadd.s32 $0x80, s16  }
0x4a: {  	s18 =	sadd.s32 $0x4, s18;
	v1 =	vld [tilespmem:s16+$0x30];
	[tilespmem:s15+$0x1830 ss:$0x81] =	vst.msk $0xffff, v7  }
.Ltmp4:
0x4b: {  	_ = 	snop;
	(pc) =	sbr.rel .LBB1_4-.Ltmp4, $1  }
0x4c: {  	_ =	sdelay $0x3  }
.LBB1_6:
0x4d: {  	_ =	sfence.sel $0x180000  }
0x4e: {  	s2 =	simm.s32 $0x1;
	[bflag:$0x0] =	sbarrier.arrive $0xFFFF  }
0x4f: {  	s31 =	simm.s32 $0x2;
	[sflag:s2] =	ssyncpa.u1 $0x1  }
0x50: {  	[sflag:s31] =	ssyncpa.u1 $0x1  }
0x51: {  	p0 =	sne.s32 s0, $0x0;
	_ =	strace $0x9000005C  }
0x52: {  	s0 =	sadd.s32 @!p0 $0x100000, s1;
	[bflag:$0x2] =	sbarrier.arrive $0xFFFF  }
0x53: {  	[sflag:s0] =	ssyncadd.tile.s32 @!p0 $0x1;
	_ =	shalt  }
.Lfunc_end1:
_tile_overlayer_lowered:
.L_overlay_start_2:
0x54: {  	(tag) =	ssettag $0x2  }
0x55: {  	s0 =	rddreg [dreg:$0x0];
	s2 =	stileid.u32  }
0x56: {  	s1 =	rddreg [dreg:$0x1];
	p0 =	sne.s32 s2, $0x0  }
0x57: {  	s3 =	rddreg [dreg:$0x2];
	[bflag:$0x3] =	sbarrier.arrive $0xFFFF;
	s2 =	simm.s32 @!p0 $0x1C01  }
0x58: {  	[timem:s3], [sflag:s2] =	dma.local @!p0 [hbm:s0], s1  }
0x59: {  	s0 =	simm.s32 @!p0 $0x1  }
0x5a: {  	_ =	swait.ge @!p0 [sflag:s0], s1  }
0x5b: {  	s1 =	ssub.s32 @!p0 $0x0, s1;
	[sflag:s0] =	ssyncset.done @!p0 $0x0  }
0x5c: {  	[sflag:s0] =	ssyncadd.s32 @!p0 s1  }
0x5d: {  	[bflag:$0x3] =	sbarrier.arrive $0xFFFF  }
0x5e: {  	_ =	shalt  }

</sc_bundles>
